<compile_context>
chip_gen: v7x
topology: tpu7x:2x2x1
jax: 0.10.2.dev20260603
libtpu: 0.0.44.dev20260713+nightly
codegen_flags: <defaults>
</compile_context>

<pallas_src>
import functools

import jax
import jax.numpy as jnp
from jax import lax
from jax.experimental import pallas as pl
from jax.experimental.pallas import tpu as pltpu
from jax.experimental.pallas import tpu_sc as plsc

_TC_CHUNK = 512
_SC_CHUNK = 32
_SC_NBUF = 3


def _tc_body(batch, seq, d, chunk, w_hbm, o_hbm, vmem, in_sems, out_sems):
    n = seq // chunk

    def read(i):
        return pltpu.make_async_copy(
            w_hbm.at[pl.ds(i * chunk, chunk)],
            vmem.at[pl.ds(i * chunk, chunk)], in_sems.at[i])

    def write(i, b):
        return pltpu.make_async_copy(
            vmem.at[pl.ds(i * chunk, chunk)],
            o_hbm.at[b, pl.ds(i * chunk, chunk)], out_sems.at[i])

    for i in range(n):
        read(i).start()
    for i in range(n):
        read(i).wait()
        for b in range(batch):
            write(i, b).start()
    for i in range(n):
        for b in range(batch):
            write(i, b).wait()


def _sc_body(batch, rows_per_w, chunk, nbuf, nc, w_hbm, o_hbm, buf, rsems, wsems):
    wid = lax.axis_index("s") * nc + lax.axis_index("c")
    base = wid * rows_per_w
    n = rows_per_w // chunk

    def read(i):
        return pltpu.make_async_copy(
            w_hbm.at[pl.ds(base + i * chunk, chunk)],
            buf.at[i % nbuf], rsems.at[i % nbuf])

    def write(i, b):
        return pltpu.make_async_copy(
            buf.at[i % nbuf],
            o_hbm.at[b, pl.ds(base + i * chunk, chunk)], wsems.at[i % nbuf])

    for i in range(min(nbuf - 1, n)):
        read(i).start()
    for i in range(n):
        read(i).wait()
        for b in range(batch):
            write(i, b).start()
        j = i + nbuf - 1
        if j < n:
            if j - nbuf >= 0:
                for b in range(batch):
                    write(j - nbuf, b).wait()
            read(j).start()
    for i in range(max(0, n - nbuf), n):
        for b in range(batch):
            write(i, b).wait()


def _tc_copy(pos, n_batch):
    seq, d = pos.shape
    chunk = min(_TC_CHUNK, seq)
    n = seq // chunk
    return pl.pallas_call(
        functools.partial(_tc_body, n_batch, seq, d, chunk),
        in_specs=[pl.BlockSpec(memory_space=pl.ANY)],
        out_specs=pl.BlockSpec(memory_space=pl.ANY),
        out_shape=jax.ShapeDtypeStruct((n_batch, seq, d), pos.dtype),
        scratch_shapes=[
            pltpu.VMEM((seq, d), pos.dtype),
            pltpu.SemaphoreType.DMA((n,)),
            pltpu.SemaphoreType.DMA((n,)),
        ],
    )(pos)


def _sc_copy(pos, n_batch):
    seq, d = pos.shape
    info = plsc.get_sparse_core_info()
    nc, ns = info.num_cores, info.num_subcores
    rows_per_w = seq // (nc * ns)
    chunk = min(_SC_CHUNK, rows_per_w)
    mesh = plsc.VectorSubcoreMesh(core_axis_name="c", subcore_axis_name="s")
    k = functools.partial(
        pl.kernel,
        mesh=mesh,
        out_type=jax.ShapeDtypeStruct((n_batch, seq, d), pos.dtype),
        scratch_types=[
            pltpu.VMEM((_SC_NBUF, chunk, d), pos.dtype),
            pltpu.SemaphoreType.DMA((_SC_NBUF,)),
            pltpu.SemaphoreType.DMA((_SC_NBUF,)),
        ],
    )(functools.partial(_sc_body, n_batch, rows_per_w, chunk, _SC_NBUF, nc))
    return k(pos)


def kernel(tokens, W_pos):
    batch, seq = tokens.shape
    pos = W_pos[:seq]
    n_tc = max(1, batch - 1)
    n_sc = batch - n_tc
    tc_out = _tc_copy(pos, n_tc)
    if n_sc == 0:
        return tc_out
    sc_out = _sc_copy(pos, n_sc)
    return jnp.concatenate([tc_out, sc_out], axis=0)

# --- scband reference (transcript-rebuilt; emitter-appended) ---
"""Pipeline reference for scband-pos-embed-4080218931407 (READ-ONLY COPY).

The authoritative reference and input builder live on the scoring server;
editing this copy changes nothing except your own understanding.
"""

import jax, jax.numpy as jnp
import numpy as np

N_CTX = 8192
D_MODEL = 1024
BATCH = 4
SEQ = 8192

def setup_inputs(seed: int = 0) -> dict:
    key = jax.random.key(seed)
    k_tok, k_w = jax.random.split(key)
    tokens = jax.random.randint(k_tok, (BATCH, SEQ), 0, 50257, dtype=jnp.int64 if jax.config.jax_enable_x64 else jnp.int32)
    W_pos = jax.random.normal(k_w, (N_CTX, D_MODEL), dtype=jnp.float32) * 0.02
    return {"tokens": tokens, "W_pos": W_pos}

def reference(tokens, W_pos):
    batch, seq_len = tokens.shape
    # einops.repeat(W_pos[:seq_len], 'seq d -> batch seq d', batch=batch)
    pos = W_pos[:seq_len]
    return jnp.broadcast_to(pos[None, :, :], (batch, seq_len, pos.shape[-1]))

if __name__ == "__main__":
    import jax
    _d = setup_inputs()
    print(jax.jit(kernel)(*tuple(_d.values())))

</pallas_src>

<mosaic_0001>
#map = affine_map<(d0, d1) -> (0, 0)>
#map1 = affine_map<(d0, d1) -> (0, 0, 0)>
module attributes {stable_mosaic.version = 14 : i64} {
  func.func @_sc_body(%arg0: i32, %arg1: i32, %arg2: memref<8192x1024xf32, #tpu.memory_space<hbm>>, %arg3: memref<1x8192x1024xf32, #tpu.memory_space<hbm>>, %arg4: memref<3x32x1024xf32, #tpu.memory_space<vmem>>, %arg5: memref<3x!tpu.dma_semaphore, #tpu.memory_space<semaphore_mem>>, %arg6: memref<3x!tpu.dma_semaphore, #tpu.memory_space<semaphore_mem>>) attributes {dimension_semantics = [#tpu.dimension_semantics<core_parallel>, #tpu.dimension_semantics<subcore_parallel>], iteration_bounds = array<i64: 2, 16>, scalar_prefetch = 0 : i64, scratch_operands = 3 : i64, tpu.core_type = #tpu.core_type<sc_vector_subcore>, window_params = [{transform_indices = #map}, {transform_indices = #map1}]} {
    %mul3A = arith.constant 2 : i32
    %mul3A_0 = arith.muli %arg1, %mul3A : i32
    %add3A = arith.addi %mul3A_0, %arg0 : i32
    %mul3A_1 = arith.constant 256 : i32
    %mul3A_2 = arith.muli %add3A, %mul3A_1 : i32
    %add3A_3 = arith.constant 0 : i32
    %add3A_4 = arith.addi %mul3A_2, %add3A_3 : i32
    %dma_start3A = arith.constant 0 : i32
    %dma_start3A_5 = arith.constant 0 : i32
    %dma_start3A_6 = arith.constant 0 : i32
    %dma_start3A_7 = arith.constant 0 : i32
    %dma_start3A_8 = tpu.memref_slice %arg4[%dma_start3A, %dma_start3A_6, %dma_start3A_7] : memref<3x32x1024xf32, #tpu.memory_space<vmem>> -> memref<1x32x1024xf32, #tpu.memory_space<vmem>>
    %dma_start3A_9 = tpu.memref_squeeze %dma_start3A_8 : memref<1x32x1024xf32, #tpu.memory_space<vmem>> -> memref<32x1024xf32, #tpu.memory_space<vmem>>
    %dma_start3A_10 = arith.constant 0 : i32
    %dma_start3A_11 = tpu.memref_slice %arg2[%add3A_4, %dma_start3A_10] : memref<8192x1024xf32, #tpu.memory_space<hbm>> -> memref<32x1024xf32, #tpu.memory_space<hbm>>
    %dma_start3A_12 = tpu.memref_slice %arg5[%dma_start3A_5] : memref<3x!tpu.dma_semaphore, #tpu.memory_space<semaphore_mem>> -> memref<1x!tpu.dma_semaphore, #tpu.memory_space<semaphore_mem>>
    %dma_start3A_13 = tpu.memref_squeeze %dma_start3A_12 : memref<1x!tpu.dma_semaphore, #tpu.memory_space<semaphore_mem>> -> memref<!tpu.dma_semaphore, #tpu.memory_space<semaphore_mem>>
    %dma_start3A_14 = arith.constant 0 : i32
    %dma_start3A_15 = arith.constant 0 : i32
    %dma_start3A_16 = tpu.memref_slice %arg4[%dma_start3A, %dma_start3A_14, %dma_start3A_15] : memref<3x32x1024xf32, #tpu.memory_space<vmem>> -> memref<1x32x1024xf32, #tpu.memory_space<vmem>>
    %dma_start3A_17 = tpu.memref_squeeze %dma_start3A_16 : memref<1x32x1024xf32, #tpu.memory_space<vmem>> -> memref<32x1024xf32, #tpu.memory_space<vmem>>
    %dma_start3A_18 = arith.constant 0 : i32
    %dma_start3A_19 = tpu.memref_slice %arg2[%add3A_4, %dma_start3A_18] : memref<8192x1024xf32, #tpu.memory_space<hbm>> -> memref<32x1024xf32, #tpu.memory_space<hbm>>
    tpu.enqueue_dma source(%dma_start3A_19 : memref<32x1024xf32, #tpu.memory_space<hbm>>) target(%dma_start3A_17 : memref<32x1024xf32, #tpu.memory_space<vmem>>) target_semaphore(%dma_start3A_13 : memref<!tpu.dma_semaphore, #tpu.memory_space<semaphore_mem>>)
    %add3A_20 = arith.constant 32 : i32
    %add3A_21 = arith.addi %mul3A_2, %add3A_20 : i32
    %dma_start3A_22 = arith.constant 1 : i32
    %dma_start3A_23 = arith.constant 1 : i32
    %dma_start3A_24 = arith.constant 0 : i32
    %dma_start3A_25 = arith.constant 0 : i32
    %dma_start3A_26 = tpu.memref_slice %arg4[%dma_start3A_22, %dma_start3A_24, %dma_start3A_25] : memref<3x32x1024xf32, #tpu.memory_space<vmem>> -> memref<1x32x1024xf32, #tpu.memory_space<vmem>>
    %dma_start3A_27 = tpu.memref_squeeze %dma_start3A_26 : memref<1x32x1024xf32, #tpu.memory_space<vmem>> -> memref<32x1024xf32, #tpu.memory_space<vmem>>
    %dma_start3A_28 = arith.constant 0 : i32
    %dma_start3A_29 = tpu.memref_slice %arg2[%add3A_21, %dma_start3A_28] : memref<8192x1024xf32, #tpu.memory_space<hbm>> -> memref<32x1024xf32, #tpu.memory_space<hbm>>
    %dma_start3A_30 = tpu.memref_slice %arg5[%dma_start3A_23] : memref<3x!tpu.dma_semaphore, #tpu.memory_space<semaphore_mem>> -> memref<1x!tpu.dma_semaphore, #tpu.memory_space<semaphore_mem>>
    %dma_start3A_31 = tpu.memref_squeeze %dma_start3A_30 : memref<1x!tpu.dma_semaphore, #tpu.memory_space<semaphore_mem>> -> memref<!tpu.dma_semaphore, #tpu.memory_space<semaphore_mem>>
    %dma_start3A_32 = arith.constant 0 : i32
    %dma_start3A_33 = arith.constant 0 : i32
    %dma_start3A_34 = tpu.memref_slice %arg4[%dma_start3A_22, %dma_start3A_32, %dma_start3A_33] : memref<3x32x1024xf32, #tpu.memory_space<vmem>> -> memref<1x32x1024xf32, #tpu.memory_space<vmem>>
    %dma_start3A_35 = tpu.memref_squeeze %dma_start3A_34 : memref<1x32x1024xf32, #tpu.memory_space<vmem>> -> memref<32x1024xf32, #tpu.memory_space<vmem>>
    %dma_start3A_36 = arith.constant 0 : i32
    %dma_start3A_37 = tpu.memref_slice %arg2[%add3A_21, %dma_start3A_36] : memref<8192x1024xf32, #tpu.memory_space<hbm>> -> memref<32x1024xf32, #tpu.memory_space<hbm>>
    tpu.enqueue_dma source(%dma_start3A_37 : memref<32x1024xf32, #tpu.memory_space<hbm>>) target(%dma_start3A_35 : memref<32x1024xf32, #tpu.memory_space<vmem>>) target_semaphore(%dma_start3A_31 : memref<!tpu.dma_semaphore, #tpu.memory_space<semaphore_mem>>)
    %add3A_38 = arith.constant 0 : i32
    %add3A_39 = arith.addi %mul3A_2, %add3A_38 : i32
    %dma_wait3A = arith.constant 0 : i32
    %dma_wait3A_40 = arith.constant 0 : i32
    %dma_wait3A_41 = arith.constant 0 : i32
    %dma_wait3A_42 = arith.constant 0 : i32
    %dma_wait3A_43 = tpu.memref_slice %arg4[%dma_wait3A, %dma_wait3A_41, %dma_wait3A_42] : memref<3x32x1024xf32, #tpu.memory_space<vmem>> -> memref<1x32x1024xf32, #tpu.memory_space<vmem>>
    %dma_wait3A_44 = tpu.memref_squeeze %dma_wait3A_43 : memref<1x32x1024xf32, #tpu.memory_space<vmem>> -> memref<32x1024xf32, #tpu.memory_space<vmem>>
    %dma_wait3A_45 = arith.constant 0 : i32
    %dma_wait3A_46 = tpu.memref_slice %arg2[%add3A_39, %dma_wait3A_45] : memref<8192x1024xf32, #tpu.memory_space<hbm>> -> memref<32x1024xf32, #tpu.memory_space<hbm>>
    %dma_wait3A_47 = tpu.memref_slice %arg5[%dma_wait3A_40] : memref<3x!tpu.dma_semaphore, #tpu.memory_space<semaphore_mem>> -> memref<1x!tpu.dma_semaphore, #tpu.memory_space<semaphore_mem>>
    %dma_wait3A_48 = tpu.memref_squeeze %dma_wait3A_47 : memref<1x!tpu.dma_semaphore, #tpu.memory_space<semaphore_mem>> -> memref<!tpu.dma_semaphore, #tpu.memory_space<semaphore_mem>>
    %dma_wait3A_49 = arith.constant 0 : i32
    %dma_wait3A_50 = arith.constant 0 : i32
    %dma_wait3A_51 = tpu.memref_slice %arg4[%dma_wait3A, %dma_wait3A_49, %dma_wait3A_50] : memref<3x32x1024xf32, #tpu.memory_space<vmem>> -> memref<1x32x1024xf32, #tpu.memory_space<vmem>>
    %dma_wait3A_52 = tpu.memref_squeeze %dma_wait3A_51 : memref<1x32x1024xf32, #tpu.memory_space<vmem>> -> memref<32x1024xf32, #tpu.memory_space<vmem>>
    %dma_wait3A_53 = arith.constant 0 : i32
    %dma_wait3A_54 = tpu.memref_slice %arg2[%add3A_39, %dma_wait3A_53] : memref<8192x1024xf32, #tpu.memory_space<hbm>> -> memref<32x1024xf32, #tpu.memory_space<hbm>>
    tpu.wait_dma2 semaphore(%dma_wait3A_48 : memref<!tpu.dma_semaphore, #tpu.memory_space<semaphore_mem>>) src(%dma_wait3A_54 : memref<32x1024xf32, #tpu.memory_space<hbm>>) dst(%dma_wait3A_52 : memref<32x1024xf32, #tpu.memory_space<vmem>>)
    %add3A_55 = arith.constant 0 : i32
    %add3A_56 = arith.addi %mul3A_2, %add3A_55 : i32
    %dma_start3A_57 = arith.constant 0 : i32
    %dma_start3A_58 = arith.constant 0 : i32
    %dma_start3A_59 = arith.constant 0 : i32
    %dma_start3A_60 = arith.constant 0 : i32
    %dma_start3A_61 = arith.constant 0 : i32
    %dma_start3A_62 = tpu.memref_slice %arg4[%dma_start3A_57, %dma_start3A_60, %dma_start3A_61] : memref<3x32x1024xf32, #tpu.memory_space<vmem>> -> memref<1x32x1024xf32, #tpu.memory_space<vmem>>
    %dma_start3A_63 = tpu.memref_squeeze %dma_start3A_62 : memref<1x32x1024xf32, #tpu.memory_space<vmem>> -> memref<32x1024xf32, #tpu.memory_space<vmem>>
    %dma_start3A_64 = arith.constant 0 : i32
    %dma_start3A_65 = tpu.memref_slice %arg3[%dma_start3A_58, %add3A_56, %dma_start3A_64] : memref<1x8192x1024xf32, #tpu.memory_space<hbm>> -> memref<1x32x1024xf32, #tpu.memory_space<hbm>>
    %dma_start3A_66 = tpu.memref_squeeze %dma_start3A_65 : memref<1x32x1024xf32, #tpu.memory_space<hbm>> -> memref<32x1024xf32, #tpu.memory_space<hbm>>
    %dma_start3A_67 = tpu.memref_slice %arg6[%dma_start3A_59] : memref<3x!tpu.dma_semaphore, #tpu.memory_space<semaphore_mem>> -> memref<1x!tpu.dma_semaphore, #tpu.memory_space<semaphore_mem>>
    %dma_start3A_68 = tpu.memref_squeeze %dma_start3A_67 : memref<1x!tpu.dma_semaphore, #tpu.memory_space<semaphore_mem>> -> memref<!tpu.dma_semaphore, #tpu.memory_space<semaphore_mem>>
    %dma_start3A_69 = arith.constant 0 : i32
    %dma_start3A_70 = tpu.memref_slice %arg3[%dma_start3A_58, %add3A_56, %dma_start3A_69] : memref<1x8192x1024xf32, #tpu.memory_space<hbm>> -> memref<1x32x1024xf32, #tpu.memory_space<hbm>>
    %dma_start3A_71 = tpu.memref_squeeze %dma_start3A_70 : memref<1x32x1024xf32, #tpu.memory_space<hbm>> -> memref<32x1024xf32, #tpu.memory_space<hbm>>
    %dma_start3A_72 = arith.constant 0 : i32
    %dma_start3A_73 = arith.constant 0 : i32
    %dma_start3A_74 = tpu.memref_slice %arg4[%dma_start3A_57, %dma_start3A_72, %dma_start3A_73] : memref<3x32x1024xf32, #tpu.memory_space<vmem>> -> memref<1x32x1024xf32, #tpu.memory_space<vmem>>
    %dma_start3A_75 = tpu.memref_squeeze %dma_start3A_74 : memref<1x32x1024xf32, #tpu.memory_space<vmem>> -> memref<32x1024xf32, #tpu.memory_space<vmem>>
    tpu.enqueue_dma source(%dma_start3A_75 : memref<32x1024xf32, #tpu.memory_space<vmem>>) target(%dma_start3A_71 : memref<32x1024xf32, #tpu.memory_space<hbm>>) target_semaphore(%dma_start3A_68 : memref<!tpu.dma_semaphore, #tpu.memory_space<semaphore_mem>>)
    %add3A_76 = arith.constant 64 : i32
    %add3A_77 = arith.addi %mul3A_2, %add3A_76 : i32
    %dma_start3A_78 = arith.constant 2 : i32
    %dma_start3A_79 = arith.constant 2 : i32
    %dma_start3A_80 = arith.constant 0 : i32
    %dma_start3A_81 = arith.constant 0 : i32
    %dma_start3A_82 = tpu.memref_slice %arg4[%dma_start3A_78, %dma_start3A_80, %dma_start3A_81] : memref<3x32x1024xf32, #tpu.memory_space<vmem>> -> memref<1x32x1024xf32, #tpu.memory_space<vmem>>
    %dma_start3A_83 = tpu.memref_squeeze %dma_start3A_82 : memref<1x32x1024xf32, #tpu.memory_space<vmem>> -> memref<32x1024xf32, #tpu.memory_space<vmem>>
    %dma_start3A_84 = arith.constant 0 : i32
    %dma_start3A_85 = tpu.memref_slice %arg2[%add3A_77, %dma_start3A_84] : memref<8192x1024xf32, #tpu.memory_space<hbm>> -> memref<32x1024xf32, #tpu.memory_space<hbm>>
    %dma_start3A_86 = tpu.memref_slice %arg5[%dma_start3A_79] : memref<3x!tpu.dma_semaphore, #tpu.memory_space<semaphore_mem>> -> memref<1x!tpu.dma_semaphore, #tpu.memory_space<semaphore_mem>>
    %dma_start3A_87 = tpu.memref_squeeze %dma_start3A_86 : memref<1x!tpu.dma_semaphore, #tpu.memory_space<semaphore_mem>> -> memref<!tpu.dma_semaphore, #tpu.memory_space<semaphore_mem>>
    %dma_start3A_88 = arith.constant 0 : i32
    %dma_start3A_89 = arith.constant 0 : i32
    %dma_start3A_90 = tpu.memref_slice %arg4[%dma_start3A_78, %dma_start3A_88, %dma_start3A_89] : memref<3x32x1024xf32, #tpu.memory_space<vmem>> -> memref<1x32x1024xf32, #tpu.memory_space<vmem>>
    %dma_start3A_91 = tpu.memref_squeeze %dma_start3A_90 : memref<1x32x1024xf32, #tpu.memory_space<vmem>> -> memref<32x1024xf32, #tpu.memory_space<vmem>>
    %dma_start3A_92 = arith.constant 0 : i32
    %dma_start3A_93 = tpu.memref_slice %arg2[%add3A_77, %dma_start3A_92] : memref<8192x1024xf32, #tpu.memory_space<hbm>> -> memref<32x1024xf32, #tpu.memory_space<hbm>>
    tpu.enqueue_dma source(%dma_start3A_93 : memref<32x1024xf32, #tpu.memory_space<hbm>>) target(%dma_start3A_91 : memref<32x1024xf32, #tpu.memory_space<vmem>>) target_semaphore(%dma_start3A_87 : memref<!tpu.dma_semaphore, #tpu.memory_space<semaphore_mem>>)
    %add3A_94 = arith.constant 32 : i32
    %add3A_95 = arith.addi %mul3A_2, %add3A_94 : i32
    %dma_wait3A_96 = arith.constant 1 : i32
    %dma_wait3A_97 = arith.constant 1 : i32
    %dma_wait3A_98 = arith.constant 0 : i32
    %dma_wait3A_99 = arith.constant 0 : i32
    %dma_wait3A_100 = tpu.memref_slice %arg4[%dma_wait3A_96, %dma_wait3A_98, %dma_wait3A_99] : memref<3x32x1024xf32, #tpu.memory_space<vmem>> -> memref<1x32x1024xf32, #tpu.memory_space<vmem>>
    %dma_wait3A_101 = tpu.memref_squeeze %dma_wait3A_100 : memref<1x32x1024xf32, #tpu.memory_space<vmem>> -> memref<32x1024xf32, #tpu.memory_space<vmem>>
    %dma_wait3A_102 = arith.constant 0 : i32
    %dma_wait3A_103 = tpu.memref_slice %arg2[%add3A_95, %dma_wait3A_102] : memref<8192x1024xf32, #tpu.memory_space<hbm>> -> memref<32x1024xf32, #tpu.memory_space<hbm>>
    %dma_wait3A_104 = tpu.memref_slice %arg5[%dma_wait3A_97] : memref<3x!tpu.dma_semaphore, #tpu.memory_space<semaphore_mem>> -> memref<1x!tpu.dma_semaphore, #tpu.memory_space<semaphore_mem>>
    %dma_wait3A_105 = tpu.memref_squeeze %dma_wait3A_104 : memref<1x!tpu.dma_semaphore, #tpu.memory_space<semaphore_mem>> -> memref<!tpu.dma_semaphore, #tpu.memory_space<semaphore_mem>>
    %dma_wait3A_106 = arith.constant 0 : i32
    %dma_wait3A_107 = arith.constant 0 : i32
    %dma_wait3A_108 = tpu.memref_slice %arg4[%dma_wait3A_96, %dma_wait3A_106, %dma_wait3A_107] : memref<3x32x1024xf32, #tpu.memory_space<vmem>> -> memref<1x32x1024xf32, #tpu.memory_space<vmem>>
    %dma_wait3A_109 = tpu.memref_squeeze %dma_wait3A_108 : memref<1x32x1024xf32, #tpu.memory_space<vmem>> -> memref<32x1024xf32, #tpu.memory_space<vmem>>
    %dma_wait3A_110 = arith.constant 0 : i32
    %dma_wait3A_111 = tpu.memref_slice %arg2[%add3A_95, %dma_wait3A_110] : memref<8192x1024xf32, #tpu.memory_space<hbm>> -> memref<32x1024xf32, #tpu.memory_space<hbm>>
    tpu.wait_dma2 semaphore(%dma_wait3A_105 : memref<!tpu.dma_semaphore, #tpu.memory_space<semaphore_mem>>) src(%dma_wait3A_111 : memref<32x1024xf32, #tpu.memory_space<hbm>>) dst(%dma_wait3A_109 : memref<32x1024xf32, #tpu.memory_space<vmem>>)
    %add3A_112 = arith.constant 32 : i32
    %add3A_113 = arith.addi %mul3A_2, %add3A_112 : i32
    %dma_start3A_114 = arith.constant 1 : i32
    %dma_start3A_115 = arith.constant 0 : i32
    %dma_start3A_116 = arith.constant 1 : i32
    %dma_start3A_117 = arith.constant 0 : i32
    %dma_start3A_118 = arith.constant 0 : i32
    %dma_start3A_119 = tpu.memref_slice %arg4[%dma_start3A_114, %dma_start3A_117, %dma_start3A_118] : memref<3x32x1024xf32, #tpu.memory_space<vmem>> -> memref<1x32x1024xf32, #tpu.memory_space<vmem>>
    %dma_start3A_120 = tpu.memref_squeeze %dma_start3A_119 : memref<1x32x1024xf32, #tpu.memory_space<vmem>> -> memref<32x1024xf32, #tpu.memory_space<vmem>>
    %dma_start3A_121 = arith.constant 0 : i32
    %dma_start3A_122 = tpu.memref_slice %arg3[%dma_start3A_115, %add3A_113, %dma_start3A_121] : memref<1x8192x1024xf32, #tpu.memory_space<hbm>> -> memref<1x32x1024xf32, #tpu.memory_space<hbm>>
    %dma_start3A_123 = tpu.memref_squeeze %dma_start3A_122 : memref<1x32x1024xf32, #tpu.memory_space<hbm>> -> memref<32x1024xf32, #tpu.memory_space<hbm>>
    %dma_start3A_124 = tpu.memref_slice %arg6[%dma_start3A_116] : memref<3x!tpu.dma_semaphore, #tpu.memory_space<semaphore_mem>> -> memref<1x!tpu.dma_semaphore, #tpu.memory_space<semaphore_mem>>
    %dma_start3A_125 = tpu.memref_squeeze %dma_start3A_124 : memref<1x!tpu.dma_semaphore, #tpu.memory_space<semaphore_mem>> -> memref<!tpu.dma_semaphore, #tpu.memory_space<semaphore_mem>>
    %dma_start3A_126 = arith.constant 0 : i32
    %dma_start3A_127 = tpu.memref_slice %arg3[%dma_start3A_115, %add3A_113, %dma_start3A_126] : memref<1x8192x1024xf32, #tpu.memory_space<hbm>> -> memref<1x32x1024xf32, #tpu.memory_space<hbm>>
    %dma_start3A_128 = tpu.memref_squeeze %dma_start3A_127 : memref<1x32x1024xf32, #tpu.memory_space<hbm>> -> memref<32x1024xf32, #tpu.memory_space<hbm>>
    %dma_start3A_129 = arith.constant 0 : i32
    %dma_start3A_130 = arith.constant 0 : i32
    %dma_start3A_131 = tpu.memref_slice %arg4[%dma_start3A_114, %dma_start3A_129, %dma_start3A_130] : memref<3x32x1024xf32, #tpu.memory_space<vmem>> -> memref<1x32x1024xf32, #tpu.memory_space<vmem>>
    %dma_start3A_132 = tpu.memref_squeeze %dma_start3A_131 : memref<1x32x1024xf32, #tpu.memory_space<vmem>> -> memref<32x1024xf32, #tpu.memory_space<vmem>>
    tpu.enqueue_dma source(%dma_start3A_132 : memref<32x1024xf32, #tpu.memory_space<vmem>>) target(%dma_start3A_128 : memref<32x1024xf32, #tpu.memory_space<hbm>>) target_semaphore(%dma_start3A_125 : memref<!tpu.dma_semaphore, #tpu.memory_space<semaphore_mem>>)
    %add3A_133 = arith.constant 0 : i32
    %add3A_134 = arith.addi %mul3A_2, %add3A_133 : i32
    %dma_wait3A_135 = arith.constant 0 : i32
    %dma_wait3A_136 = arith.constant 0 : i32
    %dma_wait3A_137 = arith.constant 0 : i32
    %dma_wait3A_138 = arith.constant 0 : i32
    %dma_wait3A_139 = arith.constant 0 : i32
    %dma_wait3A_140 = tpu.memref_slice %arg4[%dma_wait3A_135, %dma_wait3A_138, %dma_wait3A_139] : memref<3x32x1024xf32, #tpu.memory_space<vmem>> -> memref<1x32x1024xf32, #tpu.memory_space<vmem>>
    %dma_wait3A_141 = tpu.memref_squeeze %dma_wait3A_140 : memref<1x32x1024xf32, #tpu.memory_space<vmem>> -> memref<32x1024xf32, #tpu.memory_space<vmem>>
    %dma_wait3A_142 = arith.constant 0 : i32
    %dma_wait3A_143 = tpu.memref_slice %arg3[%dma_wait3A_136, %add3A_134, %dma_wait3A_142] : memref<1x8192x1024xf32, #tpu.memory_space<hbm>> -> memref<1x32x1024xf32, #tpu.memory_space<hbm>>
    %dma_wait3A_144 = tpu.memref_squeeze %dma_wait3A_143 : memref<1x32x1024xf32, #tpu.memory_space<hbm>> -> memref<32x1024xf32, #tpu.memory_space<hbm>>
    %dma_wait3A_145 = tpu.memref_slice %arg6[%dma_wait3A_137] : memref<3x!tpu.dma_semaphore, #tpu.memory_space<semaphore_mem>> -> memref<1x!tpu.dma_semaphore, #tpu.memory_space<semaphore_mem>>
    %dma_wait3A_146 = tpu.memref_squeeze %dma_wait3A_145 : memref<1x!tpu.dma_semaphore, #tpu.memory_space<semaphore_mem>> -> memref<!tpu.dma_semaphore, #tpu.memory_space<semaphore_mem>>
    %dma_wait3A_147 = arith.constant 0 : i32
    %dma_wait3A_148 = tpu.memref_slice %arg3[%dma_wait3A_136, %add3A_134, %dma_wait3A_147] : memref<1x8192x1024xf32, #tpu.memory_space<hbm>> -> memref<1x32x1024xf32, #tpu.memory_space<hbm>>
    %dma_wait3A_149 = tpu.memref_squeeze %dma_wait3A_148 : memref<1x32x1024xf32, #tpu.memory_space<hbm>> -> memref<32x1024xf32, #tpu.memory_space<hbm>>
    %dma_wait3A_150 = arith.constant 0 : i32
    %dma_wait3A_151 = arith.constant 0 : i32
    %dma_wait3A_152 = tpu.memref_slice %arg4[%dma_wait3A_135, %dma_wait3A_150, %dma_wait3A_151] : memref<3x32x1024xf32, #tpu.memory_space<vmem>> -> memref<1x32x1024xf32, #tpu.memory_space<vmem>>
    %dma_wait3A_153 = tpu.memref_squeeze %dma_wait3A_152 : memref<1x32x1024xf32, #tpu.memory_space<vmem>> -> memref<32x1024xf32, #tpu.memory_space<vmem>>
    tpu.wait_dma2 semaphore(%dma_wait3A_146 : memref<!tpu.dma_semaphore, #tpu.memory_space<semaphore_mem>>) src(%dma_wait3A_153 : memref<32x1024xf32, #tpu.memory_space<vmem>>) dst(%dma_wait3A_149 : memref<32x1024xf32, #tpu.memory_space<hbm>>)
    %add3A_154 = arith.constant 96 : i32
    %add3A_155 = arith.addi %mul3A_2, %add3A_154 : i32
    %dma_start3A_156 = arith.constant 0 : i32
    %dma_start3A_157 = arith.constant 0 : i32
    %dma_start3A_158 = arith.constant 0 : i32
    %dma_start3A_159 = arith.constant 0 : i32
    %dma_start3A_160 = tpu.memref_slice %arg4[%dma_start3A_156, %dma_start3A_158, %dma_start3A_159] : memref<3x32x1024xf32, #tpu.memory_space<vmem>> -> memref<1x32x1024xf32, #tpu.memory_space<vmem>>
    %dma_start3A_161 = tpu.memref_squeeze %dma_start3A_160 : memref<1x32x1024xf32, #tpu.memory_space<vmem>> -> memref<32x1024xf32, #tpu.memory_space<vmem>>
    %dma_start3A_162 = arith.constant 0 : i32
    %dma_start3A_163 = tpu.memref_slice %arg2[%add3A_155, %dma_start3A_162] : memref<8192x1024xf32, #tpu.memory_space<hbm>> -> memref<32x1024xf32, #tpu.memory_space<hbm>>
    %dma_start3A_164 = tpu.memref_slice %arg5[%dma_start3A_157] : memref<3x!tpu.dma_semaphore, #tpu.memory_space<semaphore_mem>> -> memref<1x!tpu.dma_semaphore, #tpu.memory_space<semaphore_mem>>
    %dma_start3A_165 = tpu.memref_squeeze %dma_start3A_164 : memref<1x!tpu.dma_semaphore, #tpu.memory_space<semaphore_mem>> -> memref<!tpu.dma_semaphore, #tpu.memory_space<semaphore_mem>>
    %dma_start3A_166 = arith.constant 0 : i32
    %dma_start3A_167 = arith.constant 0 : i32
    %dma_start3A_168 = tpu.memref_slice %arg4[%dma_start3A_156, %dma_start3A_166, %dma_start3A_167] : memref<3x32x1024xf32, #tpu.memory_space<vmem>> -> memref<1x32x1024xf32, #tpu.memory_space<vmem>>
    %dma_start3A_169 = tpu.memref_squeeze %dma_start3A_168 : memref<1x32x1024xf32, #tpu.memory_space<vmem>> -> memref<32x1024xf32, #tpu.memory_space<vmem>>
    %dma_start3A_170 = arith.constant 0 : i32
    %dma_start3A_171 = tpu.memref_slice %arg2[%add3A_155, %dma_start3A_170] : memref<8192x1024xf32, #tpu.memory_space<hbm>> -> memref<32x1024xf32, #tpu.memory_space<hbm>>
    tpu.enqueue_dma source(%dma_start3A_171 : memref<32x1024xf32, #tpu.memory_space<hbm>>) target(%dma_start3A_169 : memref<32x1024xf32, #tpu.memory_space<vmem>>) target_semaphore(%dma_start3A_165 : memref<!tpu.dma_semaphore, #tpu.memory_space<semaphore_mem>>)
    %add3A_172 = arith.constant 64 : i32
    %add3A_173 = arith.addi %mul3A_2, %add3A_172 : i32
    %dma_wait3A_174 = arith.constant 2 : i32
    %dma_wait3A_175 = arith.constant 2 : i32
    %dma_wait3A_176 = arith.constant 0 : i32
    %dma_wait3A_177 = arith.constant 0 : i32
    %dma_wait3A_178 = tpu.memref_slice %arg4[%dma_wait3A_174, %dma_wait3A_176, %dma_wait3A_177] : memref<3x32x1024xf32, #tpu.memory_space<vmem>> -> memref<1x32x1024xf32, #tpu.memory_space<vmem>>
    %dma_wait3A_179 = tpu.memref_squeeze %dma_wait3A_178 : memref<1x32x1024xf32, #tpu.memory_space<vmem>> -> memref<32x1024xf32, #tpu.memory_space<vmem>>
    %dma_wait3A_180 = arith.constant 0 : i32
    %dma_wait3A_181 = tpu.memref_slice %arg2[%add3A_173, %dma_wait3A_180] : memref<8192x1024xf32, #tpu.memory_space<hbm>> -> memref<32x1024xf32, #tpu.memory_space<hbm>>
    %dma_wait3A_182 = tpu.memref_slice %arg5[%dma_wait3A_175] : memref<3x!tpu.dma_semaphore, #tpu.memory_space<semaphore_mem>> -> memref<1x!tpu.dma_semaphore, #tpu.memory_space<semaphore_mem>>
    %dma_wait3A_183 = tpu.memref_squeeze %dma_wait3A_182 : memref<1x!tpu.dma_semaphore, #tpu.memory_space<semaphore_mem>> -> memref<!tpu.dma_semaphore, #tpu.memory_space<semaphore_mem>>
    %dma_wait3A_184 = arith.constant 0 : i32
    %dma_wait3A_185 = arith.constant 0 : i32
    %dma_wait3A_186 = tpu.memref_slice %arg4[%dma_wait3A_174, %dma_wait3A_184, %dma_wait3A_185] : memref<3x32x1024xf32, #tpu.memory_space<vmem>> -> memref<1x32x1024xf32, #tpu.memory_space<vmem>>
    %dma_wait3A_187 = tpu.memref_squeeze %dma_wait3A_186 : memref<1x32x1024xf32, #tpu.memory_space<vmem>> -> memref<32x1024xf32, #tpu.memory_space<vmem>>
    %dma_wait3A_188 = arith.constant 0 : i32
    %dma_wait3A_189 = tpu.memref_slice %arg2[%add3A_173, %dma_wait3A_188] : memref<8192x1024xf32, #tpu.memory_space<hbm>> -> memref<32x1024xf32, #tpu.memory_space<hbm>>
    tpu.wait_dma2 semaphore(%dma_wait3A_183 : memref<!tpu.dma_semaphore, #tpu.memory_space<semaphore_mem>>) src(%dma_wait3A_189 : memref<32x1024xf32, #tpu.memory_space<hbm>>) dst(%dma_wait3A_187 : memref<32x1024xf32, #tpu.memory_space<vmem>>)
    %add3A_190 = arith.constant 64 : i32
    %add3A_191 = arith.addi %mul3A_2, %add3A_190 : i32
    %dma_start3A_192 = arith.constant 2 : i32
    %dma_start3A_193 = arith.constant 0 : i32
    %dma_start3A_194 = arith.constant 2 : i32
    %dma_start3A_195 = arith.constant 0 : i32
    %dma_start3A_196 = arith.constant 0 : i32
    %dma_start3A_197 = tpu.memref_slice %arg4[%dma_start3A_192, %dma_start3A_195, %dma_start3A_196] : memref<3x32x1024xf32, #tpu.memory_space<vmem>> -> memref<1x32x1024xf32, #tpu.memory_space<vmem>>
    %dma_start3A_198 = tpu.memref_squeeze %dma_start3A_197 : memref<1x32x1024xf32, #tpu.memory_space<vmem>> -> memref<32x1024xf32, #tpu.memory_space<vmem>>
    %dma_start3A_199 = arith.constant 0 : i32
    %dma_start3A_200 = tpu.memref_slice %arg3[%dma_start3A_193, %add3A_191, %dma_start3A_199] : memref<1x8192x1024xf32, #tpu.memory_space<hbm>> -> memref<1x32x1024xf32, #tpu.memory_space<hbm>>
    %dma_start3A_201 = tpu.memref_squeeze %dma_start3A_200 : memref<1x32x1024xf32, #tpu.memory_space<hbm>> -> memref<32x1024xf32, #tpu.memory_space<hbm>>
    %dma_start3A_202 = tpu.memref_slice %arg6[%dma_start3A_194] : memref<3x!tpu.dma_semaphore, #tpu.memory_space<semaphore_mem>> -> memref<1x!tpu.dma_semaphore, #tpu.memory_space<semaphore_mem>>
    %dma_start3A_203 = tpu.memref_squeeze %dma_start3A_202 : memref<1x!tpu.dma_semaphore, #tpu.memory_space<semaphore_mem>> -> memref<!tpu.dma_semaphore, #tpu.memory_space<semaphore_mem>>
    %dma_start3A_204 = arith.constant 0 : i32
    %dma_start3A_205 = tpu.memref_slice %arg3[%dma_start3A_193, %add3A_191, %dma_start3A_204] : memref<1x8192x1024xf32, #tpu.memory_space<hbm>> -> memref<1x32x1024xf32, #tpu.memory_space<hbm>>
    %dma_start3A_206 = tpu.memref_squeeze %dma_start3A_205 : memref<1x32x1024xf32, #tpu.memory_space<hbm>> -> memref<32x1024xf32, #tpu.memory_space<hbm>>
    %dma_start3A_207 = arith.constant 0 : i32
    %dma_start3A_208 = arith.constant 0 : i32
    %dma_start3A_209 = tpu.memref_slice %arg4[%dma_start3A_192, %dma_start3A_207, %dma_start3A_208] : memref<3x32x1024xf32, #tpu.memory_space<vmem>> -> memref<1x32x1024xf32, #tpu.memory_space<vmem>>
    %dma_start3A_210 = tpu.memref_squeeze %dma_start3A_209 : memref<1x32x1024xf32, #tpu.memory_space<vmem>> -> memref<32x1024xf32, #tpu.memory_space<vmem>>
    tpu.enqueue_dma source(%dma_start3A_210 : memref<32x1024xf32, #tpu.memory_space<vmem>>) target(%dma_start3A_206 : memref<32x1024xf32, #tpu.memory_space<hbm>>) target_semaphore(%dma_start3A_203 : memref<!tpu.dma_semaphore, #tpu.memory_space<semaphore_mem>>)
    %add3A_211 = arith.constant 32 : i32
    %add3A_212 = arith.addi %mul3A_2, %add3A_211 : i32
    %dma_wait3A_213 = arith.constant 1 : i32
    %dma_wait3A_214 = arith.constant 0 : i32
    %dma_wait3A_215 = arith.constant 1 : i32
    %dma_wait3A_216 = arith.constant 0 : i32
    %dma_wait3A_217 = arith.constant 0 : i32
    %dma_wait3A_218 = tpu.memref_slice %arg4[%dma_wait3A_213, %dma_wait3A_216, %dma_wait3A_217] : memref<3x32x1024xf32, #tpu.memory_space<vmem>> -> memref<1x32x1024xf32, #tpu.memory_space<vmem>>
    %dma_wait3A_219 = tpu.memref_squeeze %dma_wait3A_218 : memref<1x32x1024xf32, #tpu.memory_space<vmem>> -> memref<32x1024xf32, #tpu.memory_space<vmem>>
    %dma_wait3A_220 = arith.constant 0 : i32
    %dma_wait3A_221 = tpu.memref_slice %arg3[%dma_wait3A_214, %add3A_212, %dma_wait3A_220] : memref<1x8192x1024xf32, #tpu.memory_space<hbm>> -> memref<1x32x1024xf32, #tpu.memory_space<hbm>>
    %dma_wait3A_222 = tpu.memref_squeeze %dma_wait3A_221 : memref<1x32x1024xf32, #tpu.memory_space<hbm>> -> memref<32x1024xf32, #tpu.memory_space<hbm>>
    %dma_wait3A_223 = tpu.memref_slice %arg6[%dma_wait3A_215] : memref<3x!tpu.dma_semaphore, #tpu.memory_space<semaphore_mem>> -> memref<1x!tpu.dma_semaphore, #tpu.memory_space<semaphore_mem>>
    %dma_wait3A_224 = tpu.memref_squeeze %dma_wait3A_223 : memref<1x!tpu.dma_semaphore, #tpu.memory_space<semaphore_mem>> -> memref<!tpu.dma_semaphore, #tpu.memory_space<semaphore_mem>>
    %dma_wait3A_225 = arith.constant 0 : i32
    %dma_wait3A_226 = tpu.memref_slice %arg3[%dma_wait3A_214, %add3A_212, %dma_wait3A_225] : memref<1x8192x1024xf32, #tpu.memory_space<hbm>> -> memref<1x32x1024xf32, #tpu.memory_space<hbm>>
    %dma_wait3A_227 = tpu.memref_squeeze %dma_wait3A_226 : memref<1x32x1024xf32, #tpu.memory_space<hbm>> -> memref<32x1024xf32, #tpu.memory_space<hbm>>
    %dma_wait3A_228 = arith.constant 0 : i32
    %dma_wait3A_229 = arith.constant 0 : i32
    %dma_wait3A_230 = tpu.memref_slice %arg4[%dma_wait3A_213, %dma_wait3A_228, %dma_wait3A_229] : memref<3x32x1024xf32, #tpu.memory_space<vmem>> -> memref<1x32x1024xf32, #tpu.memory_space<vmem>>
    %dma_wait3A_231 = tpu.memref_squeeze %dma_wait3A_230 : memref<1x32x1024xf32, #tpu.memory_space<vmem>> -> memref<32x1024xf32, #tpu.memory_space<vmem>>
    tpu.wait_dma2 semaphore(%dma_wait3A_224 : memref<!tpu.dma_semaphore, #tpu.memory_space<semaphore_mem>>) src(%dma_wait3A_231 : memref<32x1024xf32, #tpu.memory_space<vmem>>) dst(%dma_wait3A_227 : memref<32x1024xf32, #tpu.memory_space<hbm>>)
    %add3A_232 = arith.constant 128 : i32
    %add3A_233 = arith.addi %mul3A_2, %add3A_232 : i32
    %dma_start3A_234 = arith.constant 1 : i32
    %dma_start3A_235 = arith.constant 1 : i32
    %dma_start3A_236 = arith.constant 0 : i32
    %dma_start3A_237 = arith.constant 0 : i32
    %dma_start3A_238 = tpu.memref_slice %arg4[%dma_start3A_234, %dma_start3A_236, %dma_start3A_237] : memref<3x32x1024xf32, #tpu.memory_space<vmem>> -> memref<1x32x1024xf32, #tpu.memory_space<vmem>>
    %dma_start3A_239 = tpu.memref_squeeze %dma_start3A_238 : memref<1x32x1024xf32, #tpu.memory_space<vmem>> -> memref<32x1024xf32, #tpu.memory_space<vmem>>
    %dma_start3A_240 = arith.constant 0 : i32
    %dma_start3A_241 = tpu.memref_slice %arg2[%add3A_233, %dma_start3A_240] : memref<8192x1024xf32, #tpu.memory_space<hbm>> -> memref<32x1024xf32, #tpu.memory_space<hbm>>
    %dma_start3A_242 = tpu.memref_slice %arg5[%dma_start3A_235] : memref<3x!tpu.dma_semaphore, #tpu.memory_space<semaphore_mem>> -> memref<1x!tpu.dma_semaphore, #tpu.memory_space<semaphore_mem>>
    %dma_start3A_243 = tpu.memref_squeeze %dma_start3A_242 : memref<1x!tpu.dma_semaphore, #tpu.memory_space<semaphore_mem>> -> memref<!tpu.dma_semaphore, #tpu.memory_space<semaphore_mem>>
    %dma_start3A_244 = arith.constant 0 : i32
    %dma_start3A_245 = arith.constant 0 : i32
    %dma_start3A_246 = tpu.memref_slice %arg4[%dma_start3A_234, %dma_start3A_244, %dma_start3A_245] : memref<3x32x1024xf32, #tpu.memory_space<vmem>> -> memref<1x32x1024xf32, #tpu.memory_space<vmem>>
    %dma_start3A_247 = tpu.memref_squeeze %dma_start3A_246 : memref<1x32x1024xf32, #tpu.memory_space<vmem>> -> memref<32x1024xf32, #tpu.memory_space<vmem>>
    %dma_start3A_248 = arith.constant 0 : i32
    %dma_start3A_249 = tpu.memref_slice %arg2[%add3A_233, %dma_start3A_248] : memref<8192x1024xf32, #tpu.memory_space<hbm>> -> memref<32x1024xf32, #tpu.memory_space<hbm>>
    tpu.enqueue_dma source(%dma_start3A_249 : memref<32x1024xf32, #tpu.memory_space<hbm>>) target(%dma_start3A_247 : memref<32x1024xf32, #tpu.memory_space<vmem>>) target_semaphore(%dma_start3A_243 : memref<!tpu.dma_semaphore, #tpu.memory_space<semaphore_mem>>)
    %add3A_250 = arith.constant 96 : i32
    %add3A_251 = arith.addi %mul3A_2, %add3A_250 : i32
    %dma_wait3A_252 = arith.constant 0 : i32
    %dma_wait3A_253 = arith.constant 0 : i32
    %dma_wait3A_254 = arith.constant 0 : i32
    %dma_wait3A_255 = arith.constant 0 : i32
    %dma_wait3A_256 = tpu.memref_slice %arg4[%dma_wait3A_252, %dma_wait3A_254, %dma_wait3A_255] : memref<3x32x1024xf32, #tpu.memory_space<vmem>> -> memref<1x32x1024xf32, #tpu.memory_space<vmem>>
    %dma_wait3A_257 = tpu.memref_squeeze %dma_wait3A_256 : memref<1x32x1024xf32, #tpu.memory_space<vmem>> -> memref<32x1024xf32, #tpu.memory_space<vmem>>
    %dma_wait3A_258 = arith.constant 0 : i32
    %dma_wait3A_259 = tpu.memref_slice %arg2[%add3A_251, %dma_wait3A_258] : memref<8192x1024xf32, #tpu.memory_space<hbm>> -> memref<32x1024xf32, #tpu.memory_space<hbm>>
    %dma_wait3A_260 = tpu.memref_slice %arg5[%dma_wait3A_253] : memref<3x!tpu.dma_semaphore, #tpu.memory_space<semaphore_mem>> -> memref<1x!tpu.dma_semaphore, #tpu.memory_space<semaphore_mem>>
    %dma_wait3A_261 = tpu.memref_squeeze %dma_wait3A_260 : memref<1x!tpu.dma_semaphore, #tpu.memory_space<semaphore_mem>> -> memref<!tpu.dma_semaphore, #tpu.memory_space<semaphore_mem>>
    %dma_wait3A_262 = arith.constant 0 : i32
    %dma_wait3A_263 = arith.constant 0 : i32
    %dma_wait3A_264 = tpu.memref_slice %arg4[%dma_wait3A_252, %dma_wait3A_262, %dma_wait3A_263] : memref<3x32x1024xf32, #tpu.memory_space<vmem>> -> memref<1x32x1024xf32, #tpu.memory_space<vmem>>
    %dma_wait3A_265 = tpu.memref_squeeze %dma_wait3A_264 : memref<1x32x1024xf32, #tpu.memory_space<vmem>> -> memref<32x1024xf32, #tpu.memory_space<vmem>>
    %dma_wait3A_266 = arith.constant 0 : i32
    %dma_wait3A_267 = tpu.memref_slice %arg2[%add3A_251, %dma_wait3A_266] : memref<8192x1024xf32, #tpu.memory_space<hbm>> -> memref<32x1024xf32, #tpu.memory_space<hbm>>
    tpu.wait_dma2 semaphore(%dma_wait3A_261 : memref<!tpu.dma_semaphore, #tpu.memory_space<semaphore_mem>>) src(%dma_wait3A_267 : memref<32x1024xf32, #tpu.memory_space<hbm>>) dst(%dma_wait3A_265 : memref<32x1024xf32, #tpu.memory_space<vmem>>)
    %add3A_268 = arith.constant 96 : i32
    %add3A_269 = arith.addi %mul3A_2, %add3A_268 : i32
    %dma_start3A_270 = arith.constant 0 : i32
    %dma_start3A_271 = arith.constant 0 : i32
    %dma_start3A_272 = arith.constant 0 : i32
    %dma_start3A_273 = arith.constant 0 : i32
    %dma_start3A_274 = arith.constant 0 : i32
    %dma_start3A_275 = tpu.memref_slice %arg4[%dma_start3A_270, %dma_start3A_273, %dma_start3A_274] : memref<3x32x1024xf32, #tpu.memory_space<vmem>> -> memref<1x32x1024xf32, #tpu.memory_space<vmem>>
    %dma_start3A_276 = tpu.memref_squeeze %dma_start3A_275 : memref<1x32x1024xf32, #tpu.memory_space<vmem>> -> memref<32x1024xf32, #tpu.memory_space<vmem>>
    %dma_start3A_277 = arith.constant 0 : i32
    %dma_start3A_278 = tpu.memref_slice %arg3[%dma_start3A_271, %add3A_269, %dma_start3A_277] : memref<1x8192x1024xf32, #tpu.memory_space<hbm>> -> memref<1x32x1024xf32, #tpu.memory_space<hbm>>
    %dma_start3A_279 = tpu.memref_squeeze %dma_start3A_278 : memref<1x32x1024xf32, #tpu.memory_space<hbm>> -> memref<32x1024xf32, #tpu.memory_space<hbm>>
    %dma_start3A_280 = tpu.memref_slice %arg6[%dma_start3A_272] : memref<3x!tpu.dma_semaphore, #tpu.memory_space<semaphore_mem>> -> memref<1x!tpu.dma_semaphore, #tpu.memory_space<semaphore_mem>>
    %dma_start3A_281 = tpu.memref_squeeze %dma_start3A_280 : memref<1x!tpu.dma_semaphore, #tpu.memory_space<semaphore_mem>> -> memref<!tpu.dma_semaphore, #tpu.memory_space<semaphore_mem>>
    %dma_start3A_282 = arith.constant 0 : i32
    %dma_start3A_283 = tpu.memref_slice %arg3[%dma_start3A_271, %add3A_269, %dma_start3A_282] : memref<1x8192x1024xf32, #tpu.memory_space<hbm>> -> memref<1x32x1024xf32, #tpu.memory_space<hbm>>
    %dma_start3A_284 = tpu.memref_squeeze %dma_start3A_283 : memref<1x32x1024xf32, #tpu.memory_space<hbm>> -> memref<32x1024xf32, #tpu.memory_space<hbm>>
    %dma_start3A_285 = arith.constant 0 : i32
    %dma_start3A_286 = arith.constant 0 : i32
    %dma_start3A_287 = tpu.memref_slice %arg4[%dma_start3A_270, %dma_start3A_285, %dma_start3A_286] : memref<3x32x1024xf32, #tpu.memory_space<vmem>> -> memref<1x32x1024xf32, #tpu.memory_space<vmem>>
    %dma_start3A_288 = tpu.memref_squeeze %dma_start3A_287 : memref<1x32x1024xf32, #tpu.memory_space<vmem>> -> memref<32x1024xf32, #tpu.memory_space<vmem>>
    tpu.enqueue_dma source(%dma_start3A_288 : memref<32x1024xf32, #tpu.memory_space<vmem>>) target(%dma_start3A_284 : memref<32x1024xf32, #tpu.memory_space<hbm>>) target_semaphore(%dma_start3A_281 : memref<!tpu.dma_semaphore, #tpu.memory_space<semaphore_mem>>)
    %add3A_289 = arith.constant 64 : i32
    %add3A_290 = arith.addi %mul3A_2, %add3A_289 : i32
    %dma_wait3A_291 = arith.constant 2 : i32
    %dma_wait3A_292 = arith.constant 0 : i32
    %dma_wait3A_293 = arith.constant 2 : i32
    %dma_wait3A_294 = arith.constant 0 : i32
    %dma_wait3A_295 = arith.constant 0 : i32
    %dma_wait3A_296 = tpu.memref_slice %arg4[%dma_wait3A_291, %dma_wait3A_294, %dma_wait3A_295] : memref<3x32x1024xf32, #tpu.memory_space<vmem>> -> memref<1x32x1024xf32, #tpu.memory_space<vmem>>
    %dma_wait3A_297 = tpu.memref_squeeze %dma_wait3A_296 : memref<1x32x1024xf32, #tpu.memory_space<vmem>> -> memref<32x1024xf32, #tpu.memory_space<vmem>>
    %dma_wait3A_298 = arith.constant 0 : i32
    %dma_wait3A_299 = tpu.memref_slice %arg3[%dma_wait3A_292, %add3A_290, %dma_wait3A_298] : memref<1x8192x1024xf32, #tpu.memory_space<hbm>> -> memref<1x32x1024xf32, #tpu.memory_space<hbm>>
    %dma_wait3A_300 = tpu.memref_squeeze %dma_wait3A_299 : memref<1x32x1024xf32, #tpu.memory_space<hbm>> -> memref<32x1024xf32, #tpu.memory_space<hbm>>
    %dma_wait3A_301 = tpu.memref_slice %arg6[%dma_wait3A_293] : memref<3x!tpu.dma_semaphore, #tpu.memory_space<semaphore_mem>> -> memref<1x!tpu.dma_semaphore, #tpu.memory_space<semaphore_mem>>
    %dma_wait3A_302 = tpu.memref_squeeze %dma_wait3A_301 : memref<1x!tpu.dma_semaphore, #tpu.memory_space<semaphore_mem>> -> memref<!tpu.dma_semaphore, #tpu.memory_space<semaphore_mem>>
    %dma_wait3A_303 = arith.constant 0 : i32
    %dma_wait3A_304 = tpu.memref_slice %arg3[%dma_wait3A_292, %add3A_290, %dma_wait3A_303] : memref<1x8192x1024xf32, #tpu.memory_space<hbm>> -> memref<1x32x1024xf32, #tpu.memory_space<hbm>>
    %dma_wait3A_305 = tpu.memref_squeeze %dma_wait3A_304 : memref<1x32x1024xf32, #tpu.memory_space<hbm>> -> memref<32x1024xf32, #tpu.memory_space<hbm>>
    %dma_wait3A_306 = arith.constant 0 : i32
    %dma_wait3A_307 = arith.constant 0 : i32
    %dma_wait3A_308 = tpu.memref_slice %arg4[%dma_wait3A_291, %dma_wait3A_306, %dma_wait3A_307] : memref<3x32x1024xf32, #tpu.memory_space<vmem>> -> memref<1x32x1024xf32, #tpu.memory_space<vmem>>
    %dma_wait3A_309 = tpu.memref_squeeze %dma_wait3A_308 : memref<1x32x1024xf32, #tpu.memory_space<vmem>> -> memref<32x1024xf32, #tpu.memory_space<vmem>>
    tpu.wait_dma2 semaphore(%dma_wait3A_302 : memref<!tpu.dma_semaphore, #tpu.memory_space<semaphore_mem>>) src(%dma_wait3A_309 : memref<32x1024xf32, #tpu.memory_space<vmem>>) dst(%dma_wait3A_305 : memref<32x1024xf32, #tpu.memory_space<hbm>>)
    %add3A_310 = arith.constant 160 : i32
    %add3A_311 = arith.addi %mul3A_2, %add3A_310 : i32
    %dma_start3A_312 = arith.constant 2 : i32
    %dma_start3A_313 = arith.constant 2 : i32
    %dma_start3A_314 = arith.constant 0 : i32
    %dma_start3A_315 = arith.constant 0 : i32
    %dma_start3A_316 = tpu.memref_slice %arg4[%dma_start3A_312, %dma_start3A_314, %dma_start3A_315] : memref<3x32x1024xf32, #tpu.memory_space<vmem>> -> memref<1x32x1024xf32, #tpu.memory_space<vmem>>
    %dma_start3A_317 = tpu.memref_squeeze %dma_start3A_316 : memref<1x32x1024xf32, #tpu.memory_space<vmem>> -> memref<32x1024xf32, #tpu.memory_space<vmem>>
    %dma_start3A_318 = arith.constant 0 : i32
    %dma_start3A_319 = tpu.memref_slice %arg2[%add3A_311, %dma_start3A_318] : memref<8192x1024xf32, #tpu.memory_space<hbm>> -> memref<32x1024xf32, #tpu.memory_space<hbm>>
    %dma_start3A_320 = tpu.memref_slice %arg5[%dma_start3A_313] : memref<3x!tpu.dma_semaphore, #tpu.memory_space<semaphore_mem>> -> memref<1x!tpu.dma_semaphore, #tpu.memory_space<semaphore_mem>>
    %dma_start3A_321 = tpu.memref_squeeze %dma_start3A_320 : memref<1x!tpu.dma_semaphore, #tpu.memory_space<semaphore_mem>> -> memref<!tpu.dma_semaphore, #tpu.memory_space<semaphore_mem>>
    %dma_start3A_322 = arith.constant 0 : i32
    %dma_start3A_323 = arith.constant 0 : i32
    %dma_start3A_324 = tpu.memref_slice %arg4[%dma_start3A_312, %dma_start3A_322, %dma_start3A_323] : memref<3x32x1024xf32, #tpu.memory_space<vmem>> -> memref<1x32x1024xf32, #tpu.memory_space<vmem>>
    %dma_start3A_325 = tpu.memref_squeeze %dma_start3A_324 : memref<1x32x1024xf32, #tpu.memory_space<vmem>> -> memref<32x1024xf32, #tpu.memory_space<vmem>>
    %dma_start3A_326 = arith.constant 0 : i32
    %dma_start3A_327 = tpu.memref_slice %arg2[%add3A_311, %dma_start3A_326] : memref<8192x1024xf32, #tpu.memory_space<hbm>> -> memref<32x1024xf32, #tpu.memory_space<hbm>>
    tpu.enqueue_dma source(%dma_start3A_327 : memref<32x1024xf32, #tpu.memory_space<hbm>>) target(%dma_start3A_325 : memref<32x1024xf32, #tpu.memory_space<vmem>>) target_semaphore(%dma_start3A_321 : memref<!tpu.dma_semaphore, #tpu.memory_space<semaphore_mem>>)
    %add3A_328 = arith.constant 128 : i32
    %add3A_329 = arith.addi %mul3A_2, %add3A_328 : i32
    %dma_wait3A_330 = arith.constant 1 : i32
    %dma_wait3A_331 = arith.constant 1 : i32
    %dma_wait3A_332 = arith.constant 0 : i32
    %dma_wait3A_333 = arith.constant 0 : i32
    %dma_wait3A_334 = tpu.memref_slice %arg4[%dma_wait3A_330, %dma_wait3A_332, %dma_wait3A_333] : memref<3x32x1024xf32, #tpu.memory_space<vmem>> -> memref<1x32x1024xf32, #tpu.memory_space<vmem>>
    %dma_wait3A_335 = tpu.memref_squeeze %dma_wait3A_334 : memref<1x32x1024xf32, #tpu.memory_space<vmem>> -> memref<32x1024xf32, #tpu.memory_space<vmem>>
    %dma_wait3A_336 = arith.constant 0 : i32
    %dma_wait3A_337 = tpu.memref_slice %arg2[%add3A_329, %dma_wait3A_336] : memref<8192x1024xf32, #tpu.memory_space<hbm>> -> memref<32x1024xf32, #tpu.memory_space<hbm>>
    %dma_wait3A_338 = tpu.memref_slice %arg5[%dma_wait3A_331] : memref<3x!tpu.dma_semaphore, #tpu.memory_space<semaphore_mem>> -> memref<1x!tpu.dma_semaphore, #tpu.memory_space<semaphore_mem>>
    %dma_wait3A_339 = tpu.memref_squeeze %dma_wait3A_338 : memref<1x!tpu.dma_semaphore, #tpu.memory_space<semaphore_mem>> -> memref<!tpu.dma_semaphore, #tpu.memory_space<semaphore_mem>>
    %dma_wait3A_340 = arith.constant 0 : i32
    %dma_wait3A_341 = arith.constant 0 : i32
    %dma_wait3A_342 = tpu.memref_slice %arg4[%dma_wait3A_330, %dma_wait3A_340, %dma_wait3A_341] : memref<3x32x1024xf32, #tpu.memory_space<vmem>> -> memref<1x32x1024xf32, #tpu.memory_space<vmem>>
    %dma_wait3A_343 = tpu.memref_squeeze %dma_wait3A_342 : memref<1x32x1024xf32, #tpu.memory_space<vmem>> -> memref<32x1024xf32, #tpu.memory_space<vmem>>
    %dma_wait3A_344 = arith.constant 0 : i32
    %dma_wait3A_345 = tpu.memref_slice %arg2[%add3A_329, %dma_wait3A_344] : memref<8192x1024xf32, #tpu.memory_space<hbm>> -> memref<32x1024xf32, #tpu.memory_space<hbm>>
    tpu.wait_dma2 semaphore(%dma_wait3A_339 : memref<!tpu.dma_semaphore, #tpu.memory_space<semaphore_mem>>) src(%dma_wait3A_345 : memref<32x1024xf32, #tpu.memory_space<hbm>>) dst(%dma_wait3A_343 : memref<32x1024xf32, #tpu.memory_space<vmem>>)
    %add3A_346 = arith.constant 128 : i32
    %add3A_347 = arith.addi %mul3A_2, %add3A_346 : i32
    %dma_start3A_348 = arith.constant 1 : i32
    %dma_start3A_349 = arith.constant 0 : i32
    %dma_start3A_350 = arith.constant 1 : i32
    %dma_start3A_351 = arith.constant 0 : i32
    %dma_start3A_352 = arith.constant 0 : i32
    %dma_start3A_353 = tpu.memref_slice %arg4[%dma_start3A_348, %dma_start3A_351, %dma_start3A_352] : memref<3x32x1024xf32, #tpu.memory_space<vmem>> -> memref<1x32x1024xf32, #tpu.memory_space<vmem>>
    %dma_start3A_354 = tpu.memref_squeeze %dma_start3A_353 : memref<1x32x1024xf32, #tpu.memory_space<vmem>> -> memref<32x1024xf32, #tpu.memory_space<vmem>>
    %dma_start3A_355 = arith.constant 0 : i32
    %dma_start3A_356 = tpu.memref_slice %arg3[%dma_start3A_349, %add3A_347, %dma_start3A_355] : memref<1x8192x1024xf32, #tpu.memory_space<hbm>> -> memref<1x32x1024xf32, #tpu.memory_space<hbm>>
    %dma_start3A_357 = tpu.memref_squeeze %dma_start3A_356 : memref<1x32x1024xf32, #tpu.memory_space<hbm>> -> memref<32x1024xf32, #tpu.memory_space<hbm>>
    %dma_start3A_358 = tpu.memref_slice %arg6[%dma_start3A_350] : memref<3x!tpu.dma_semaphore, #tpu.memory_space<semaphore_mem>> -> memref<1x!tpu.dma_semaphore, #tpu.memory_space<semaphore_mem>>
    %dma_start3A_359 = tpu.memref_squeeze %dma_start3A_358 : memref<1x!tpu.dma_semaphore, #tpu.memory_space<semaphore_mem>> -> memref<!tpu.dma_semaphore, #tpu.memory_space<semaphore_mem>>
    %dma_start3A_360 = arith.constant 0 : i32
    %dma_start3A_361 = tpu.memref_slice %arg3[%dma_start3A_349, %add3A_347, %dma_start3A_360] : memref<1x8192x1024xf32, #tpu.memory_space<hbm>> -> memref<1x32x1024xf32, #tpu.memory_space<hbm>>
    %dma_start3A_362 = tpu.memref_squeeze %dma_start3A_361 : memref<1x32x1024xf32, #tpu.memory_space<hbm>> -> memref<32x1024xf32, #tpu.memory_space<hbm>>
    %dma_start3A_363 = arith.constant 0 : i32
    %dma_start3A_364 = arith.constant 0 : i32
    %dma_start3A_365 = tpu.memref_slice %arg4[%dma_start3A_348, %dma_start3A_363, %dma_start3A_364] : memref<3x32x1024xf32, #tpu.memory_space<vmem>> -> memref<1x32x1024xf32, #tpu.memory_space<vmem>>
    %dma_start3A_366 = tpu.memref_squeeze %dma_start3A_365 : memref<1x32x1024xf32, #tpu.memory_space<vmem>> -> memref<32x1024xf32, #tpu.memory_space<vmem>>
    tpu.enqueue_dma source(%dma_start3A_366 : memref<32x1024xf32, #tpu.memory_space<vmem>>) target(%dma_start3A_362 : memref<32x1024xf32, #tpu.memory_space<hbm>>) target_semaphore(%dma_start3A_359 : memref<!tpu.dma_semaphore, #tpu.memory_space<semaphore_mem>>)
    %add3A_367 = arith.constant 96 : i32
    %add3A_368 = arith.addi %mul3A_2, %add3A_367 : i32
    %dma_wait3A_369 = arith.constant 0 : i32
    %dma_wait3A_370 = arith.constant 0 : i32
    %dma_wait3A_371 = arith.constant 0 : i32
    %dma_wait3A_372 = arith.constant 0 : i32
    %dma_wait3A_373 = arith.constant 0 : i32
    %dma_wait3A_374 = tpu.memref_slice %arg4[%dma_wait3A_369, %dma_wait3A_372, %dma_wait3A_373] : memref<3x32x1024xf32, #tpu.memory_space<vmem>> -> memref<1x32x1024xf32, #tpu.memory_space<vmem>>
    %dma_wait3A_375 = tpu.memref_squeeze %dma_wait3A_374 : memref<1x32x1024xf32, #tpu.memory_space<vmem>> -> memref<32x1024xf32, #tpu.memory_space<vmem>>
    %dma_wait3A_376 = arith.constant 0 : i32
    %dma_wait3A_377 = tpu.memref_slice %arg3[%dma_wait3A_370, %add3A_368, %dma_wait3A_376] : memref<1x8192x1024xf32, #tpu.memory_space<hbm>> -> memref<1x32x1024xf32, #tpu.memory_space<hbm>>
    %dma_wait3A_378 = tpu.memref_squeeze %dma_wait3A_377 : memref<1x32x1024xf32, #tpu.memory_space<hbm>> -> memref<32x1024xf32, #tpu.memory_space<hbm>>
    %dma_wait3A_379 = tpu.memref_slice %arg6[%dma_wait3A_371] : memref<3x!tpu.dma_semaphore, #tpu.memory_space<semaphore_mem>> -> memref<1x!tpu.dma_semaphore, #tpu.memory_space<semaphore_mem>>
    %dma_wait3A_380 = tpu.memref_squeeze %dma_wait3A_379 : memref<1x!tpu.dma_semaphore, #tpu.memory_space<semaphore_mem>> -> memref<!tpu.dma_semaphore, #tpu.memory_space<semaphore_mem>>
    %dma_wait3A_381 = arith.constant 0 : i32
    %dma_wait3A_382 = tpu.memref_slice %arg3[%dma_wait3A_370, %add3A_368, %dma_wait3A_381] : memref<1x8192x1024xf32, #tpu.memory_space<hbm>> -> memref<1x32x1024xf32, #tpu.memory_space<hbm>>
    %dma_wait3A_383 = tpu.memref_squeeze %dma_wait3A_382 : memref<1x32x1024xf32, #tpu.memory_space<hbm>> -> memref<32x1024xf32, #tpu.memory_space<hbm>>
    %dma_wait3A_384 = arith.constant 0 : i32
    %dma_wait3A_385 = arith.constant 0 : i32
    %dma_wait3A_386 = tpu.memref_slice %arg4[%dma_wait3A_369, %dma_wait3A_384, %dma_wait3A_385] : memref<3x32x1024xf32, #tpu.memory_space<vmem>> -> memref<1x32x1024xf32, #tpu.memory_space<vmem>>
    %dma_wait3A_387 = tpu.memref_squeeze %dma_wait3A_386 : memref<1x32x1024xf32, #tpu.memory_space<vmem>> -> memref<32x1024xf32, #tpu.memory_space<vmem>>
    tpu.wait_dma2 semaphore(%dma_wait3A_380 : memref<!tpu.dma_semaphore, #tpu.memory_space<semaphore_mem>>) src(%dma_wait3A_387 : memref<32x1024xf32, #tpu.memory_space<vmem>>) dst(%dma_wait3A_383 : memref<32x1024xf32, #tpu.memory_space<hbm>>)
    %add3A_388 = arith.constant 192 : i32
    %add3A_389 = arith.addi %mul3A_2, %add3A_388 : i32
    %dma_start3A_390 = arith.constant 0 : i32
    %dma_start3A_391 = arith.constant 0 : i32
    %dma_start3A_392 = arith.constant 0 : i32
    %dma_start3A_393 = arith.constant 0 : i32
    %dma_start3A_394 = tpu.memref_slice %arg4[%dma_start3A_390, %dma_start3A_392, %dma_start3A_393] : memref<3x32x1024xf32, #tpu.memory_space<vmem>> -> memref<1x32x1024xf32, #tpu.memory_space<vmem>>
    %dma_start3A_395 = tpu.memref_squeeze %dma_start3A_394 : memref<1x32x1024xf32, #tpu.memory_space<vmem>> -> memref<32x1024xf32, #tpu.memory_space<vmem>>
    %dma_start3A_396 = arith.constant 0 : i32
    %dma_start3A_397 = tpu.memref_slice %arg2[%add3A_389, %dma_start3A_396] : memref<8192x1024xf32, #tpu.memory_space<hbm>> -> memref<32x1024xf32, #tpu.memory_space<hbm>>
    %dma_start3A_398 = tpu.memref_slice %arg5[%dma_start3A_391] : memref<3x!tpu.dma_semaphore, #tpu.memory_space<semaphore_mem>> -> memref<1x!tpu.dma_semaphore, #tpu.memory_space<semaphore_mem>>
    %dma_start3A_399 = tpu.memref_squeeze %dma_start3A_398 : memref<1x!tpu.dma_semaphore, #tpu.memory_space<semaphore_mem>> -> memref<!tpu.dma_semaphore, #tpu.memory_space<semaphore_mem>>
    %dma_start3A_400 = arith.constant 0 : i32
    %dma_start3A_401 = arith.constant 0 : i32
    %dma_start3A_402 = tpu.memref_slice %arg4[%dma_start3A_390, %dma_start3A_400, %dma_start3A_401] : memref<3x32x1024xf32, #tpu.memory_space<vmem>> -> memref<1x32x1024xf32, #tpu.memory_space<vmem>>
    %dma_start3A_403 = tpu.memref_squeeze %dma_start3A_402 : memref<1x32x1024xf32, #tpu.memory_space<vmem>> -> memref<32x1024xf32, #tpu.memory_space<vmem>>
    %dma_start3A_404 = arith.constant 0 : i32
    %dma_start3A_405 = tpu.memref_slice %arg2[%add3A_389, %dma_start3A_404] : memref<8192x1024xf32, #tpu.memory_space<hbm>> -> memref<32x1024xf32, #tpu.memory_space<hbm>>
    tpu.enqueue_dma source(%dma_start3A_405 : memref<32x1024xf32, #tpu.memory_space<hbm>>) target(%dma_start3A_403 : memref<32x1024xf32, #tpu.memory_space<vmem>>) target_semaphore(%dma_start3A_399 : memref<!tpu.dma_semaphore, #tpu.memory_space<semaphore_mem>>)
    %add3A_406 = arith.constant 160 : i32
    %add3A_407 = arith.addi %mul3A_2, %add3A_406 : i32
    %dma_wait3A_408 = arith.constant 2 : i32
    %dma_wait3A_409 = arith.constant 2 : i32
    %dma_wait3A_410 = arith.constant 0 : i32
    %dma_wait3A_411 = arith.constant 0 : i32
    %dma_wait3A_412 = tpu.memref_slice %arg4[%dma_wait3A_408, %dma_wait3A_410, %dma_wait3A_411] : memref<3x32x1024xf32, #tpu.memory_space<vmem>> -> memref<1x32x1024xf32, #tpu.memory_space<vmem>>
    %dma_wait3A_413 = tpu.memref_squeeze %dma_wait3A_412 : memref<1x32x1024xf32, #tpu.memory_space<vmem>> -> memref<32x1024xf32, #tpu.memory_space<vmem>>
    %dma_wait3A_414 = arith.constant 0 : i32
    %dma_wait3A_415 = tpu.memref_slice %arg2[%add3A_407, %dma_wait3A_414] : memref<8192x1024xf32, #tpu.memory_space<hbm>> -> memref<32x1024xf32, #tpu.memory_space<hbm>>
    %dma_wait3A_416 = tpu.memref_slice %arg5[%dma_wait3A_409] : memref<3x!tpu.dma_semaphore, #tpu.memory_space<semaphore_mem>> -> memref<1x!tpu.dma_semaphore, #tpu.memory_space<semaphore_mem>>
    %dma_wait3A_417 = tpu.memref_squeeze %dma_wait3A_416 : memref<1x!tpu.dma_semaphore, #tpu.memory_space<semaphore_mem>> -> memref<!tpu.dma_semaphore, #tpu.memory_space<semaphore_mem>>
    %dma_wait3A_418 = arith.constant 0 : i32
    %dma_wait3A_419 = arith.constant 0 : i32
    %dma_wait3A_420 = tpu.memref_slice %arg4[%dma_wait3A_408, %dma_wait3A_418, %dma_wait3A_419] : memref<3x32x1024xf32, #tpu.memory_space<vmem>> -> memref<1x32x1024xf32, #tpu.memory_space<vmem>>
    %dma_wait3A_421 = tpu.memref_squeeze %dma_wait3A_420 : memref<1x32x1024xf32, #tpu.memory_space<vmem>> -> memref<32x1024xf32, #tpu.memory_space<vmem>>
    %dma_wait3A_422 = arith.constant 0 : i32
    %dma_wait3A_423 = tpu.memref_slice %arg2[%add3A_407, %dma_wait3A_422] : memref<8192x1024xf32, #tpu.memory_space<hbm>> -> memref<32x1024xf32, #tpu.memory_space<hbm>>
    tpu.wait_dma2 semaphore(%dma_wait3A_417 : memref<!tpu.dma_semaphore, #tpu.memory_space<semaphore_mem>>) src(%dma_wait3A_423 : memref<32x1024xf32, #tpu.memory_space<hbm>>) dst(%dma_wait3A_421 : memref<32x1024xf32, #tpu.memory_space<vmem>>)
    %add3A_424 = arith.constant 160 : i32
    %add3A_425 = arith.addi %mul3A_2, %add3A_424 : i32
    %dma_start3A_426 = arith.constant 2 : i32
    %dma_start3A_427 = arith.constant 0 : i32
    %dma_start3A_428 = arith.constant 2 : i32
    %dma_start3A_429 = arith.constant 0 : i32
    %dma_start3A_430 = arith.constant 0 : i32
    %dma_start3A_431 = tpu.memref_slice %arg4[%dma_start3A_426, %dma_start3A_429, %dma_start3A_430] : memref<3x32x1024xf32, #tpu.memory_space<vmem>> -> memref<1x32x1024xf32, #tpu.memory_space<vmem>>
    %dma_start3A_432 = tpu.memref_squeeze %dma_start3A_431 : memref<1x32x1024xf32, #tpu.memory_space<vmem>> -> memref<32x1024xf32, #tpu.memory_space<vmem>>
    %dma_start3A_433 = arith.constant 0 : i32
    %dma_start3A_434 = tpu.memref_slice %arg3[%dma_start3A_427, %add3A_425, %dma_start3A_433] : memref<1x8192x1024xf32, #tpu.memory_space<hbm>> -> memref<1x32x1024xf32, #tpu.memory_space<hbm>>
    %dma_start3A_435 = tpu.memref_squeeze %dma_start3A_434 : memref<1x32x1024xf32, #tpu.memory_space<hbm>> -> memref<32x1024xf32, #tpu.memory_space<hbm>>
    %dma_start3A_436 = tpu.memref_slice %arg6[%dma_start3A_428] : memref<3x!tpu.dma_semaphore, #tpu.memory_space<semaphore_mem>> -> memref<1x!tpu.dma_semaphore, #tpu.memory_space<semaphore_mem>>
    %dma_start3A_437 = tpu.memref_squeeze %dma_start3A_436 : memref<1x!tpu.dma_semaphore, #tpu.memory_space<semaphore_mem>> -> memref<!tpu.dma_semaphore, #tpu.memory_space<semaphore_mem>>
    %dma_start3A_438 = arith.constant 0 : i32
    %dma_start3A_439 = tpu.memref_slice %arg3[%dma_start3A_427, %add3A_425, %dma_start3A_438] : memref<1x8192x1024xf32, #tpu.memory_space<hbm>> -> memref<1x32x1024xf32, #tpu.memory_space<hbm>>
    %dma_start3A_440 = tpu.memref_squeeze %dma_start3A_439 : memref<1x32x1024xf32, #tpu.memory_space<hbm>> -> memref<32x1024xf32, #tpu.memory_space<hbm>>
    %dma_start3A_441 = arith.constant 0 : i32
    %dma_start3A_442 = arith.constant 0 : i32
    %dma_start3A_443 = tpu.memref_slice %arg4[%dma_start3A_426, %dma_start3A_441, %dma_start3A_442] : memref<3x32x1024xf32, #tpu.memory_space<vmem>> -> memref<1x32x1024xf32, #tpu.memory_space<vmem>>
    %dma_start3A_444 = tpu.memref_squeeze %dma_start3A_443 : memref<1x32x1024xf32, #tpu.memory_space<vmem>> -> memref<32x1024xf32, #tpu.memory_space<vmem>>
    tpu.enqueue_dma source(%dma_start3A_444 : memref<32x1024xf32, #tpu.memory_space<vmem>>) target(%dma_start3A_440 : memref<32x1024xf32, #tpu.memory_space<hbm>>) target_semaphore(%dma_start3A_437 : memref<!tpu.dma_semaphore, #tpu.memory_space<semaphore_mem>>)
    %add3A_445 = arith.constant 128 : i32
    %add3A_446 = arith.addi %mul3A_2, %add3A_445 : i32
    %dma_wait3A_447 = arith.constant 1 : i32
    %dma_wait3A_448 = arith.constant 0 : i32
    %dma_wait3A_449 = arith.constant 1 : i32
    %dma_wait3A_450 = arith.constant 0 : i32
    %dma_wait3A_451 = arith.constant 0 : i32
    %dma_wait3A_452 = tpu.memref_slice %arg4[%dma_wait3A_447, %dma_wait3A_450, %dma_wait3A_451] : memref<3x32x1024xf32, #tpu.memory_space<vmem>> -> memref<1x32x1024xf32, #tpu.memory_space<vmem>>
    %dma_wait3A_453 = tpu.memref_squeeze %dma_wait3A_452 : memref<1x32x1024xf32, #tpu.memory_space<vmem>> -> memref<32x1024xf32, #tpu.memory_space<vmem>>
    %dma_wait3A_454 = arith.constant 0 : i32
    %dma_wait3A_455 = tpu.memref_slice %arg3[%dma_wait3A_448, %add3A_446, %dma_wait3A_454] : memref<1x8192x1024xf32, #tpu.memory_space<hbm>> -> memref<1x32x1024xf32, #tpu.memory_space<hbm>>
    %dma_wait3A_456 = tpu.memref_squeeze %dma_wait3A_455 : memref<1x32x1024xf32, #tpu.memory_space<hbm>> -> memref<32x1024xf32, #tpu.memory_space<hbm>>
    %dma_wait3A_457 = tpu.memref_slice %arg6[%dma_wait3A_449] : memref<3x!tpu.dma_semaphore, #tpu.memory_space<semaphore_mem>> -> memref<1x!tpu.dma_semaphore, #tpu.memory_space<semaphore_mem>>
    %dma_wait3A_458 = tpu.memref_squeeze %dma_wait3A_457 : memref<1x!tpu.dma_semaphore, #tpu.memory_space<semaphore_mem>> -> memref<!tpu.dma_semaphore, #tpu.memory_space<semaphore_mem>>
    %dma_wait3A_459 = arith.constant 0 : i32
    %dma_wait3A_460 = tpu.memref_slice %arg3[%dma_wait3A_448, %add3A_446, %dma_wait3A_459] : memref<1x8192x1024xf32, #tpu.memory_space<hbm>> -> memref<1x32x1024xf32, #tpu.memory_space<hbm>>
    %dma_wait3A_461 = tpu.memref_squeeze %dma_wait3A_460 : memref<1x32x1024xf32, #tpu.memory_space<hbm>> -> memref<32x1024xf32, #tpu.memory_space<hbm>>
    %dma_wait3A_462 = arith.constant 0 : i32
    %dma_wait3A_463 = arith.constant 0 : i32
    %dma_wait3A_464 = tpu.memref_slice %arg4[%dma_wait3A_447, %dma_wait3A_462, %dma_wait3A_463] : memref<3x32x1024xf32, #tpu.memory_space<vmem>> -> memref<1x32x1024xf32, #tpu.memory_space<vmem>>
    %dma_wait3A_465 = tpu.memref_squeeze %dma_wait3A_464 : memref<1x32x1024xf32, #tpu.memory_space<vmem>> -> memref<32x1024xf32, #tpu.memory_space<vmem>>
    tpu.wait_dma2 semaphore(%dma_wait3A_458 : memref<!tpu.dma_semaphore, #tpu.memory_space<semaphore_mem>>) src(%dma_wait3A_465 : memref<32x1024xf32, #tpu.memory_space<vmem>>) dst(%dma_wait3A_461 : memref<32x1024xf32, #tpu.memory_space<hbm>>)
    %add3A_466 = arith.constant 224 : i32
    %add3A_467 = arith.addi %mul3A_2, %add3A_466 : i32
    %dma_start3A_468 = arith.constant 1 : i32
    %dma_start3A_469 = arith.constant 1 : i32
    %dma_start3A_470 = arith.constant 0 : i32
    %dma_start3A_471 = arith.constant 0 : i32
    %dma_start3A_472 = tpu.memref_slice %arg4[%dma_start3A_468, %dma_start3A_470, %dma_start3A_471] : memref<3x32x1024xf32, #tpu.memory_space<vmem>> -> memref<1x32x1024xf32, #tpu.memory_space<vmem>>
    %dma_start3A_473 = tpu.memref_squeeze %dma_start3A_472 : memref<1x32x1024xf32, #tpu.memory_space<vmem>> -> memref<32x1024xf32, #tpu.memory_space<vmem>>
    %dma_start3A_474 = arith.constant 0 : i32
    %dma_start3A_475 = tpu.memref_slice %arg2[%add3A_467, %dma_start3A_474] : memref<8192x1024xf32, #tpu.memory_space<hbm>> -> memref<32x1024xf32, #tpu.memory_space<hbm>>
    %dma_start3A_476 = tpu.memref_slice %arg5[%dma_start3A_469] : memref<3x!tpu.dma_semaphore, #tpu.memory_space<semaphore_mem>> -> memref<1x!tpu.dma_semaphore, #tpu.memory_space<semaphore_mem>>
    %dma_start3A_477 = tpu.memref_squeeze %dma_start3A_476 : memref<1x!tpu.dma_semaphore, #tpu.memory_space<semaphore_mem>> -> memref<!tpu.dma_semaphore, #tpu.memory_space<semaphore_mem>>
    %dma_start3A_478 = arith.constant 0 : i32
    %dma_start3A_479 = arith.constant 0 : i32
    %dma_start3A_480 = tpu.memref_slice %arg4[%dma_start3A_468, %dma_start3A_478, %dma_start3A_479] : memref<3x32x1024xf32, #tpu.memory_space<vmem>> -> memref<1x32x1024xf32, #tpu.memory_space<vmem>>
    %dma_start3A_481 = tpu.memref_squeeze %dma_start3A_480 : memref<1x32x1024xf32, #tpu.memory_space<vmem>> -> memref<32x1024xf32, #tpu.memory_space<vmem>>
    %dma_start3A_482 = arith.constant 0 : i32
    %dma_start3A_483 = tpu.memref_slice %arg2[%add3A_467, %dma_start3A_482] : memref<8192x1024xf32, #tpu.memory_space<hbm>> -> memref<32x1024xf32, #tpu.memory_space<hbm>>
    tpu.enqueue_dma source(%dma_start3A_483 : memref<32x1024xf32, #tpu.memory_space<hbm>>) target(%dma_start3A_481 : memref<32x1024xf32, #tpu.memory_space<vmem>>) target_semaphore(%dma_start3A_477 : memref<!tpu.dma_semaphore, #tpu.memory_space<semaphore_mem>>)
    %add3A_484 = arith.constant 192 : i32
    %add3A_485 = arith.addi %mul3A_2, %add3A_484 : i32
    %dma_wait3A_486 = arith.constant 0 : i32
    %dma_wait3A_487 = arith.constant 0 : i32
    %dma_wait3A_488 = arith.constant 0 : i32
    %dma_wait3A_489 = arith.constant 0 : i32
    %dma_wait3A_490 = tpu.memref_slice %arg4[%dma_wait3A_486, %dma_wait3A_488, %dma_wait3A_489] : memref<3x32x1024xf32, #tpu.memory_space<vmem>> -> memref<1x32x1024xf32, #tpu.memory_space<vmem>>
    %dma_wait3A_491 = tpu.memref_squeeze %dma_wait3A_490 : memref<1x32x1024xf32, #tpu.memory_space<vmem>> -> memref<32x1024xf32, #tpu.memory_space<vmem>>
    %dma_wait3A_492 = arith.constant 0 : i32
    %dma_wait3A_493 = tpu.memref_slice %arg2[%add3A_485, %dma_wait3A_492] : memref<8192x1024xf32, #tpu.memory_space<hbm>> -> memref<32x1024xf32, #tpu.memory_space<hbm>>
    %dma_wait3A_494 = tpu.memref_slice %arg5[%dma_wait3A_487] : memref<3x!tpu.dma_semaphore, #tpu.memory_space<semaphore_mem>> -> memref<1x!tpu.dma_semaphore, #tpu.memory_space<semaphore_mem>>
    %dma_wait3A_495 = tpu.memref_squeeze %dma_wait3A_494 : memref<1x!tpu.dma_semaphore, #tpu.memory_space<semaphore_mem>> -> memref<!tpu.dma_semaphore, #tpu.memory_space<semaphore_mem>>
    %dma_wait3A_496 = arith.constant 0 : i32
    %dma_wait3A_497 = arith.constant 0 : i32
    %dma_wait3A_498 = tpu.memref_slice %arg4[%dma_wait3A_486, %dma_wait3A_496, %dma_wait3A_497] : memref<3x32x1024xf32, #tpu.memory_space<vmem>> -> memref<1x32x1024xf32, #tpu.memory_space<vmem>>
    %dma_wait3A_499 = tpu.memref_squeeze %dma_wait3A_498 : memref<1x32x1024xf32, #tpu.memory_space<vmem>> -> memref<32x1024xf32, #tpu.memory_space<vmem>>
    %dma_wait3A_500 = arith.constant 0 : i32
    %dma_wait3A_501 = tpu.memref_slice %arg2[%add3A_485, %dma_wait3A_500] : memref<8192x1024xf32, #tpu.memory_space<hbm>> -> memref<32x1024xf32, #tpu.memory_space<hbm>>
    tpu.wait_dma2 semaphore(%dma_wait3A_495 : memref<!tpu.dma_semaphore, #tpu.memory_space<semaphore_mem>>) src(%dma_wait3A_501 : memref<32x1024xf32, #tpu.memory_space<hbm>>) dst(%dma_wait3A_499 : memref<32x1024xf32, #tpu.memory_space<vmem>>)
    %add3A_502 = arith.constant 192 : i32
    %add3A_503 = arith.addi %mul3A_2, %add3A_502 : i32
    %dma_start3A_504 = arith.constant 0 : i32
    %dma_start3A_505 = arith.constant 0 : i32
    %dma_start3A_506 = arith.constant 0 : i32
    %dma_start3A_507 = arith.constant 0 : i32
    %dma_start3A_508 = arith.constant 0 : i32
    %dma_start3A_509 = tpu.memref_slice %arg4[%dma_start3A_504, %dma_start3A_507, %dma_start3A_508] : memref<3x32x1024xf32, #tpu.memory_space<vmem>> -> memref<1x32x1024xf32, #tpu.memory_space<vmem>>
    %dma_start3A_510 = tpu.memref_squeeze %dma_start3A_509 : memref<1x32x1024xf32, #tpu.memory_space<vmem>> -> memref<32x1024xf32, #tpu.memory_space<vmem>>
    %dma_start3A_511 = arith.constant 0 : i32
    %dma_start3A_512 = tpu.memref_slice %arg3[%dma_start3A_505, %add3A_503, %dma_start3A_511] : memref<1x8192x1024xf32, #tpu.memory_space<hbm>> -> memref<1x32x1024xf32, #tpu.memory_space<hbm>>
    %dma_start3A_513 = tpu.memref_squeeze %dma_start3A_512 : memref<1x32x1024xf32, #tpu.memory_space<hbm>> -> memref<32x1024xf32, #tpu.memory_space<hbm>>
    %dma_start3A_514 = tpu.memref_slice %arg6[%dma_start3A_506] : memref<3x!tpu.dma_semaphore, #tpu.memory_space<semaphore_mem>> -> memref<1x!tpu.dma_semaphore, #tpu.memory_space<semaphore_mem>>
    %dma_start3A_515 = tpu.memref_squeeze %dma_start3A_514 : memref<1x!tpu.dma_semaphore, #tpu.memory_space<semaphore_mem>> -> memref<!tpu.dma_semaphore, #tpu.memory_space<semaphore_mem>>
    %dma_start3A_516 = arith.constant 0 : i32
    %dma_start3A_517 = tpu.memref_slice %arg3[%dma_start3A_505, %add3A_503, %dma_start3A_516] : memref<1x8192x1024xf32, #tpu.memory_space<hbm>> -> memref<1x32x1024xf32, #tpu.memory_space<hbm>>
    %dma_start3A_518 = tpu.memref_squeeze %dma_start3A_517 : memref<1x32x1024xf32, #tpu.memory_space<hbm>> -> memref<32x1024xf32, #tpu.memory_space<hbm>>
    %dma_start3A_519 = arith.constant 0 : i32
    %dma_start3A_520 = arith.constant 0 : i32
    %dma_start3A_521 = tpu.memref_slice %arg4[%dma_start3A_504, %dma_start3A_519, %dma_start3A_520] : memref<3x32x1024xf32, #tpu.memory_space<vmem>> -> memref<1x32x1024xf32, #tpu.memory_space<vmem>>
    %dma_start3A_522 = tpu.memref_squeeze %dma_start3A_521 : memref<1x32x1024xf32, #tpu.memory_space<vmem>> -> memref<32x1024xf32, #tpu.memory_space<vmem>>
    tpu.enqueue_dma source(%dma_start3A_522 : memref<32x1024xf32, #tpu.memory_space<vmem>>) target(%dma_start3A_518 : memref<32x1024xf32, #tpu.memory_space<hbm>>) target_semaphore(%dma_start3A_515 : memref<!tpu.dma_semaphore, #tpu.memory_space<semaphore_mem>>)
    %add3A_523 = arith.constant 224 : i32
    %add3A_524 = arith.addi %mul3A_2, %add3A_523 : i32
    %dma_wait3A_525 = arith.constant 1 : i32
    %dma_wait3A_526 = arith.constant 1 : i32
    %dma_wait3A_527 = arith.constant 0 : i32
    %dma_wait3A_528 = arith.constant 0 : i32
    %dma_wait3A_529 = tpu.memref_slice %arg4[%dma_wait3A_525, %dma_wait3A_527, %dma_wait3A_528] : memref<3x32x1024xf32, #tpu.memory_space<vmem>> -> memref<1x32x1024xf32, #tpu.memory_space<vmem>>
    %dma_wait3A_530 = tpu.memref_squeeze %dma_wait3A_529 : memref<1x32x1024xf32, #tpu.memory_space<vmem>> -> memref<32x1024xf32, #tpu.memory_space<vmem>>
    %dma_wait3A_531 = arith.constant 0 : i32
    %dma_wait3A_532 = tpu.memref_slice %arg2[%add3A_524, %dma_wait3A_531] : memref<8192x1024xf32, #tpu.memory_space<hbm>> -> memref<32x1024xf32, #tpu.memory_space<hbm>>
    %dma_wait3A_533 = tpu.memref_slice %arg5[%dma_wait3A_526] : memref<3x!tpu.dma_semaphore, #tpu.memory_space<semaphore_mem>> -> memref<1x!tpu.dma_semaphore, #tpu.memory_space<semaphore_mem>>
    %dma_wait3A_534 = tpu.memref_squeeze %dma_wait3A_533 : memref<1x!tpu.dma_semaphore, #tpu.memory_space<semaphore_mem>> -> memref<!tpu.dma_semaphore, #tpu.memory_space<semaphore_mem>>
    %dma_wait3A_535 = arith.constant 0 : i32
    %dma_wait3A_536 = arith.constant 0 : i32
    %dma_wait3A_537 = tpu.memref_slice %arg4[%dma_wait3A_525, %dma_wait3A_535, %dma_wait3A_536] : memref<3x32x1024xf32, #tpu.memory_space<vmem>> -> memref<1x32x1024xf32, #tpu.memory_space<vmem>>
    %dma_wait3A_538 = tpu.memref_squeeze %dma_wait3A_537 : memref<1x32x1024xf32, #tpu.memory_space<vmem>> -> memref<32x1024xf32, #tpu.memory_space<vmem>>
    %dma_wait3A_539 = arith.constant 0 : i32
    %dma_wait3A_540 = tpu.memref_slice %arg2[%add3A_524, %dma_wait3A_539] : memref<8192x1024xf32, #tpu.memory_space<hbm>> -> memref<32x1024xf32, #tpu.memory_space<hbm>>
    tpu.wait_dma2 semaphore(%dma_wait3A_534 : memref<!tpu.dma_semaphore, #tpu.memory_space<semaphore_mem>>) src(%dma_wait3A_540 : memref<32x1024xf32, #tpu.memory_space<hbm>>) dst(%dma_wait3A_538 : memref<32x1024xf32, #tpu.memory_space<vmem>>)
    %add3A_541 = arith.constant 224 : i32
    %add3A_542 = arith.addi %mul3A_2, %add3A_541 : i32
    %dma_start3A_543 = arith.constant 1 : i32
    %dma_start3A_544 = arith.constant 0 : i32
    %dma_start3A_545 = arith.constant 1 : i32
    %dma_start3A_546 = arith.constant 0 : i32
    %dma_start3A_547 = arith.constant 0 : i32
    %dma_start3A_548 = tpu.memref_slice %arg4[%dma_start3A_543, %dma_start3A_546, %dma_start3A_547] : memref<3x32x1024xf32, #tpu.memory_space<vmem>> -> memref<1x32x1024xf32, #tpu.memory_space<vmem>>
    %dma_start3A_549 = tpu.memref_squeeze %dma_start3A_548 : memref<1x32x1024xf32, #tpu.memory_space<vmem>> -> memref<32x1024xf32, #tpu.memory_space<vmem>>
    %dma_start3A_550 = arith.constant 0 : i32
    %dma_start3A_551 = tpu.memref_slice %arg3[%dma_start3A_544, %add3A_542, %dma_start3A_550] : memref<1x8192x1024xf32, #tpu.memory_space<hbm>> -> memref<1x32x1024xf32, #tpu.memory_space<hbm>>
    %dma_start3A_552 = tpu.memref_squeeze %dma_start3A_551 : memref<1x32x1024xf32, #tpu.memory_space<hbm>> -> memref<32x1024xf32, #tpu.memory_space<hbm>>
    %dma_start3A_553 = tpu.memref_slice %arg6[%dma_start3A_545] : memref<3x!tpu.dma_semaphore, #tpu.memory_space<semaphore_mem>> -> memref<1x!tpu.dma_semaphore, #tpu.memory_space<semaphore_mem>>
    %dma_start3A_554 = tpu.memref_squeeze %dma_start3A_553 : memref<1x!tpu.dma_semaphore, #tpu.memory_space<semaphore_mem>> -> memref<!tpu.dma_semaphore, #tpu.memory_space<semaphore_mem>>
    %dma_start3A_555 = arith.constant 0 : i32
    %dma_start3A_556 = tpu.memref_slice %arg3[%dma_start3A_544, %add3A_542, %dma_start3A_555] : memref<1x8192x1024xf32, #tpu.memory_space<hbm>> -> memref<1x32x1024xf32, #tpu.memory_space<hbm>>
    %dma_start3A_557 = tpu.memref_squeeze %dma_start3A_556 : memref<1x32x1024xf32, #tpu.memory_space<hbm>> -> memref<32x1024xf32, #tpu.memory_space<hbm>>
    %dma_start3A_558 = arith.constant 0 : i32
    %dma_start3A_559 = arith.constant 0 : i32
    %dma_start3A_560 = tpu.memref_slice %arg4[%dma_start3A_543, %dma_start3A_558, %dma_start3A_559] : memref<3x32x1024xf32, #tpu.memory_space<vmem>> -> memref<1x32x1024xf32, #tpu.memory_space<vmem>>
    %dma_start3A_561 = tpu.memref_squeeze %dma_start3A_560 : memref<1x32x1024xf32, #tpu.memory_space<vmem>> -> memref<32x1024xf32, #tpu.memory_space<vmem>>
    tpu.enqueue_dma source(%dma_start3A_561 : memref<32x1024xf32, #tpu.memory_space<vmem>>) target(%dma_start3A_557 : memref<32x1024xf32, #tpu.memory_space<hbm>>) target_semaphore(%dma_start3A_554 : memref<!tpu.dma_semaphore, #tpu.memory_space<semaphore_mem>>)
    %add3A_562 = arith.constant 160 : i32
    %add3A_563 = arith.addi %mul3A_2, %add3A_562 : i32
    %dma_wait3A_564 = arith.constant 2 : i32
    %dma_wait3A_565 = arith.constant 0 : i32
    %dma_wait3A_566 = arith.constant 2 : i32
    %dma_wait3A_567 = arith.constant 0 : i32
    %dma_wait3A_568 = arith.constant 0 : i32
    %dma_wait3A_569 = tpu.memref_slice %arg4[%dma_wait3A_564, %dma_wait3A_567, %dma_wait3A_568] : memref<3x32x1024xf32, #tpu.memory_space<vmem>> -> memref<1x32x1024xf32, #tpu.memory_space<vmem>>
    %dma_wait3A_570 = tpu.memref_squeeze %dma_wait3A_569 : memref<1x32x1024xf32, #tpu.memory_space<vmem>> -> memref<32x1024xf32, #tpu.memory_space<vmem>>
    %dma_wait3A_571 = arith.constant 0 : i32
    %dma_wait3A_572 = tpu.memref_slice %arg3[%dma_wait3A_565, %add3A_563, %dma_wait3A_571] : memref<1x8192x1024xf32, #tpu.memory_space<hbm>> -> memref<1x32x1024xf32, #tpu.memory_space<hbm>>
    %dma_wait3A_573 = tpu.memref_squeeze %dma_wait3A_572 : memref<1x32x1024xf32, #tpu.memory_space<hbm>> -> memref<32x1024xf32, #tpu.memory_space<hbm>>
    %dma_wait3A_574 = tpu.memref_slice %arg6[%dma_wait3A_566] : memref<3x!tpu.dma_semaphore, #tpu.memory_space<semaphore_mem>> -> memref<1x!tpu.dma_semaphore, #tpu.memory_space<semaphore_mem>>
    %dma_wait3A_575 = tpu.memref_squeeze %dma_wait3A_574 : memref<1x!tpu.dma_semaphore, #tpu.memory_space<semaphore_mem>> -> memref<!tpu.dma_semaphore, #tpu.memory_space<semaphore_mem>>
    %dma_wait3A_576 = arith.constant 0 : i32
    %dma_wait3A_577 = tpu.memref_slice %arg3[%dma_wait3A_565, %add3A_563, %dma_wait3A_576] : memref<1x8192x1024xf32, #tpu.memory_space<hbm>> -> memref<1x32x1024xf32, #tpu.memory_space<hbm>>
    %dma_wait3A_578 = tpu.memref_squeeze %dma_wait3A_577 : memref<1x32x1024xf32, #tpu.memory_space<hbm>> -> memref<32x1024xf32, #tpu.memory_space<hbm>>
    %dma_wait3A_579 = arith.constant 0 : i32
    %dma_wait3A_580 = arith.constant 0 : i32
    %dma_wait3A_581 = tpu.memref_slice %arg4[%dma_wait3A_564, %dma_wait3A_579, %dma_wait3A_580] : memref<3x32x1024xf32, #tpu.memory_space<vmem>> -> memref<1x32x1024xf32, #tpu.memory_space<vmem>>
    %dma_wait3A_582 = tpu.memref_squeeze %dma_wait3A_581 : memref<1x32x1024xf32, #tpu.memory_space<vmem>> -> memref<32x1024xf32, #tpu.memory_space<vmem>>
    tpu.wait_dma2 semaphore(%dma_wait3A_575 : memref<!tpu.dma_semaphore, #tpu.memory_space<semaphore_mem>>) src(%dma_wait3A_582 : memref<32x1024xf32, #tpu.memory_space<vmem>>) dst(%dma_wait3A_578 : memref<32x1024xf32, #tpu.memory_space<hbm>>)
    %add3A_583 = arith.constant 192 : i32
    %add3A_584 = arith.addi %mul3A_2, %add3A_583 : i32
    %dma_wait3A_585 = arith.constant 0 : i32
    %dma_wait3A_586 = arith.constant 0 : i32
    %dma_wait3A_587 = arith.constant 0 : i32
    %dma_wait3A_588 = arith.constant 0 : i32
    %dma_wait3A_589 = arith.constant 0 : i32
    %dma_wait3A_590 = tpu.memref_slice %arg4[%dma_wait3A_585, %dma_wait3A_588, %dma_wait3A_589] : memref<3x32x1024xf32, #tpu.memory_space<vmem>> -> memref<1x32x1024xf32, #tpu.memory_space<vmem>>
    %dma_wait3A_591 = tpu.memref_squeeze %dma_wait3A_590 : memref<1x32x1024xf32, #tpu.memory_space<vmem>> -> memref<32x1024xf32, #tpu.memory_space<vmem>>
    %dma_wait3A_592 = arith.constant 0 : i32
    %dma_wait3A_593 = tpu.memref_slice %arg3[%dma_wait3A_586, %add3A_584, %dma_wait3A_592] : memref<1x8192x1024xf32, #tpu.memory_space<hbm>> -> memref<1x32x1024xf32, #tpu.memory_space<hbm>>
    %dma_wait3A_594 = tpu.memref_squeeze %dma_wait3A_593 : memref<1x32x1024xf32, #tpu.memory_space<hbm>> -> memref<32x1024xf32, #tpu.memory_space<hbm>>
    %dma_wait3A_595 = tpu.memref_slice %arg6[%dma_wait3A_587] : memref<3x!tpu.dma_semaphore, #tpu.memory_space<semaphore_mem>> -> memref<1x!tpu.dma_semaphore, #tpu.memory_space<semaphore_mem>>
    %dma_wait3A_596 = tpu.memref_squeeze %dma_wait3A_595 : memref<1x!tpu.dma_semaphore, #tpu.memory_space<semaphore_mem>> -> memref<!tpu.dma_semaphore, #tpu.memory_space<semaphore_mem>>
    %dma_wait3A_597 = arith.constant 0 : i32
    %dma_wait3A_598 = tpu.memref_slice %arg3[%dma_wait3A_586, %add3A_584, %dma_wait3A_597] : memref<1x8192x1024xf32, #tpu.memory_space<hbm>> -> memref<1x32x1024xf32, #tpu.memory_space<hbm>>
    %dma_wait3A_599 = tpu.memref_squeeze %dma_wait3A_598 : memref<1x32x1024xf32, #tpu.memory_space<hbm>> -> memref<32x1024xf32, #tpu.memory_space<hbm>>
    %dma_wait3A_600 = arith.constant 0 : i32
    %dma_wait3A_601 = arith.constant 0 : i32
    %dma_wait3A_602 = tpu.memref_slice %arg4[%dma_wait3A_585, %dma_wait3A_600, %dma_wait3A_601] : memref<3x32x1024xf32, #tpu.memory_space<vmem>> -> memref<1x32x1024xf32, #tpu.memory_space<vmem>>
    %dma_wait3A_603 = tpu.memref_squeeze %dma_wait3A_602 : memref<1x32x1024xf32, #tpu.memory_space<vmem>> -> memref<32x1024xf32, #tpu.memory_space<vmem>>
    tpu.wait_dma2 semaphore(%dma_wait3A_596 : memref<!tpu.dma_semaphore, #tpu.memory_space<semaphore_mem>>) src(%dma_wait3A_603 : memref<32x1024xf32, #tpu.memory_space<vmem>>) dst(%dma_wait3A_599 : memref<32x1024xf32, #tpu.memory_space<hbm>>)
    %add3A_604 = arith.constant 224 : i32
    %add3A_605 = arith.addi %mul3A_2, %add3A_604 : i32
    %dma_wait3A_606 = arith.constant 1 : i32
    %dma_wait3A_607 = arith.constant 0 : i32
    %dma_wait3A_608 = arith.constant 1 : i32
    %dma_wait3A_609 = arith.constant 0 : i32
    %dma_wait3A_610 = arith.constant 0 : i32
    %dma_wait3A_611 = tpu.memref_slice %arg4[%dma_wait3A_606, %dma_wait3A_609, %dma_wait3A_610] : memref<3x32x1024xf32, #tpu.memory_space<vmem>> -> memref<1x32x1024xf32, #tpu.memory_space<vmem>>
    %dma_wait3A_612 = tpu.memref_squeeze %dma_wait3A_611 : memref<1x32x1024xf32, #tpu.memory_space<vmem>> -> memref<32x1024xf32, #tpu.memory_space<vmem>>
    %dma_wait3A_613 = arith.constant 0 : i32
    %dma_wait3A_614 = tpu.memref_slice %arg3[%dma_wait3A_607, %add3A_605, %dma_wait3A_613] : memref<1x8192x1024xf32, #tpu.memory_space<hbm>> -> memref<1x32x1024xf32, #tpu.memory_space<hbm>>
    %dma_wait3A_615 = tpu.memref_squeeze %dma_wait3A_614 : memref<1x32x1024xf32, #tpu.memory_space<hbm>> -> memref<32x1024xf32, #tpu.memory_space<hbm>>
    %dma_wait3A_616 = tpu.memref_slice %arg6[%dma_wait3A_608] : memref<3x!tpu.dma_semaphore, #tpu.memory_space<semaphore_mem>> -> memref<1x!tpu.dma_semaphore, #tpu.memory_space<semaphore_mem>>
    %dma_wait3A_617 = tpu.memref_squeeze %dma_wait3A_616 : memref<1x!tpu.dma_semaphore, #tpu.memory_space<semaphore_mem>> -> memref<!tpu.dma_semaphore, #tpu.memory_space<semaphore_mem>>
    %dma_wait3A_618 = arith.constant 0 : i32
    %dma_wait3A_619 = tpu.memref_slice %arg3[%dma_wait3A_607, %add3A_605, %dma_wait3A_618] : memref<1x8192x1024xf32, #tpu.memory_space<hbm>> -> memref<1x32x1024xf32, #tpu.memory_space<hbm>>
    %dma_wait3A_620 = tpu.memref_squeeze %dma_wait3A_619 : memref<1x32x1024xf32, #tpu.memory_space<hbm>> -> memref<32x1024xf32, #tpu.memory_space<hbm>>
    %dma_wait3A_621 = arith.constant 0 : i32
    %dma_wait3A_622 = arith.constant 0 : i32
    %dma_wait3A_623 = tpu.memref_slice %arg4[%dma_wait3A_606, %dma_wait3A_621, %dma_wait3A_622] : memref<3x32x1024xf32, #tpu.memory_space<vmem>> -> memref<1x32x1024xf32, #tpu.memory_space<vmem>>
    %dma_wait3A_624 = tpu.memref_squeeze %dma_wait3A_623 : memref<1x32x1024xf32, #tpu.memory_space<vmem>> -> memref<32x1024xf32, #tpu.memory_space<vmem>>
    tpu.wait_dma2 semaphore(%dma_wait3A_617 : memref<!tpu.dma_semaphore, #tpu.memory_space<semaphore_mem>>) src(%dma_wait3A_624 : memref<32x1024xf32, #tpu.memory_space<vmem>>) dst(%dma_wait3A_620 : memref<32x1024xf32, #tpu.memory_space<hbm>>)
    return
  }
}

module attributes {stable_mosaic.version = 14 : i64} {
  func.func @_tc_body(%arg0: memref<8192x1024xf32, #tpu.memory_space<any>>, %arg1: memref<3x8192x1024xf32, #tpu.memory_space<any>>, %arg2: memref<8192x1024xf32, #tpu.memory_space<vmem>>, %arg3: memref<16x!tpu.dma_semaphore, #tpu.memory_space<semaphore_mem>>, %arg4: memref<16x!tpu.dma_semaphore, #tpu.memory_space<semaphore_mem>>) attributes {dimension_semantics = [], scalar_prefetch = 0 : i64, scratch_operands = 3 : i64, tpu.core_type = #tpu.core_type<tc>} {
    %dma_start3A = arith.constant 0 : i32
    %dma_start3A_0 = tpu.memref_slice %arg3[%dma_start3A] : memref<16x!tpu.dma_semaphore, #tpu.memory_space<semaphore_mem>> -> memref<1x!tpu.dma_semaphore, #tpu.memory_space<semaphore_mem>>
    %dma_start3A_1 = tpu.memref_squeeze %dma_start3A_0 : memref<1x!tpu.dma_semaphore, #tpu.memory_space<semaphore_mem>> -> memref<!tpu.dma_semaphore, #tpu.memory_space<semaphore_mem>>
    %dma_start3A_2 = arith.constant 0 : i32
    %dma_start3A_3 = arith.constant 0 : i32
    %dma_start3A_4 = tpu.memref_slice %arg2[%dma_start3A_2, %dma_start3A_3] : memref<8192x1024xf32, #tpu.memory_space<vmem>> -> memref<512x1024xf32, #tpu.memory_space<vmem>>
    %dma_start3A_5 = arith.constant 0 : i32
    %dma_start3A_6 = arith.constant 0 : i32
    %dma_start3A_7 = tpu.memref_slice %arg0[%dma_start3A_5, %dma_start3A_6] : memref<8192x1024xf32, #tpu.memory_space<any>> -> memref<512x1024xf32, #tpu.memory_space<any>>
    tpu.enqueue_dma source(%dma_start3A_7 : memref<512x1024xf32, #tpu.memory_space<any>>) target(%dma_start3A_4 : memref<512x1024xf32, #tpu.memory_space<vmem>>) target_semaphore(%dma_start3A_1 : memref<!tpu.dma_semaphore, #tpu.memory_space<semaphore_mem>>)
    %dma_start3A_8 = arith.constant 1 : i32
    %dma_start3A_9 = tpu.memref_slice %arg3[%dma_start3A_8] : memref<16x!tpu.dma_semaphore, #tpu.memory_space<semaphore_mem>> -> memref<1x!tpu.dma_semaphore, #tpu.memory_space<semaphore_mem>>
    %dma_start3A_10 = tpu.memref_squeeze %dma_start3A_9 : memref<1x!tpu.dma_semaphore, #tpu.memory_space<semaphore_mem>> -> memref<!tpu.dma_semaphore, #tpu.memory_space<semaphore_mem>>
    %dma_start3A_11 = arith.constant 512 : i32
    %dma_start3A_12 = arith.constant 0 : i32
    %dma_start3A_13 = tpu.memref_slice %arg2[%dma_start3A_11, %dma_start3A_12] : memref<8192x1024xf32, #tpu.memory_space<vmem>> -> memref<512x1024xf32, #tpu.memory_space<vmem>>
    %dma_start3A_14 = arith.constant 512 : i32
    %dma_start3A_15 = arith.constant 0 : i32
    %dma_start3A_16 = tpu.memref_slice %arg0[%dma_start3A_14, %dma_start3A_15] : memref<8192x1024xf32, #tpu.memory_space<any>> -> memref<512x1024xf32, #tpu.memory_space<any>>
    tpu.enqueue_dma source(%dma_start3A_16 : memref<512x1024xf32, #tpu.memory_space<any>>) target(%dma_start3A_13 : memref<512x1024xf32, #tpu.memory_space<vmem>>) target_semaphore(%dma_start3A_10 : memref<!tpu.dma_semaphore, #tpu.memory_space<semaphore_mem>>)
    %dma_start3A_17 = arith.constant 2 : i32
    %dma_start3A_18 = tpu.memref_slice %arg3[%dma_start3A_17] : memref<16x!tpu.dma_semaphore, #tpu.memory_space<semaphore_mem>> -> memref<1x!tpu.dma_semaphore, #tpu.memory_space<semaphore_mem>>
    %dma_start3A_19 = tpu.memref_squeeze %dma_start3A_18 : memref<1x!tpu.dma_semaphore, #tpu.memory_space<semaphore_mem>> -> memref<!tpu.dma_semaphore, #tpu.memory_space<semaphore_mem>>
    %dma_start3A_20 = arith.constant 1024 : i32
    %dma_start3A_21 = arith.constant 0 : i32
    %dma_start3A_22 = tpu.memref_slice %arg2[%dma_start3A_20, %dma_start3A_21] : memref<8192x1024xf32, #tpu.memory_space<vmem>> -> memref<512x1024xf32, #tpu.memory_space<vmem>>
    %dma_start3A_23 = arith.constant 1024 : i32
    %dma_start3A_24 = arith.constant 0 : i32
    %dma_start3A_25 = tpu.memref_slice %arg0[%dma_start3A_23, %dma_start3A_24] : memref<8192x1024xf32, #tpu.memory_space<any>> -> memref<512x1024xf32, #tpu.memory_space<any>>
    tpu.enqueue_dma source(%dma_start3A_25 : memref<512x1024xf32, #tpu.memory_space<any>>) target(%dma_start3A_22 : memref<512x1024xf32, #tpu.memory_space<vmem>>) target_semaphore(%dma_start3A_19 : memref<!tpu.dma_semaphore, #tpu.memory_space<semaphore_mem>>)
    %dma_start3A_26 = arith.constant 3 : i32
    %dma_start3A_27 = tpu.memref_slice %arg3[%dma_start3A_26] : memref<16x!tpu.dma_semaphore, #tpu.memory_space<semaphore_mem>> -> memref<1x!tpu.dma_semaphore, #tpu.memory_space<semaphore_mem>>
    %dma_start3A_28 = tpu.memref_squeeze %dma_start3A_27 : memref<1x!tpu.dma_semaphore, #tpu.memory_space<semaphore_mem>> -> memref<!tpu.dma_semaphore, #tpu.memory_space<semaphore_mem>>
    %dma_start3A_29 = arith.constant 1536 : i32
    %dma_start3A_30 = arith.constant 0 : i32
    %dma_start3A_31 = tpu.memref_slice %arg2[%dma_start3A_29, %dma_start3A_30] : memref<8192x1024xf32, #tpu.memory_space<vmem>> -> memref<512x1024xf32, #tpu.memory_space<vmem>>
    %dma_start3A_32 = arith.constant 1536 : i32
    %dma_start3A_33 = arith.constant 0 : i32
    %dma_start3A_34 = tpu.memref_slice %arg0[%dma_start3A_32, %dma_start3A_33] : memref<8192x1024xf32, #tpu.memory_space<any>> -> memref<512x1024xf32, #tpu.memory_space<any>>
    tpu.enqueue_dma source(%dma_start3A_34 : memref<512x1024xf32, #tpu.memory_space<any>>) target(%dma_start3A_31 : memref<512x1024xf32, #tpu.memory_space<vmem>>) target_semaphore(%dma_start3A_28 : memref<!tpu.dma_semaphore, #tpu.memory_space<semaphore_mem>>)
    %dma_start3A_35 = arith.constant 4 : i32
    %dma_start3A_36 = tpu.memref_slice %arg3[%dma_start3A_35] : memref<16x!tpu.dma_semaphore, #tpu.memory_space<semaphore_mem>> -> memref<1x!tpu.dma_semaphore, #tpu.memory_space<semaphore_mem>>
    %dma_start3A_37 = tpu.memref_squeeze %dma_start3A_36 : memref<1x!tpu.dma_semaphore, #tpu.memory_space<semaphore_mem>> -> memref<!tpu.dma_semaphore, #tpu.memory_space<semaphore_mem>>
    %dma_start3A_38 = arith.constant 2048 : i32
    %dma_start3A_39 = arith.constant 0 : i32
    %dma_start3A_40 = tpu.memref_slice %arg2[%dma_start3A_38, %dma_start3A_39] : memref<8192x1024xf32, #tpu.memory_space<vmem>> -> memref<512x1024xf32, #tpu.memory_space<vmem>>
    %dma_start3A_41 = arith.constant 2048 : i32
    %dma_start3A_42 = arith.constant 0 : i32
    %dma_start3A_43 = tpu.memref_slice %arg0[%dma_start3A_41, %dma_start3A_42] : memref<8192x1024xf32, #tpu.memory_space<any>> -> memref<512x1024xf32, #tpu.memory_space<any>>
    tpu.enqueue_dma source(%dma_start3A_43 : memref<512x1024xf32, #tpu.memory_space<any>>) target(%dma_start3A_40 : memref<512x1024xf32, #tpu.memory_space<vmem>>) target_semaphore(%dma_start3A_37 : memref<!tpu.dma_semaphore, #tpu.memory_space<semaphore_mem>>)
    %dma_start3A_44 = arith.constant 5 : i32
    %dma_start3A_45 = tpu.memref_slice %arg3[%dma_start3A_44] : memref<16x!tpu.dma_semaphore, #tpu.memory_space<semaphore_mem>> -> memref<1x!tpu.dma_semaphore, #tpu.memory_space<semaphore_mem>>
    %dma_start3A_46 = tpu.memref_squeeze %dma_start3A_45 : memref<1x!tpu.dma_semaphore, #tpu.memory_space<semaphore_mem>> -> memref<!tpu.dma_semaphore, #tpu.memory_space<semaphore_mem>>
    %dma_start3A_47 = arith.constant 2560 : i32
    %dma_start3A_48 = arith.constant 0 : i32
    %dma_start3A_49 = tpu.memref_slice %arg2[%dma_start3A_47, %dma_start3A_48] : memref<8192x1024xf32, #tpu.memory_space<vmem>> -> memref<512x1024xf32, #tpu.memory_space<vmem>>
    %dma_start3A_50 = arith.constant 2560 : i32
    %dma_start3A_51 = arith.constant 0 : i32
    %dma_start3A_52 = tpu.memref_slice %arg0[%dma_start3A_50, %dma_start3A_51] : memref<8192x1024xf32, #tpu.memory_space<any>> -> memref<512x1024xf32, #tpu.memory_space<any>>
    tpu.enqueue_dma source(%dma_start3A_52 : memref<512x1024xf32, #tpu.memory_space<any>>) target(%dma_start3A_49 : memref<512x1024xf32, #tpu.memory_space<vmem>>) target_semaphore(%dma_start3A_46 : memref<!tpu.dma_semaphore, #tpu.memory_space<semaphore_mem>>)
    %dma_start3A_53 = arith.constant 6 : i32
    %dma_start3A_54 = tpu.memref_slice %arg3[%dma_start3A_53] : memref<16x!tpu.dma_semaphore, #tpu.memory_space<semaphore_mem>> -> memref<1x!tpu.dma_semaphore, #tpu.memory_space<semaphore_mem>>
    %dma_start3A_55 = tpu.memref_squeeze %dma_start3A_54 : memref<1x!tpu.dma_semaphore, #tpu.memory_space<semaphore_mem>> -> memref<!tpu.dma_semaphore, #tpu.memory_space<semaphore_mem>>
    %dma_start3A_56 = arith.constant 3072 : i32
    %dma_start3A_57 = arith.constant 0 : i32
    %dma_start3A_58 = tpu.memref_slice %arg2[%dma_start3A_56, %dma_start3A_57] : memref<8192x1024xf32, #tpu.memory_space<vmem>> -> memref<512x1024xf32, #tpu.memory_space<vmem>>
    %dma_start3A_59 = arith.constant 3072 : i32
    %dma_start3A_60 = arith.constant 0 : i32
    %dma_start3A_61 = tpu.memref_slice %arg0[%dma_start3A_59, %dma_start3A_60] : memref<8192x1024xf32, #tpu.memory_space<any>> -> memref<512x1024xf32, #tpu.memory_space<any>>
    tpu.enqueue_dma source(%dma_start3A_61 : memref<512x1024xf32, #tpu.memory_space<any>>) target(%dma_start3A_58 : memref<512x1024xf32, #tpu.memory_space<vmem>>) target_semaphore(%dma_start3A_55 : memref<!tpu.dma_semaphore, #tpu.memory_space<semaphore_mem>>)
    %dma_start3A_62 = arith.constant 7 : i32
    %dma_start3A_63 = tpu.memref_slice %arg3[%dma_start3A_62] : memref<16x!tpu.dma_semaphore, #tpu.memory_space<semaphore_mem>> -> memref<1x!tpu.dma_semaphore, #tpu.memory_space<semaphore_mem>>
    %dma_start3A_64 = tpu.memref_squeeze %dma_start3A_63 : memref<1x!tpu.dma_semaphore, #tpu.memory_space<semaphore_mem>> -> memref<!tpu.dma_semaphore, #tpu.memory_space<semaphore_mem>>
    %dma_start3A_65 = arith.constant 3584 : i32
    %dma_start3A_66 = arith.constant 0 : i32
    %dma_start3A_67 = tpu.memref_slice %arg2[%dma_start3A_65, %dma_start3A_66] : memref<8192x1024xf32, #tpu.memory_space<vmem>> -> memref<512x1024xf32, #tpu.memory_space<vmem>>
    %dma_start3A_68 = arith.constant 3584 : i32
    %dma_start3A_69 = arith.constant 0 : i32
    %dma_start3A_70 = tpu.memref_slice %arg0[%dma_start3A_68, %dma_start3A_69] : memref<8192x1024xf32, #tpu.memory_space<any>> -> memref<512x1024xf32, #tpu.memory_space<any>>
    tpu.enqueue_dma source(%dma_start3A_70 : memref<512x1024xf32, #tpu.memory_space<any>>) target(%dma_start3A_67 : memref<512x1024xf32, #tpu.memory_space<vmem>>) target_semaphore(%dma_start3A_64 : memref<!tpu.dma_semaphore, #tpu.memory_space<semaphore_mem>>)
    %dma_start3A_71 = arith.constant 8 : i32
    %dma_start3A_72 = tpu.memref_slice %arg3[%dma_start3A_71] : memref<16x!tpu.dma_semaphore, #tpu.memory_space<semaphore_mem>> -> memref<1x!tpu.dma_semaphore, #tpu.memory_space<semaphore_mem>>
    %dma_start3A_73 = tpu.memref_squeeze %dma_start3A_72 : memref<1x!tpu.dma_semaphore, #tpu.memory_space<semaphore_mem>> -> memref<!tpu.dma_semaphore, #tpu.memory_space<semaphore_mem>>
    %dma_start3A_74 = arith.constant 4096 : i32
    %dma_start3A_75 = arith.constant 0 : i32
    %dma_start3A_76 = tpu.memref_slice %arg2[%dma_start3A_74, %dma_start3A_75] : memref<8192x1024xf32, #tpu.memory_space<vmem>> -> memref<512x1024xf32, #tpu.memory_space<vmem>>
    %dma_start3A_77 = arith.constant 4096 : i32
    %dma_start3A_78 = arith.constant 0 : i32
    %dma_start3A_79 = tpu.memref_slice %arg0[%dma_start3A_77, %dma_start3A_78] : memref<8192x1024xf32, #tpu.memory_space<any>> -> memref<512x1024xf32, #tpu.memory_space<any>>
    tpu.enqueue_dma source(%dma_start3A_79 : memref<512x1024xf32, #tpu.memory_space<any>>) target(%dma_start3A_76 : memref<512x1024xf32, #tpu.memory_space<vmem>>) target_semaphore(%dma_start3A_73 : memref<!tpu.dma_semaphore, #tpu.memory_space<semaphore_mem>>)
    %dma_start3A_80 = arith.constant 9 : i32
    %dma_start3A_81 = tpu.memref_slice %arg3[%dma_start3A_80] : memref<16x!tpu.dma_semaphore, #tpu.memory_space<semaphore_mem>> -> memref<1x!tpu.dma_semaphore, #tpu.memory_space<semaphore_mem>>
    %dma_start3A_82 = tpu.memref_squeeze %dma_start3A_81 : memref<1x!tpu.dma_semaphore, #tpu.memory_space<semaphore_mem>> -> memref<!tpu.dma_semaphore, #tpu.memory_space<semaphore_mem>>
    %dma_start3A_83 = arith.constant 4608 : i32
    %dma_start3A_84 = arith.constant 0 : i32
    %dma_start3A_85 = tpu.memref_slice %arg2[%dma_start3A_83, %dma_start3A_84] : memref<8192x1024xf32, #tpu.memory_space<vmem>> -> memref<512x1024xf32, #tpu.memory_space<vmem>>
    %dma_start3A_86 = arith.constant 4608 : i32
    %dma_start3A_87 = arith.constant 0 : i32
    %dma_start3A_88 = tpu.memref_slice %arg0[%dma_start3A_86, %dma_start3A_87] : memref<8192x1024xf32, #tpu.memory_space<any>> -> memref<512x1024xf32, #tpu.memory_space<any>>
    tpu.enqueue_dma source(%dma_start3A_88 : memref<512x1024xf32, #tpu.memory_space<any>>) target(%dma_start3A_85 : memref<512x1024xf32, #tpu.memory_space<vmem>>) target_semaphore(%dma_start3A_82 : memref<!tpu.dma_semaphore, #tpu.memory_space<semaphore_mem>>)
    %dma_start3A_89 = arith.constant 10 : i32
    %dma_start3A_90 = tpu.memref_slice %arg3[%dma_start3A_89] : memref<16x!tpu.dma_semaphore, #tpu.memory_space<semaphore_mem>> -> memref<1x!tpu.dma_semaphore, #tpu.memory_space<semaphore_mem>>
    %dma_start3A_91 = tpu.memref_squeeze %dma_start3A_90 : memref<1x!tpu.dma_semaphore, #tpu.memory_space<semaphore_mem>> -> memref<!tpu.dma_semaphore, #tpu.memory_space<semaphore_mem>>
    %dma_start3A_92 = arith.constant 5120 : i32
    %dma_start3A_93 = arith.constant 0 : i32
    %dma_start3A_94 = tpu.memref_slice %arg2[%dma_start3A_92, %dma_start3A_93] : memref<8192x1024xf32, #tpu.memory_space<vmem>> -> memref<512x1024xf32, #tpu.memory_space<vmem>>
    %dma_start3A_95 = arith.constant 5120 : i32
    %dma_start3A_96 = arith.constant 0 : i32
    %dma_start3A_97 = tpu.memref_slice %arg0[%dma_start3A_95, %dma_start3A_96] : memref<8192x1024xf32, #tpu.memory_space<any>> -> memref<512x1024xf32, #tpu.memory_space<any>>
    tpu.enqueue_dma source(%dma_start3A_97 : memref<512x1024xf32, #tpu.memory_space<any>>) target(%dma_start3A_94 : memref<512x1024xf32, #tpu.memory_space<vmem>>) target_semaphore(%dma_start3A_91 : memref<!tpu.dma_semaphore, #tpu.memory_space<semaphore_mem>>)
    %dma_start3A_98 = arith.constant 11 : i32
    %dma_start3A_99 = tpu.memref_slice %arg3[%dma_start3A_98] : memref<16x!tpu.dma_semaphore, #tpu.memory_space<semaphore_mem>> -> memref<1x!tpu.dma_semaphore, #tpu.memory_space<semaphore_mem>>
    %dma_start3A_100 = tpu.memref_squeeze %dma_start3A_99 : memref<1x!tpu.dma_semaphore, #tpu.memory_space<semaphore_mem>> -> memref<!tpu.dma_semaphore, #tpu.memory_space<semaphore_mem>>
    %dma_start3A_101 = arith.constant 5632 : i32
    %dma_start3A_102 = arith.constant 0 : i32
    %dma_start3A_103 = tpu.memref_slice %arg2[%dma_start3A_101, %dma_start3A_102] : memref<8192x1024xf32, #tpu.memory_space<vmem>> -> memref<512x1024xf32, #tpu.memory_space<vmem>>
    %dma_start3A_104 = arith.constant 5632 : i32
    %dma_start3A_105 = arith.constant 0 : i32
    %dma_start3A_106 = tpu.memref_slice %arg0[%dma_start3A_104, %dma_start3A_105] : memref<8192x1024xf32, #tpu.memory_space<any>> -> memref<512x1024xf32, #tpu.memory_space<any>>
    tpu.enqueue_dma source(%dma_start3A_106 : memref<512x1024xf32, #tpu.memory_space<any>>) target(%dma_start3A_103 : memref<512x1024xf32, #tpu.memory_space<vmem>>) target_semaphore(%dma_start3A_100 : memref<!tpu.dma_semaphore, #tpu.memory_space<semaphore_mem>>)
    %dma_start3A_107 = arith.constant 12 : i32
    %dma_start3A_108 = tpu.memref_slice %arg3[%dma_start3A_107] : memref<16x!tpu.dma_semaphore, #tpu.memory_space<semaphore_mem>> -> memref<1x!tpu.dma_semaphore, #tpu.memory_space<semaphore_mem>>
    %dma_start3A_109 = tpu.memref_squeeze %dma_start3A_108 : memref<1x!tpu.dma_semaphore, #tpu.memory_space<semaphore_mem>> -> memref<!tpu.dma_semaphore, #tpu.memory_space<semaphore_mem>>
    %dma_start3A_110 = arith.constant 6144 : i32
    %dma_start3A_111 = arith.constant 0 : i32
    %dma_start3A_112 = tpu.memref_slice %arg2[%dma_start3A_110, %dma_start3A_111] : memref<8192x1024xf32, #tpu.memory_space<vmem>> -> memref<512x1024xf32, #tpu.memory_space<vmem>>
    %dma_start3A_113 = arith.constant 6144 : i32
    %dma_start3A_114 = arith.constant 0 : i32
    %dma_start3A_115 = tpu.memref_slice %arg0[%dma_start3A_113, %dma_start3A_114] : memref<8192x1024xf32, #tpu.memory_space<any>> -> memref<512x1024xf32, #tpu.memory_space<any>>
    tpu.enqueue_dma source(%dma_start3A_115 : memref<512x1024xf32, #tpu.memory_space<any>>) target(%dma_start3A_112 : memref<512x1024xf32, #tpu.memory_space<vmem>>) target_semaphore(%dma_start3A_109 : memref<!tpu.dma_semaphore, #tpu.memory_space<semaphore_mem>>)
    %dma_start3A_116 = arith.constant 13 : i32
    %dma_start3A_117 = tpu.memref_slice %arg3[%dma_start3A_116] : memref<16x!tpu.dma_semaphore, #tpu.memory_space<semaphore_mem>> -> memref<1x!tpu.dma_semaphore, #tpu.memory_space<semaphore_mem>>
    %dma_start3A_118 = tpu.memref_squeeze %dma_start3A_117 : memref<1x!tpu.dma_semaphore, #tpu.memory_space<semaphore_mem>> -> memref<!tpu.dma_semaphore, #tpu.memory_space<semaphore_mem>>
    %dma_start3A_119 = arith.constant 6656 : i32
    %dma_start3A_120 = arith.constant 0 : i32
    %dma_start3A_121 = tpu.memref_slice %arg2[%dma_start3A_119, %dma_start3A_120] : memref<8192x1024xf32, #tpu.memory_space<vmem>> -> memref<512x1024xf32, #tpu.memory_space<vmem>>
    %dma_start3A_122 = arith.constant 6656 : i32
    %dma_start3A_123 = arith.constant 0 : i32
    %dma_start3A_124 = tpu.memref_slice %arg0[%dma_start3A_122, %dma_start3A_123] : memref<8192x1024xf32, #tpu.memory_space<any>> -> memref<512x1024xf32, #tpu.memory_space<any>>
    tpu.enqueue_dma source(%dma_start3A_124 : memref<512x1024xf32, #tpu.memory_space<any>>) target(%dma_start3A_121 : memref<512x1024xf32, #tpu.memory_space<vmem>>) target_semaphore(%dma_start3A_118 : memref<!tpu.dma_semaphore, #tpu.memory_space<semaphore_mem>>)
    %dma_start3A_125 = arith.constant 14 : i32
    %dma_start3A_126 = tpu.memref_slice %arg3[%dma_start3A_125] : memref<16x!tpu.dma_semaphore, #tpu.memory_space<semaphore_mem>> -> memref<1x!tpu.dma_semaphore, #tpu.memory_space<semaphore_mem>>
    %dma_start3A_127 = tpu.memref_squeeze %dma_start3A_126 : memref<1x!tpu.dma_semaphore, #tpu.memory_space<semaphore_mem>> -> memref<!tpu.dma_semaphore, #tpu.memory_space<semaphore_mem>>
    %dma_start3A_128 = arith.constant 7168 : i32
    %dma_start3A_129 = arith.constant 0 : i32
    %dma_start3A_130 = tpu.memref_slice %arg2[%dma_start3A_128, %dma_start3A_129] : memref<8192x1024xf32, #tpu.memory_space<vmem>> -> memref<512x1024xf32, #tpu.memory_space<vmem>>
    %dma_start3A_131 = arith.constant 7168 : i32
    %dma_start3A_132 = arith.constant 0 : i32
    %dma_start3A_133 = tpu.memref_slice %arg0[%dma_start3A_131, %dma_start3A_132] : memref<8192x1024xf32, #tpu.memory_space<any>> -> memref<512x1024xf32, #tpu.memory_space<any>>
    tpu.enqueue_dma source(%dma_start3A_133 : memref<512x1024xf32, #tpu.memory_space<any>>) target(%dma_start3A_130 : memref<512x1024xf32, #tpu.memory_space<vmem>>) target_semaphore(%dma_start3A_127 : memref<!tpu.dma_semaphore, #tpu.memory_space<semaphore_mem>>)
    %dma_start3A_134 = arith.constant 15 : i32
    %dma_start3A_135 = tpu.memref_slice %arg3[%dma_start3A_134] : memref<16x!tpu.dma_semaphore, #tpu.memory_space<semaphore_mem>> -> memref<1x!tpu.dma_semaphore, #tpu.memory_space<semaphore_mem>>
    %dma_start3A_136 = tpu.memref_squeeze %dma_start3A_135 : memref<1x!tpu.dma_semaphore, #tpu.memory_space<semaphore_mem>> -> memref<!tpu.dma_semaphore, #tpu.memory_space<semaphore_mem>>
    %dma_start3A_137 = arith.constant 7680 : i32
    %dma_start3A_138 = arith.constant 0 : i32
    %dma_start3A_139 = tpu.memref_slice %arg2[%dma_start3A_137, %dma_start3A_138] : memref<8192x1024xf32, #tpu.memory_space<vmem>> -> memref<512x1024xf32, #tpu.memory_space<vmem>>
    %dma_start3A_140 = arith.constant 7680 : i32
    %dma_start3A_141 = arith.constant 0 : i32
    %dma_start3A_142 = tpu.memref_slice %arg0[%dma_start3A_140, %dma_start3A_141] : memref<8192x1024xf32, #tpu.memory_space<any>> -> memref<512x1024xf32, #tpu.memory_space<any>>
    tpu.enqueue_dma source(%dma_start3A_142 : memref<512x1024xf32, #tpu.memory_space<any>>) target(%dma_start3A_139 : memref<512x1024xf32, #tpu.memory_space<vmem>>) target_semaphore(%dma_start3A_136 : memref<!tpu.dma_semaphore, #tpu.memory_space<semaphore_mem>>)
    %dma_wait3A = arith.constant 0 : i32
    %dma_wait3A_143 = tpu.memref_slice %arg3[%dma_wait3A] : memref<16x!tpu.dma_semaphore, #tpu.memory_space<semaphore_mem>> -> memref<1x!tpu.dma_semaphore, #tpu.memory_space<semaphore_mem>>
    %dma_wait3A_144 = tpu.memref_squeeze %dma_wait3A_143 : memref<1x!tpu.dma_semaphore, #tpu.memory_space<semaphore_mem>> -> memref<!tpu.dma_semaphore, #tpu.memory_space<semaphore_mem>>
    %dma_wait3A_145 = arith.constant 0 : i32
    %dma_wait3A_146 = arith.constant 0 : i32
    %dma_wait3A_147 = tpu.memref_slice %arg2[%dma_wait3A_145, %dma_wait3A_146] : memref<8192x1024xf32, #tpu.memory_space<vmem>> -> memref<512x1024xf32, #tpu.memory_space<vmem>>
    %dma_wait3A_148 = arith.constant 0 : i32
    %dma_wait3A_149 = arith.constant 0 : i32
    %dma_wait3A_150 = tpu.memref_slice %arg0[%dma_wait3A_148, %dma_wait3A_149] : memref<8192x1024xf32, #tpu.memory_space<any>> -> memref<512x1024xf32, #tpu.memory_space<any>>
    tpu.wait_dma2 semaphore(%dma_wait3A_144 : memref<!tpu.dma_semaphore, #tpu.memory_space<semaphore_mem>>) src(%dma_wait3A_150 : memref<512x1024xf32, #tpu.memory_space<any>>) dst(%dma_wait3A_147 : memref<512x1024xf32, #tpu.memory_space<vmem>>)
    %dma_start3A_151 = arith.constant 0 : i32
    %dma_start3A_152 = arith.constant 0 : i32
    %dma_start3A_153 = tpu.memref_slice %arg4[%dma_start3A_152] : memref<16x!tpu.dma_semaphore, #tpu.memory_space<semaphore_mem>> -> memref<1x!tpu.dma_semaphore, #tpu.memory_space<semaphore_mem>>
    %dma_start3A_154 = tpu.memref_squeeze %dma_start3A_153 : memref<1x!tpu.dma_semaphore, #tpu.memory_space<semaphore_mem>> -> memref<!tpu.dma_semaphore, #tpu.memory_space<semaphore_mem>>
    %dma_start3A_155 = arith.constant 0 : i32
    %dma_start3A_156 = arith.constant 0 : i32
    %dma_start3A_157 = tpu.memref_slice %arg1[%dma_start3A_151, %dma_start3A_155, %dma_start3A_156] : memref<3x8192x1024xf32, #tpu.memory_space<any>> -> memref<1x512x1024xf32, #tpu.memory_space<any>>
    %dma_start3A_158 = tpu.memref_squeeze %dma_start3A_157 : memref<1x512x1024xf32, #tpu.memory_space<any>> -> memref<512x1024xf32, #tpu.memory_space<any>>
    %dma_start3A_159 = arith.constant 0 : i32
    %dma_start3A_160 = arith.constant 0 : i32
    %dma_start3A_161 = tpu.memref_slice %arg2[%dma_start3A_159, %dma_start3A_160] : memref<8192x1024xf32, #tpu.memory_space<vmem>> -> memref<512x1024xf32, #tpu.memory_space<vmem>>
    tpu.enqueue_dma source(%dma_start3A_161 : memref<512x1024xf32, #tpu.memory_space<vmem>>) target(%dma_start3A_158 : memref<512x1024xf32, #tpu.memory_space<any>>) target_semaphore(%dma_start3A_154 : memref<!tpu.dma_semaphore, #tpu.memory_space<semaphore_mem>>)
    %dma_start3A_162 = arith.constant 1 : i32
    %dma_start3A_163 = arith.constant 0 : i32
    %dma_start3A_164 = tpu.memref_slice %arg4[%dma_start3A_163] : memref<16x!tpu.dma_semaphore, #tpu.memory_space<semaphore_mem>> -> memref<1x!tpu.dma_semaphore, #tpu.memory_space<semaphore_mem>>
    %dma_start3A_165 = tpu.memref_squeeze %dma_start3A_164 : memref<1x!tpu.dma_semaphore, #tpu.memory_space<semaphore_mem>> -> memref<!tpu.dma_semaphore, #tpu.memory_space<semaphore_mem>>
    %dma_start3A_166 = arith.constant 0 : i32
    %dma_start3A_167 = arith.constant 0 : i32
    %dma_start3A_168 = tpu.memref_slice %arg1[%dma_start3A_162, %dma_start3A_166, %dma_start3A_167] : memref<3x8192x1024xf32, #tpu.memory_space<any>> -> memref<1x512x1024xf32, #tpu.memory_space<any>>
    %dma_start3A_169 = tpu.memref_squeeze %dma_start3A_168 : memref<1x512x1024xf32, #tpu.memory_space<any>> -> memref<512x1024xf32, #tpu.memory_space<any>>
    %dma_start3A_170 = arith.constant 0 : i32
    %dma_start3A_171 = arith.constant 0 : i32
    %dma_start3A_172 = tpu.memref_slice %arg2[%dma_start3A_170, %dma_start3A_171] : memref<8192x1024xf32, #tpu.memory_space<vmem>> -> memref<512x1024xf32, #tpu.memory_space<vmem>>
    tpu.enqueue_dma source(%dma_start3A_172 : memref<512x1024xf32, #tpu.memory_space<vmem>>) target(%dma_start3A_169 : memref<512x1024xf32, #tpu.memory_space<any>>) target_semaphore(%dma_start3A_165 : memref<!tpu.dma_semaphore, #tpu.memory_space<semaphore_mem>>)
    %dma_start3A_173 = arith.constant 2 : i32
    %dma_start3A_174 = arith.constant 0 : i32
    %dma_start3A_175 = tpu.memref_slice %arg4[%dma_start3A_174] : memref<16x!tpu.dma_semaphore, #tpu.memory_space<semaphore_mem>> -> memref<1x!tpu.dma_semaphore, #tpu.memory_space<semaphore_mem>>
    %dma_start3A_176 = tpu.memref_squeeze %dma_start3A_175 : memref<1x!tpu.dma_semaphore, #tpu.memory_space<semaphore_mem>> -> memref<!tpu.dma_semaphore, #tpu.memory_space<semaphore_mem>>
    %dma_start3A_177 = arith.constant 0 : i32
    %dma_start3A_178 = arith.constant 0 : i32
    %dma_start3A_179 = tpu.memref_slice %arg1[%dma_start3A_173, %dma_start3A_177, %dma_start3A_178] : memref<3x8192x1024xf32, #tpu.memory_space<any>> -> memref<1x512x1024xf32, #tpu.memory_space<any>>
    %dma_start3A_180 = tpu.memref_squeeze %dma_start3A_179 : memref<1x512x1024xf32, #tpu.memory_space<any>> -> memref<512x1024xf32, #tpu.memory_space<any>>
    %dma_start3A_181 = arith.constant 0 : i32
    %dma_start3A_182 = arith.constant 0 : i32
    %dma_start3A_183 = tpu.memref_slice %arg2[%dma_start3A_181, %dma_start3A_182] : memref<8192x1024xf32, #tpu.memory_space<vmem>> -> memref<512x1024xf32, #tpu.memory_space<vmem>>
    tpu.enqueue_dma source(%dma_start3A_183 : memref<512x1024xf32, #tpu.memory_space<vmem>>) target(%dma_start3A_180 : memref<512x1024xf32, #tpu.memory_space<any>>) target_semaphore(%dma_start3A_176 : memref<!tpu.dma_semaphore, #tpu.memory_space<semaphore_mem>>)
    %dma_wait3A_184 = arith.constant 1 : i32
    %dma_wait3A_185 = tpu.memref_slice %arg3[%dma_wait3A_184] : memref<16x!tpu.dma_semaphore, #tpu.memory_space<semaphore_mem>> -> memref<1x!tpu.dma_semaphore, #tpu.memory_space<semaphore_mem>>
    %dma_wait3A_186 = tpu.memref_squeeze %dma_wait3A_185 : memref<1x!tpu.dma_semaphore, #tpu.memory_space<semaphore_mem>> -> memref<!tpu.dma_semaphore, #tpu.memory_space<semaphore_mem>>
    %dma_wait3A_187 = arith.constant 512 : i32
    %dma_wait3A_188 = arith.constant 0 : i32
    %dma_wait3A_189 = tpu.memref_slice %arg2[%dma_wait3A_187, %dma_wait3A_188] : memref<8192x1024xf32, #tpu.memory_space<vmem>> -> memref<512x1024xf32, #tpu.memory_space<vmem>>
    %dma_wait3A_190 = arith.constant 512 : i32
    %dma_wait3A_191 = arith.constant 0 : i32
    %dma_wait3A_192 = tpu.memref_slice %arg0[%dma_wait3A_190, %dma_wait3A_191] : memref<8192x1024xf32, #tpu.memory_space<any>> -> memref<512x1024xf32, #tpu.memory_space<any>>
    tpu.wait_dma2 semaphore(%dma_wait3A_186 : memref<!tpu.dma_semaphore, #tpu.memory_space<semaphore_mem>>) src(%dma_wait3A_192 : memref<512x1024xf32, #tpu.memory_space<any>>) dst(%dma_wait3A_189 : memref<512x1024xf32, #tpu.memory_space<vmem>>)
    %dma_start3A_193 = arith.constant 0 : i32
    %dma_start3A_194 = arith.constant 1 : i32
    %dma_start3A_195 = tpu.memref_slice %arg4[%dma_start3A_194] : memref<16x!tpu.dma_semaphore, #tpu.memory_space<semaphore_mem>> -> memref<1x!tpu.dma_semaphore, #tpu.memory_space<semaphore_mem>>
    %dma_start3A_196 = tpu.memref_squeeze %dma_start3A_195 : memref<1x!tpu.dma_semaphore, #tpu.memory_space<semaphore_mem>> -> memref<!tpu.dma_semaphore, #tpu.memory_space<semaphore_mem>>
    %dma_start3A_197 = arith.constant 512 : i32
    %dma_start3A_198 = arith.constant 0 : i32
    %dma_start3A_199 = tpu.memref_slice %arg1[%dma_start3A_193, %dma_start3A_197, %dma_start3A_198] : memref<3x8192x1024xf32, #tpu.memory_space<any>> -> memref<1x512x1024xf32, #tpu.memory_space<any>>
    %dma_start3A_200 = tpu.memref_squeeze %dma_start3A_199 : memref<1x512x1024xf32, #tpu.memory_space<any>> -> memref<512x1024xf32, #tpu.memory_space<any>>
    %dma_start3A_201 = arith.constant 512 : i32
    %dma_start3A_202 = arith.constant 0 : i32
    %dma_start3A_203 = tpu.memref_slice %arg2[%dma_start3A_201, %dma_start3A_202] : memref<8192x1024xf32, #tpu.memory_space<vmem>> -> memref<512x1024xf32, #tpu.memory_space<vmem>>
    tpu.enqueue_dma source(%dma_start3A_203 : memref<512x1024xf32, #tpu.memory_space<vmem>>) target(%dma_start3A_200 : memref<512x1024xf32, #tpu.memory_space<any>>) target_semaphore(%dma_start3A_196 : memref<!tpu.dma_semaphore, #tpu.memory_space<semaphore_mem>>)
    %dma_start3A_204 = arith.constant 1 : i32
    %dma_start3A_205 = arith.constant 1 : i32
    %dma_start3A_206 = tpu.memref_slice %arg4[%dma_start3A_205] : memref<16x!tpu.dma_semaphore, #tpu.memory_space<semaphore_mem>> -> memref<1x!tpu.dma_semaphore, #tpu.memory_space<semaphore_mem>>
    %dma_start3A_207 = tpu.memref_squeeze %dma_start3A_206 : memref<1x!tpu.dma_semaphore, #tpu.memory_space<semaphore_mem>> -> memref<!tpu.dma_semaphore, #tpu.memory_space<semaphore_mem>>
    %dma_start3A_208 = arith.constant 512 : i32
    %dma_start3A_209 = arith.constant 0 : i32
    %dma_start3A_210 = tpu.memref_slice %arg1[%dma_start3A_204, %dma_start3A_208, %dma_start3A_209] : memref<3x8192x1024xf32, #tpu.memory_space<any>> -> memref<1x512x1024xf32, #tpu.memory_space<any>>
    %dma_start3A_211 = tpu.memref_squeeze %dma_start3A_210 : memref<1x512x1024xf32, #tpu.memory_space<any>> -> memref<512x1024xf32, #tpu.memory_space<any>>
    %dma_start3A_212 = arith.constant 512 : i32
    %dma_start3A_213 = arith.constant 0 : i32
    %dma_start3A_214 = tpu.memref_slice %arg2[%dma_start3A_212, %dma_start3A_213] : memref<8192x1024xf32, #tpu.memory_space<vmem>> -> memref<512x1024xf32, #tpu.memory_space<vmem>>
    tpu.enqueue_dma source(%dma_start3A_214 : memref<512x1024xf32, #tpu.memory_space<vmem>>) target(%dma_start3A_211 : memref<512x1024xf32, #tpu.memory_space<any>>) target_semaphore(%dma_start3A_207 : memref<!tpu.dma_semaphore, #tpu.memory_space<semaphore_mem>>)
    %dma_start3A_215 = arith.constant 2 : i32
    %dma_start3A_216 = arith.constant 1 : i32
    %dma_start3A_217 = tpu.memref_slice %arg4[%dma_start3A_216] : memref<16x!tpu.dma_semaphore, #tpu.memory_space<semaphore_mem>> -> memref<1x!tpu.dma_semaphore, #tpu.memory_space<semaphore_mem>>
    %dma_start3A_218 = tpu.memref_squeeze %dma_start3A_217 : memref<1x!tpu.dma_semaphore, #tpu.memory_space<semaphore_mem>> -> memref<!tpu.dma_semaphore, #tpu.memory_space<semaphore_mem>>
    %dma_start3A_219 = arith.constant 512 : i32
    %dma_start3A_220 = arith.constant 0 : i32
    %dma_start3A_221 = tpu.memref_slice %arg1[%dma_start3A_215, %dma_start3A_219, %dma_start3A_220] : memref<3x8192x1024xf32, #tpu.memory_space<any>> -> memref<1x512x1024xf32, #tpu.memory_space<any>>
    %dma_start3A_222 = tpu.memref_squeeze %dma_start3A_221 : memref<1x512x1024xf32, #tpu.memory_space<any>> -> memref<512x1024xf32, #tpu.memory_space<any>>
    %dma_start3A_223 = arith.constant 512 : i32
    %dma_start3A_224 = arith.constant 0 : i32
    %dma_start3A_225 = tpu.memref_slice %arg2[%dma_start3A_223, %dma_start3A_224] : memref<8192x1024xf32, #tpu.memory_space<vmem>> -> memref<512x1024xf32, #tpu.memory_space<vmem>>
    tpu.enqueue_dma source(%dma_start3A_225 : memref<512x1024xf32, #tpu.memory_space<vmem>>) target(%dma_start3A_222 : memref<512x1024xf32, #tpu.memory_space<any>>) target_semaphore(%dma_start3A_218 : memref<!tpu.dma_semaphore, #tpu.memory_space<semaphore_mem>>)
    %dma_wait3A_226 = arith.constant 2 : i32
    %dma_wait3A_227 = tpu.memref_slice %arg3[%dma_wait3A_226] : memref<16x!tpu.dma_semaphore, #tpu.memory_space<semaphore_mem>> -> memref<1x!tpu.dma_semaphore, #tpu.memory_space<semaphore_mem>>
    %dma_wait3A_228 = tpu.memref_squeeze %dma_wait3A_227 : memref<1x!tpu.dma_semaphore, #tpu.memory_space<semaphore_mem>> -> memref<!tpu.dma_semaphore, #tpu.memory_space<semaphore_mem>>
    %dma_wait3A_229 = arith.constant 1024 : i32
    %dma_wait3A_230 = arith.constant 0 : i32
    %dma_wait3A_231 = tpu.memref_slice %arg2[%dma_wait3A_229, %dma_wait3A_230] : memref<8192x1024xf32, #tpu.memory_space<vmem>> -> memref<512x1024xf32, #tpu.memory_space<vmem>>
    %dma_wait3A_232 = arith.constant 1024 : i32
    %dma_wait3A_233 = arith.constant 0 : i32
    %dma_wait3A_234 = tpu.memref_slice %arg0[%dma_wait3A_232, %dma_wait3A_233] : memref<8192x1024xf32, #tpu.memory_space<any>> -> memref<512x1024xf32, #tpu.memory_space<any>>
    tpu.wait_dma2 semaphore(%dma_wait3A_228 : memref<!tpu.dma_semaphore, #tpu.memory_space<semaphore_mem>>) src(%dma_wait3A_234 : memref<512x1024xf32, #tpu.memory_space<any>>) dst(%dma_wait3A_231 : memref<512x1024xf32, #tpu.memory_space<vmem>>)
    %dma_start3A_235 = arith.constant 0 : i32
    %dma_start3A_236 = arith.constant 2 : i32
    %dma_start3A_237 = tpu.memref_slice %arg4[%dma_start3A_236] : memref<16x!tpu.dma_semaphore, #tpu.memory_space<semaphore_mem>> -> memref<1x!tpu.dma_semaphore, #tpu.memory_space<semaphore_mem>>
    %dma_start3A_238 = tpu.memref_squeeze %dma_start3A_237 : memref<1x!tpu.dma_semaphore, #tpu.memory_space<semaphore_mem>> -> memref<!tpu.dma_semaphore, #tpu.memory_space<semaphore_mem>>
    %dma_start3A_239 = arith.constant 1024 : i32
    %dma_start3A_240 = arith.constant 0 : i32
    %dma_start3A_241 = tpu.memref_slice %arg1[%dma_start3A_235, %dma_start3A_239, %dma_start3A_240] : memref<3x8192x1024xf32, #tpu.memory_space<any>> -> memref<1x512x1024xf32, #tpu.memory_space<any>>
    %dma_start3A_242 = tpu.memref_squeeze %dma_start3A_241 : memref<1x512x1024xf32, #tpu.memory_space<any>> -> memref<512x1024xf32, #tpu.memory_space<any>>
    %dma_start3A_243 = arith.constant 1024 : i32
    %dma_start3A_244 = arith.constant 0 : i32
    %dma_start3A_245 = tpu.memref_slice %arg2[%dma_start3A_243, %dma_start3A_244] : memref<8192x1024xf32, #tpu.memory_space<vmem>> -> memref<512x1024xf32, #tpu.memory_space<vmem>>
    tpu.enqueue_dma source(%dma_start3A_245 : memref<512x1024xf32, #tpu.memory_space<vmem>>) target(%dma_start3A_242 : memref<512x1024xf32, #tpu.memory_space<any>>) target_semaphore(%dma_start3A_238 : memref<!tpu.dma_semaphore, #tpu.memory_space<semaphore_mem>>)
    %dma_start3A_246 = arith.constant 1 : i32
    %dma_start3A_247 = arith.constant 2 : i32
    %dma_start3A_248 = tpu.memref_slice %arg4[%dma_start3A_247] : memref<16x!tpu.dma_semaphore, #tpu.memory_space<semaphore_mem>> -> memref<1x!tpu.dma_semaphore, #tpu.memory_space<semaphore_mem>>
    %dma_start3A_249 = tpu.memref_squeeze %dma_start3A_248 : memref<1x!tpu.dma_semaphore, #tpu.memory_space<semaphore_mem>> -> memref<!tpu.dma_semaphore, #tpu.memory_space<semaphore_mem>>
    %dma_start3A_250 = arith.constant 1024 : i32
    %dma_start3A_251 = arith.constant 0 : i32
    %dma_start3A_252 = tpu.memref_slice %arg1[%dma_start3A_246, %dma_start3A_250, %dma_start3A_251] : memref<3x8192x1024xf32, #tpu.memory_space<any>> -> memref<1x512x1024xf32, #tpu.memory_space<any>>
    %dma_start3A_253 = tpu.memref_squeeze %dma_start3A_252 : memref<1x512x1024xf32, #tpu.memory_space<any>> -> memref<512x1024xf32, #tpu.memory_space<any>>
    %dma_start3A_254 = arith.constant 1024 : i32
    %dma_start3A_255 = arith.constant 0 : i32
    %dma_start3A_256 = tpu.memref_slice %arg2[%dma_start3A_254, %dma_start3A_255] : memref<8192x1024xf32, #tpu.memory_space<vmem>> -> memref<512x1024xf32, #tpu.memory_space<vmem>>
    tpu.enqueue_dma source(%dma_start3A_256 : memref<512x1024xf32, #tpu.memory_space<vmem>>) target(%dma_start3A_253 : memref<512x1024xf32, #tpu.memory_space<any>>) target_semaphore(%dma_start3A_249 : memref<!tpu.dma_semaphore, #tpu.memory_space<semaphore_mem>>)
    %dma_start3A_257 = arith.constant 2 : i32
    %dma_start3A_258 = arith.constant 2 : i32
    %dma_start3A_259 = tpu.memref_slice %arg4[%dma_start3A_258] : memref<16x!tpu.dma_semaphore, #tpu.memory_space<semaphore_mem>> -> memref<1x!tpu.dma_semaphore, #tpu.memory_space<semaphore_mem>>
    %dma_start3A_260 = tpu.memref_squeeze %dma_start3A_259 : memref<1x!tpu.dma_semaphore, #tpu.memory_space<semaphore_mem>> -> memref<!tpu.dma_semaphore, #tpu.memory_space<semaphore_mem>>
    %dma_start3A_261 = arith.constant 1024 : i32
    %dma_start3A_262 = arith.constant 0 : i32
    %dma_start3A_263 = tpu.memref_slice %arg1[%dma_start3A_257, %dma_start3A_261, %dma_start3A_262] : memref<3x8192x1024xf32, #tpu.memory_space<any>> -> memref<1x512x1024xf32, #tpu.memory_space<any>>
    %dma_start3A_264 = tpu.memref_squeeze %dma_start3A_263 : memref<1x512x1024xf32, #tpu.memory_space<any>> -> memref<512x1024xf32, #tpu.memory_space<any>>
    %dma_start3A_265 = arith.constant 1024 : i32
    %dma_start3A_266 = arith.constant 0 : i32
    %dma_start3A_267 = tpu.memref_slice %arg2[%dma_start3A_265, %dma_start3A_266] : memref<8192x1024xf32, #tpu.memory_space<vmem>> -> memref<512x1024xf32, #tpu.memory_space<vmem>>
    tpu.enqueue_dma source(%dma_start3A_267 : memref<512x1024xf32, #tpu.memory_space<vmem>>) target(%dma_start3A_264 : memref<512x1024xf32, #tpu.memory_space<any>>) target_semaphore(%dma_start3A_260 : memref<!tpu.dma_semaphore, #tpu.memory_space<semaphore_mem>>)
    %dma_wait3A_268 = arith.constant 3 : i32
    %dma_wait3A_269 = tpu.memref_slice %arg3[%dma_wait3A_268] : memref<16x!tpu.dma_semaphore, #tpu.memory_space<semaphore_mem>> -> memref<1x!tpu.dma_semaphore, #tpu.memory_space<semaphore_mem>>
    %dma_wait3A_270 = tpu.memref_squeeze %dma_wait3A_269 : memref<1x!tpu.dma_semaphore, #tpu.memory_space<semaphore_mem>> -> memref<!tpu.dma_semaphore, #tpu.memory_space<semaphore_mem>>
    %dma_wait3A_271 = arith.constant 1536 : i32
    %dma_wait3A_272 = arith.constant 0 : i32
    %dma_wait3A_273 = tpu.memref_slice %arg2[%dma_wait3A_271, %dma_wait3A_272] : memref<8192x1024xf32, #tpu.memory_space<vmem>> -> memref<512x1024xf32, #tpu.memory_space<vmem>>
    %dma_wait3A_274 = arith.constant 1536 : i32
    %dma_wait3A_275 = arith.constant 0 : i32
    %dma_wait3A_276 = tpu.memref_slice %arg0[%dma_wait3A_274, %dma_wait3A_275] : memref<8192x1024xf32, #tpu.memory_space<any>> -> memref<512x1024xf32, #tpu.memory_space<any>>
    tpu.wait_dma2 semaphore(%dma_wait3A_270 : memref<!tpu.dma_semaphore, #tpu.memory_space<semaphore_mem>>) src(%dma_wait3A_276 : memref<512x1024xf32, #tpu.memory_space<any>>) dst(%dma_wait3A_273 : memref<512x1024xf32, #tpu.memory_space<vmem>>)
    %dma_start3A_277 = arith.constant 0 : i32
    %dma_start3A_278 = arith.constant 3 : i32
    %dma_start3A_279 = tpu.memref_slice %arg4[%dma_start3A_278] : memref<16x!tpu.dma_semaphore, #tpu.memory_space<semaphore_mem>> -> memref<1x!tpu.dma_semaphore, #tpu.memory_space<semaphore_mem>>
    %dma_start3A_280 = tpu.memref_squeeze %dma_start3A_279 : memref<1x!tpu.dma_semaphore, #tpu.memory_space<semaphore_mem>> -> memref<!tpu.dma_semaphore, #tpu.memory_space<semaphore_mem>>
    %dma_start3A_281 = arith.constant 1536 : i32
    %dma_start3A_282 = arith.constant 0 : i32
    %dma_start3A_283 = tpu.memref_slice %arg1[%dma_start3A_277, %dma_start3A_281, %dma_start3A_282] : memref<3x8192x1024xf32, #tpu.memory_space<any>> -> memref<1x512x1024xf32, #tpu.memory_space<any>>
    %dma_start3A_284 = tpu.memref_squeeze %dma_start3A_283 : memref<1x512x1024xf32, #tpu.memory_space<any>> -> memref<512x1024xf32, #tpu.memory_space<any>>
    %dma_start3A_285 = arith.constant 1536 : i32
    %dma_start3A_286 = arith.constant 0 : i32
    %dma_start3A_287 = tpu.memref_slice %arg2[%dma_start3A_285, %dma_start3A_286] : memref<8192x1024xf32, #tpu.memory_space<vmem>> -> memref<512x1024xf32, #tpu.memory_space<vmem>>
    tpu.enqueue_dma source(%dma_start3A_287 : memref<512x1024xf32, #tpu.memory_space<vmem>>) target(%dma_start3A_284 : memref<512x1024xf32, #tpu.memory_space<any>>) target_semaphore(%dma_start3A_280 : memref<!tpu.dma_semaphore, #tpu.memory_space<semaphore_mem>>)
    %dma_start3A_288 = arith.constant 1 : i32
    %dma_start3A_289 = arith.constant 3 : i32
    %dma_start3A_290 = tpu.memref_slice %arg4[%dma_start3A_289] : memref<16x!tpu.dma_semaphore, #tpu.memory_space<semaphore_mem>> -> memref<1x!tpu.dma_semaphore, #tpu.memory_space<semaphore_mem>>
    %dma_start3A_291 = tpu.memref_squeeze %dma_start3A_290 : memref<1x!tpu.dma_semaphore, #tpu.memory_space<semaphore_mem>> -> memref<!tpu.dma_semaphore, #tpu.memory_space<semaphore_mem>>
    %dma_start3A_292 = arith.constant 1536 : i32
    %dma_start3A_293 = arith.constant 0 : i32
    %dma_start3A_294 = tpu.memref_slice %arg1[%dma_start3A_288, %dma_start3A_292, %dma_start3A_293] : memref<3x8192x1024xf32, #tpu.memory_space<any>> -> memref<1x512x1024xf32, #tpu.memory_space<any>>
    %dma_start3A_295 = tpu.memref_squeeze %dma_start3A_294 : memref<1x512x1024xf32, #tpu.memory_space<any>> -> memref<512x1024xf32, #tpu.memory_space<any>>
    %dma_start3A_296 = arith.constant 1536 : i32
    %dma_start3A_297 = arith.constant 0 : i32
    %dma_start3A_298 = tpu.memref_slice %arg2[%dma_start3A_296, %dma_start3A_297] : memref<8192x1024xf32, #tpu.memory_space<vmem>> -> memref<512x1024xf32, #tpu.memory_space<vmem>>
    tpu.enqueue_dma source(%dma_start3A_298 : memref<512x1024xf32, #tpu.memory_space<vmem>>) target(%dma_start3A_295 : memref<512x1024xf32, #tpu.memory_space<any>>) target_semaphore(%dma_start3A_291 : memref<!tpu.dma_semaphore, #tpu.memory_space<semaphore_mem>>)
    %dma_start3A_299 = arith.constant 2 : i32
    %dma_start3A_300 = arith.constant 3 : i32
    %dma_start3A_301 = tpu.memref_slice %arg4[%dma_start3A_300] : memref<16x!tpu.dma_semaphore, #tpu.memory_space<semaphore_mem>> -> memref<1x!tpu.dma_semaphore, #tpu.memory_space<semaphore_mem>>
    %dma_start3A_302 = tpu.memref_squeeze %dma_start3A_301 : memref<1x!tpu.dma_semaphore, #tpu.memory_space<semaphore_mem>> -> memref<!tpu.dma_semaphore, #tpu.memory_space<semaphore_mem>>
    %dma_start3A_303 = arith.constant 1536 : i32
    %dma_start3A_304 = arith.constant 0 : i32
    %dma_start3A_305 = tpu.memref_slice %arg1[%dma_start3A_299, %dma_start3A_303, %dma_start3A_304] : memref<3x8192x1024xf32, #tpu.memory_space<any>> -> memref<1x512x1024xf32, #tpu.memory_space<any>>
    %dma_start3A_306 = tpu.memref_squeeze %dma_start3A_305 : memref<1x512x1024xf32, #tpu.memory_space<any>> -> memref<512x1024xf32, #tpu.memory_space<any>>
    %dma_start3A_307 = arith.constant 1536 : i32
    %dma_start3A_308 = arith.constant 0 : i32
    %dma_start3A_309 = tpu.memref_slice %arg2[%dma_start3A_307, %dma_start3A_308] : memref<8192x1024xf32, #tpu.memory_space<vmem>> -> memref<512x1024xf32, #tpu.memory_space<vmem>>
    tpu.enqueue_dma source(%dma_start3A_309 : memref<512x1024xf32, #tpu.memory_space<vmem>>) target(%dma_start3A_306 : memref<512x1024xf32, #tpu.memory_space<any>>) target_semaphore(%dma_start3A_302 : memref<!tpu.dma_semaphore, #tpu.memory_space<semaphore_mem>>)
    %dma_wait3A_310 = arith.constant 4 : i32
    %dma_wait3A_311 = tpu.memref_slice %arg3[%dma_wait3A_310] : memref<16x!tpu.dma_semaphore, #tpu.memory_space<semaphore_mem>> -> memref<1x!tpu.dma_semaphore, #tpu.memory_space<semaphore_mem>>
    %dma_wait3A_312 = tpu.memref_squeeze %dma_wait3A_311 : memref<1x!tpu.dma_semaphore, #tpu.memory_space<semaphore_mem>> -> memref<!tpu.dma_semaphore, #tpu.memory_space<semaphore_mem>>
    %dma_wait3A_313 = arith.constant 2048 : i32
    %dma_wait3A_314 = arith.constant 0 : i32
    %dma_wait3A_315 = tpu.memref_slice %arg2[%dma_wait3A_313, %dma_wait3A_314] : memref<8192x1024xf32, #tpu.memory_space<vmem>> -> memref<512x1024xf32, #tpu.memory_space<vmem>>
    %dma_wait3A_316 = arith.constant 2048 : i32
    %dma_wait3A_317 = arith.constant 0 : i32
    %dma_wait3A_318 = tpu.memref_slice %arg0[%dma_wait3A_316, %dma_wait3A_317] : memref<8192x1024xf32, #tpu.memory_space<any>> -> memref<512x1024xf32, #tpu.memory_space<any>>
    tpu.wait_dma2 semaphore(%dma_wait3A_312 : memref<!tpu.dma_semaphore, #tpu.memory_space<semaphore_mem>>) src(%dma_wait3A_318 : memref<512x1024xf32, #tpu.memory_space<any>>) dst(%dma_wait3A_315 : memref<512x1024xf32, #tpu.memory_space<vmem>>)
    %dma_start3A_319 = arith.constant 0 : i32
    %dma_start3A_320 = arith.constant 4 : i32
    %dma_start3A_321 = tpu.memref_slice %arg4[%dma_start3A_320] : memref<16x!tpu.dma_semaphore, #tpu.memory_space<semaphore_mem>> -> memref<1x!tpu.dma_semaphore, #tpu.memory_space<semaphore_mem>>
    %dma_start3A_322 = tpu.memref_squeeze %dma_start3A_321 : memref<1x!tpu.dma_semaphore, #tpu.memory_space<semaphore_mem>> -> memref<!tpu.dma_semaphore, #tpu.memory_space<semaphore_mem>>
    %dma_start3A_323 = arith.constant 2048 : i32
    %dma_start3A_324 = arith.constant 0 : i32
    %dma_start3A_325 = tpu.memref_slice %arg1[%dma_start3A_319, %dma_start3A_323, %dma_start3A_324] : memref<3x8192x1024xf32, #tpu.memory_space<any>> -> memref<1x512x1024xf32, #tpu.memory_space<any>>
    %dma_start3A_326 = tpu.memref_squeeze %dma_start3A_325 : memref<1x512x1024xf32, #tpu.memory_space<any>> -> memref<512x1024xf32, #tpu.memory_space<any>>
    %dma_start3A_327 = arith.constant 2048 : i32
    %dma_start3A_328 = arith.constant 0 : i32
    %dma_start3A_329 = tpu.memref_slice %arg2[%dma_start3A_327, %dma_start3A_328] : memref<8192x1024xf32, #tpu.memory_space<vmem>> -> memref<512x1024xf32, #tpu.memory_space<vmem>>
    tpu.enqueue_dma source(%dma_start3A_329 : memref<512x1024xf32, #tpu.memory_space<vmem>>) target(%dma_start3A_326 : memref<512x1024xf32, #tpu.memory_space<any>>) target_semaphore(%dma_start3A_322 : memref<!tpu.dma_semaphore, #tpu.memory_space<semaphore_mem>>)
    %dma_start3A_330 = arith.constant 1 : i32
    %dma_start3A_331 = arith.constant 4 : i32
    %dma_start3A_332 = tpu.memref_slice %arg4[%dma_start3A_331] : memref<16x!tpu.dma_semaphore, #tpu.memory_space<semaphore_mem>> -> memref<1x!tpu.dma_semaphore, #tpu.memory_space<semaphore_mem>>
    %dma_start3A_333 = tpu.memref_squeeze %dma_start3A_332 : memref<1x!tpu.dma_semaphore, #tpu.memory_space<semaphore_mem>> -> memref<!tpu.dma_semaphore, #tpu.memory_space<semaphore_mem>>
    %dma_start3A_334 = arith.constant 2048 : i32
    %dma_start3A_335 = arith.constant 0 : i32
    %dma_start3A_336 = tpu.memref_slice %arg1[%dma_start3A_330, %dma_start3A_334, %dma_start3A_335] : memref<3x8192x1024xf32, #tpu.memory_space<any>> -> memref<1x512x1024xf32, #tpu.memory_space<any>>
    %dma_start3A_337 = tpu.memref_squeeze %dma_start3A_336 : memref<1x512x1024xf32, #tpu.memory_space<any>> -> memref<512x1024xf32, #tpu.memory_space<any>>
    %dma_start3A_338 = arith.constant 2048 : i32
    %dma_start3A_339 = arith.constant 0 : i32
    %dma_start3A_340 = tpu.memref_slice %arg2[%dma_start3A_338, %dma_start3A_339] : memref<8192x1024xf32, #tpu.memory_space<vmem>> -> memref<512x1024xf32, #tpu.memory_space<vmem>>
    tpu.enqueue_dma source(%dma_start3A_340 : memref<512x1024xf32, #tpu.memory_space<vmem>>) target(%dma_start3A_337 : memref<512x1024xf32, #tpu.memory_space<any>>) target_semaphore(%dma_start3A_333 : memref<!tpu.dma_semaphore, #tpu.memory_space<semaphore_mem>>)
    %dma_start3A_341 = arith.constant 2 : i32
    %dma_start3A_342 = arith.constant 4 : i32
    %dma_start3A_343 = tpu.memref_slice %arg4[%dma_start3A_342] : memref<16x!tpu.dma_semaphore, #tpu.memory_space<semaphore_mem>> -> memref<1x!tpu.dma_semaphore, #tpu.memory_space<semaphore_mem>>
    %dma_start3A_344 = tpu.memref_squeeze %dma_start3A_343 : memref<1x!tpu.dma_semaphore, #tpu.memory_space<semaphore_mem>> -> memref<!tpu.dma_semaphore, #tpu.memory_space<semaphore_mem>>
    %dma_start3A_345 = arith.constant 2048 : i32
    %dma_start3A_346 = arith.constant 0 : i32
    %dma_start3A_347 = tpu.memref_slice %arg1[%dma_start3A_341, %dma_start3A_345, %dma_start3A_346] : memref<3x8192x1024xf32, #tpu.memory_space<any>> -> memref<1x512x1024xf32, #tpu.memory_space<any>>
    %dma_start3A_348 = tpu.memref_squeeze %dma_start3A_347 : memref<1x512x1024xf32, #tpu.memory_space<any>> -> memref<512x1024xf32, #tpu.memory_space<any>>
    %dma_start3A_349 = arith.constant 2048 : i32
    %dma_start3A_350 = arith.constant 0 : i32
    %dma_start3A_351 = tpu.memref_slice %arg2[%dma_start3A_349, %dma_start3A_350] : memref<8192x1024xf32, #tpu.memory_space<vmem>> -> memref<512x1024xf32, #tpu.memory_space<vmem>>
    tpu.enqueue_dma source(%dma_start3A_351 : memref<512x1024xf32, #tpu.memory_space<vmem>>) target(%dma_start3A_348 : memref<512x1024xf32, #tpu.memory_space<any>>) target_semaphore(%dma_start3A_344 : memref<!tpu.dma_semaphore, #tpu.memory_space<semaphore_mem>>)
    %dma_wait3A_352 = arith.constant 5 : i32
    %dma_wait3A_353 = tpu.memref_slice %arg3[%dma_wait3A_352] : memref<16x!tpu.dma_semaphore, #tpu.memory_space<semaphore_mem>> -> memref<1x!tpu.dma_semaphore, #tpu.memory_space<semaphore_mem>>
    %dma_wait3A_354 = tpu.memref_squeeze %dma_wait3A_353 : memref<1x!tpu.dma_semaphore, #tpu.memory_space<semaphore_mem>> -> memref<!tpu.dma_semaphore, #tpu.memory_space<semaphore_mem>>
    %dma_wait3A_355 = arith.constant 2560 : i32
    %dma_wait3A_356 = arith.constant 0 : i32
    %dma_wait3A_357 = tpu.memref_slice %arg2[%dma_wait3A_355, %dma_wait3A_356] : memref<8192x1024xf32, #tpu.memory_space<vmem>> -> memref<512x1024xf32, #tpu.memory_space<vmem>>
    %dma_wait3A_358 = arith.constant 2560 : i32
    %dma_wait3A_359 = arith.constant 0 : i32
    %dma_wait3A_360 = tpu.memref_slice %arg0[%dma_wait3A_358, %dma_wait3A_359] : memref<8192x1024xf32, #tpu.memory_space<any>> -> memref<512x1024xf32, #tpu.memory_space<any>>
    tpu.wait_dma2 semaphore(%dma_wait3A_354 : memref<!tpu.dma_semaphore, #tpu.memory_space<semaphore_mem>>) src(%dma_wait3A_360 : memref<512x1024xf32, #tpu.memory_space<any>>) dst(%dma_wait3A_357 : memref<512x1024xf32, #tpu.memory_space<vmem>>)
    %dma_start3A_361 = arith.constant 0 : i32
    %dma_start3A_362 = arith.constant 5 : i32
    %dma_start3A_363 = tpu.memref_slice %arg4[%dma_start3A_362] : memref<16x!tpu.dma_semaphore, #tpu.memory_space<semaphore_mem>> -> memref<1x!tpu.dma_semaphore, #tpu.memory_space<semaphore_mem>>
    %dma_start3A_364 = tpu.memref_squeeze %dma_start3A_363 : memref<1x!tpu.dma_semaphore, #tpu.memory_space<semaphore_mem>> -> memref<!tpu.dma_semaphore, #tpu.memory_space<semaphore_mem>>
    %dma_start3A_365 = arith.constant 2560 : i32
    %dma_start3A_366 = arith.constant 0 : i32
    %dma_start3A_367 = tpu.memref_slice %arg1[%dma_start3A_361, %dma_start3A_365, %dma_start3A_366] : memref<3x8192x1024xf32, #tpu.memory_space<any>> -> memref<1x512x1024xf32, #tpu.memory_space<any>>
    %dma_start3A_368 = tpu.memref_squeeze %dma_start3A_367 : memref<1x512x1024xf32, #tpu.memory_space<any>> -> memref<512x1024xf32, #tpu.memory_space<any>>
    %dma_start3A_369 = arith.constant 2560 : i32
    %dma_start3A_370 = arith.constant 0 : i32
    %dma_start3A_371 = tpu.memref_slice %arg2[%dma_start3A_369, %dma_start3A_370] : memref<8192x1024xf32, #tpu.memory_space<vmem>> -> memref<512x1024xf32, #tpu.memory_space<vmem>>
    tpu.enqueue_dma source(%dma_start3A_371 : memref<512x1024xf32, #tpu.memory_space<vmem>>) target(%dma_start3A_368 : memref<512x1024xf32, #tpu.memory_space<any>>) target_semaphore(%dma_start3A_364 : memref<!tpu.dma_semaphore, #tpu.memory_space<semaphore_mem>>)
    %dma_start3A_372 = arith.constant 1 : i32
    %dma_start3A_373 = arith.constant 5 : i32
    %dma_start3A_374 = tpu.memref_slice %arg4[%dma_start3A_373] : memref<16x!tpu.dma_semaphore, #tpu.memory_space<semaphore_mem>> -> memref<1x!tpu.dma_semaphore, #tpu.memory_space<semaphore_mem>>
    %dma_start3A_375 = tpu.memref_squeeze %dma_start3A_374 : memref<1x!tpu.dma_semaphore, #tpu.memory_space<semaphore_mem>> -> memref<!tpu.dma_semaphore, #tpu.memory_space<semaphore_mem>>
    %dma_start3A_376 = arith.constant 2560 : i32
    %dma_start3A_377 = arith.constant 0 : i32
    %dma_start3A_378 = tpu.memref_slice %arg1[%dma_start3A_372, %dma_start3A_376, %dma_start3A_377] : memref<3x8192x1024xf32, #tpu.memory_space<any>> -> memref<1x512x1024xf32, #tpu.memory_space<any>>
    %dma_start3A_379 = tpu.memref_squeeze %dma_start3A_378 : memref<1x512x1024xf32, #tpu.memory_space<any>> -> memref<512x1024xf32, #tpu.memory_space<any>>
    %dma_start3A_380 = arith.constant 2560 : i32
    %dma_start3A_381 = arith.constant 0 : i32
    %dma_start3A_382 = tpu.memref_slice %arg2[%dma_start3A_380, %dma_start3A_381] : memref<8192x1024xf32, #tpu.memory_space<vmem>> -> memref<512x1024xf32, #tpu.memory_space<vmem>>
    tpu.enqueue_dma source(%dma_start3A_382 : memref<512x1024xf32, #tpu.memory_space<vmem>>) target(%dma_start3A_379 : memref<512x1024xf32, #tpu.memory_space<any>>) target_semaphore(%dma_start3A_375 : memref<!tpu.dma_semaphore, #tpu.memory_space<semaphore_mem>>)
    %dma_start3A_383 = arith.constant 2 : i32
    %dma_start3A_384 = arith.constant 5 : i32
    %dma_start3A_385 = tpu.memref_slice %arg4[%dma_start3A_384] : memref<16x!tpu.dma_semaphore, #tpu.memory_space<semaphore_mem>> -> memref<1x!tpu.dma_semaphore, #tpu.memory_space<semaphore_mem>>
    %dma_start3A_386 = tpu.memref_squeeze %dma_start3A_385 : memref<1x!tpu.dma_semaphore, #tpu.memory_space<semaphore_mem>> -> memref<!tpu.dma_semaphore, #tpu.memory_space<semaphore_mem>>
    %dma_start3A_387 = arith.constant 2560 : i32
    %dma_start3A_388 = arith.constant 0 : i32
    %dma_start3A_389 = tpu.memref_slice %arg1[%dma_start3A_383, %dma_start3A_387, %dma_start3A_388] : memref<3x8192x1024xf32, #tpu.memory_space<any>> -> memref<1x512x1024xf32, #tpu.memory_space<any>>
    %dma_start3A_390 = tpu.memref_squeeze %dma_start3A_389 : memref<1x512x1024xf32, #tpu.memory_space<any>> -> memref<512x1024xf32, #tpu.memory_space<any>>
    %dma_start3A_391 = arith.constant 2560 : i32
    %dma_start3A_392 = arith.constant 0 : i32
    %dma_start3A_393 = tpu.memref_slice %arg2[%dma_start3A_391, %dma_start3A_392] : memref<8192x1024xf32, #tpu.memory_space<vmem>> -> memref<512x1024xf32, #tpu.memory_space<vmem>>
    tpu.enqueue_dma source(%dma_start3A_393 : memref<512x1024xf32, #tpu.memory_space<vmem>>) target(%dma_start3A_390 : memref<512x1024xf32, #tpu.memory_space<any>>) target_semaphore(%dma_start3A_386 : memref<!tpu.dma_semaphore, #tpu.memory_space<semaphore_mem>>)
    %dma_wait3A_394 = arith.constant 6 : i32
    %dma_wait3A_395 = tpu.memref_slice %arg3[%dma_wait3A_394] : memref<16x!tpu.dma_semaphore, #tpu.memory_space<semaphore_mem>> -> memref<1x!tpu.dma_semaphore, #tpu.memory_space<semaphore_mem>>
    %dma_wait3A_396 = tpu.memref_squeeze %dma_wait3A_395 : memref<1x!tpu.dma_semaphore, #tpu.memory_space<semaphore_mem>> -> memref<!tpu.dma_semaphore, #tpu.memory_space<semaphore_mem>>
    %dma_wait3A_397 = arith.constant 3072 : i32
    %dma_wait3A_398 = arith.constant 0 : i32
    %dma_wait3A_399 = tpu.memref_slice %arg2[%dma_wait3A_397, %dma_wait3A_398] : memref<8192x1024xf32, #tpu.memory_space<vmem>> -> memref<512x1024xf32, #tpu.memory_space<vmem>>
    %dma_wait3A_400 = arith.constant 3072 : i32
    %dma_wait3A_401 = arith.constant 0 : i32
    %dma_wait3A_402 = tpu.memref_slice %arg0[%dma_wait3A_400, %dma_wait3A_401] : memref<8192x1024xf32, #tpu.memory_space<any>> -> memref<512x1024xf32, #tpu.memory_space<any>>
    tpu.wait_dma2 semaphore(%dma_wait3A_396 : memref<!tpu.dma_semaphore, #tpu.memory_space<semaphore_mem>>) src(%dma_wait3A_402 : memref<512x1024xf32, #tpu.memory_space<any>>) dst(%dma_wait3A_399 : memref<512x1024xf32, #tpu.memory_space<vmem>>)
    %dma_start3A_403 = arith.constant 0 : i32
    %dma_start3A_404 = arith.constant 6 : i32
    %dma_start3A_405 = tpu.memref_slice %arg4[%dma_start3A_404] : memref<16x!tpu.dma_semaphore, #tpu.memory_space<semaphore_mem>> -> memref<1x!tpu.dma_semaphore, #tpu.memory_space<semaphore_mem>>
    %dma_start3A_406 = tpu.memref_squeeze %dma_start3A_405 : memref<1x!tpu.dma_semaphore, #tpu.memory_space<semaphore_mem>> -> memref<!tpu.dma_semaphore, #tpu.memory_space<semaphore_mem>>
    %dma_start3A_407 = arith.constant 3072 : i32
    %dma_start3A_408 = arith.constant 0 : i32
    %dma_start3A_409 = tpu.memref_slice %arg1[%dma_start3A_403, %dma_start3A_407, %dma_start3A_408] : memref<3x8192x1024xf32, #tpu.memory_space<any>> -> memref<1x512x1024xf32, #tpu.memory_space<any>>
    %dma_start3A_410 = tpu.memref_squeeze %dma_start3A_409 : memref<1x512x1024xf32, #tpu.memory_space<any>> -> memref<512x1024xf32, #tpu.memory_space<any>>
    %dma_start3A_411 = arith.constant 3072 : i32
    %dma_start3A_412 = arith.constant 0 : i32
    %dma_start3A_413 = tpu.memref_slice %arg2[%dma_start3A_411, %dma_start3A_412] : memref<8192x1024xf32, #tpu.memory_space<vmem>> -> memref<512x1024xf32, #tpu.memory_space<vmem>>
    tpu.enqueue_dma source(%dma_start3A_413 : memref<512x1024xf32, #tpu.memory_space<vmem>>) target(%dma_start3A_410 : memref<512x1024xf32, #tpu.memory_space<any>>) target_semaphore(%dma_start3A_406 : memref<!tpu.dma_semaphore, #tpu.memory_space<semaphore_mem>>)
    %dma_start3A_414 = arith.constant 1 : i32
    %dma_start3A_415 = arith.constant 6 : i32
    %dma_start3A_416 = tpu.memref_slice %arg4[%dma_start3A_415] : memref<16x!tpu.dma_semaphore, #tpu.memory_space<semaphore_mem>> -> memref<1x!tpu.dma_semaphore, #tpu.memory_space<semaphore_mem>>
    %dma_start3A_417 = tpu.memref_squeeze %dma_start3A_416 : memref<1x!tpu.dma_semaphore, #tpu.memory_space<semaphore_mem>> -> memref<!tpu.dma_semaphore, #tpu.memory_space<semaphore_mem>>
    %dma_start3A_418 = arith.constant 3072 : i32
    %dma_start3A_419 = arith.constant 0 : i32
    %dma_start3A_420 = tpu.memref_slice %arg1[%dma_start3A_414, %dma_start3A_418, %dma_start3A_419] : memref<3x8192x1024xf32, #tpu.memory_space<any>> -> memref<1x512x1024xf32, #tpu.memory_space<any>>
    %dma_start3A_421 = tpu.memref_squeeze %dma_start3A_420 : memref<1x512x1024xf32, #tpu.memory_space<any>> -> memref<512x1024xf32, #tpu.memory_space<any>>
    %dma_start3A_422 = arith.constant 3072 : i32
    %dma_start3A_423 = arith.constant 0 : i32
    %dma_start3A_424 = tpu.memref_slice %arg2[%dma_start3A_422, %dma_start3A_423] : memref<8192x1024xf32, #tpu.memory_space<vmem>> -> memref<512x1024xf32, #tpu.memory_space<vmem>>
    tpu.enqueue_dma source(%dma_start3A_424 : memref<512x1024xf32, #tpu.memory_space<vmem>>) target(%dma_start3A_421 : memref<512x1024xf32, #tpu.memory_space<any>>) target_semaphore(%dma_start3A_417 : memref<!tpu.dma_semaphore, #tpu.memory_space<semaphore_mem>>)
    %dma_start3A_425 = arith.constant 2 : i32
    %dma_start3A_426 = arith.constant 6 : i32
    %dma_start3A_427 = tpu.memref_slice %arg4[%dma_start3A_426] : memref<16x!tpu.dma_semaphore, #tpu.memory_space<semaphore_mem>> -> memref<1x!tpu.dma_semaphore, #tpu.memory_space<semaphore_mem>>
    %dma_start3A_428 = tpu.memref_squeeze %dma_start3A_427 : memref<1x!tpu.dma_semaphore, #tpu.memory_space<semaphore_mem>> -> memref<!tpu.dma_semaphore, #tpu.memory_space<semaphore_mem>>
    %dma_start3A_429 = arith.constant 3072 : i32
    %dma_start3A_430 = arith.constant 0 : i32
    %dma_start3A_431 = tpu.memref_slice %arg1[%dma_start3A_425, %dma_start3A_429, %dma_start3A_430] : memref<3x8192x1024xf32, #tpu.memory_space<any>> -> memref<1x512x1024xf32, #tpu.memory_space<any>>
    %dma_start3A_432 = tpu.memref_squeeze %dma_start3A_431 : memref<1x512x1024xf32, #tpu.memory_space<any>> -> memref<512x1024xf32, #tpu.memory_space<any>>
    %dma_start3A_433 = arith.constant 3072 : i32
    %dma_start3A_434 = arith.constant 0 : i32
    %dma_start3A_435 = tpu.memref_slice %arg2[%dma_start3A_433, %dma_start3A_434] : memref<8192x1024xf32, #tpu.memory_space<vmem>> -> memref<512x1024xf32, #tpu.memory_space<vmem>>
    tpu.enqueue_dma source(%dma_start3A_435 : memref<512x1024xf32, #tpu.memory_space<vmem>>) target(%dma_start3A_432 : memref<512x1024xf32, #tpu.memory_space<any>>) target_semaphore(%dma_start3A_428 : memref<!tpu.dma_semaphore, #tpu.memory_space<semaphore_mem>>)
    %dma_wait3A_436 = arith.constant 7 : i32
    %dma_wait3A_437 = tpu.memref_slice %arg3[%dma_wait3A_436] : memref<16x!tpu.dma_semaphore, #tpu.memory_space<semaphore_mem>> -> memref<1x!tpu.dma_semaphore, #tpu.memory_space<semaphore_mem>>
    %dma_wait3A_438 = tpu.memref_squeeze %dma_wait3A_437 : memref<1x!tpu.dma_semaphore, #tpu.memory_space<semaphore_mem>> -> memref<!tpu.dma_semaphore, #tpu.memory_space<semaphore_mem>>
    %dma_wait3A_439 = arith.constant 3584 : i32
    %dma_wait3A_440 = arith.constant 0 : i32
    %dma_wait3A_441 = tpu.memref_slice %arg2[%dma_wait3A_439, %dma_wait3A_440] : memref<8192x1024xf32, #tpu.memory_space<vmem>> -> memref<512x1024xf32, #tpu.memory_space<vmem>>
    %dma_wait3A_442 = arith.constant 3584 : i32
    %dma_wait3A_443 = arith.constant 0 : i32
    %dma_wait3A_444 = tpu.memref_slice %arg0[%dma_wait3A_442, %dma_wait3A_443] : memref<8192x1024xf32, #tpu.memory_space<any>> -> memref<512x1024xf32, #tpu.memory_space<any>>
    tpu.wait_dma2 semaphore(%dma_wait3A_438 : memref<!tpu.dma_semaphore, #tpu.memory_space<semaphore_mem>>) src(%dma_wait3A_444 : memref<512x1024xf32, #tpu.memory_space<any>>) dst(%dma_wait3A_441 : memref<512x1024xf32, #tpu.memory_space<vmem>>)
    %dma_start3A_445 = arith.constant 0 : i32
    %dma_start3A_446 = arith.constant 7 : i32
    %dma_start3A_447 = tpu.memref_slice %arg4[%dma_start3A_446] : memref<16x!tpu.dma_semaphore, #tpu.memory_space<semaphore_mem>> -> memref<1x!tpu.dma_semaphore, #tpu.memory_space<semaphore_mem>>
    %dma_start3A_448 = tpu.memref_squeeze %dma_start3A_447 : memref<1x!tpu.dma_semaphore, #tpu.memory_space<semaphore_mem>> -> memref<!tpu.dma_semaphore, #tpu.memory_space<semaphore_mem>>
    %dma_start3A_449 = arith.constant 3584 : i32
    %dma_start3A_450 = arith.constant 0 : i32
    %dma_start3A_451 = tpu.memref_slice %arg1[%dma_start3A_445, %dma_start3A_449, %dma_start3A_450] : memref<3x8192x1024xf32, #tpu.memory_space<any>> -> memref<1x512x1024xf32, #tpu.memory_space<any>>
    %dma_start3A_452 = tpu.memref_squeeze %dma_start3A_451 : memref<1x512x1024xf32, #tpu.memory_space<any>> -> memref<512x1024xf32, #tpu.memory_space<any>>
    %dma_start3A_453 = arith.constant 3584 : i32
    %dma_start3A_454 = arith.constant 0 : i32
    %dma_start3A_455 = tpu.memref_slice %arg2[%dma_start3A_453, %dma_start3A_454] : memref<8192x1024xf32, #tpu.memory_space<vmem>> -> memref<512x1024xf32, #tpu.memory_space<vmem>>
    tpu.enqueue_dma source(%dma_start3A_455 : memref<512x1024xf32, #tpu.memory_space<vmem>>) target(%dma_start3A_452 : memref<512x1024xf32, #tpu.memory_space<any>>) target_semaphore(%dma_start3A_448 : memref<!tpu.dma_semaphore, #tpu.memory_space<semaphore_mem>>)
    %dma_start3A_456 = arith.constant 1 : i32
    %dma_start3A_457 = arith.constant 7 : i32
    %dma_start3A_458 = tpu.memref_slice %arg4[%dma_start3A_457] : memref<16x!tpu.dma_semaphore, #tpu.memory_space<semaphore_mem>> -> memref<1x!tpu.dma_semaphore, #tpu.memory_space<semaphore_mem>>
    %dma_start3A_459 = tpu.memref_squeeze %dma_start3A_458 : memref<1x!tpu.dma_semaphore, #tpu.memory_space<semaphore_mem>> -> memref<!tpu.dma_semaphore, #tpu.memory_space<semaphore_mem>>
    %dma_start3A_460 = arith.constant 3584 : i32
    %dma_start3A_461 = arith.constant 0 : i32
    %dma_start3A_462 = tpu.memref_slice %arg1[%dma_start3A_456, %dma_start3A_460, %dma_start3A_461] : memref<3x8192x1024xf32, #tpu.memory_space<any>> -> memref<1x512x1024xf32, #tpu.memory_space<any>>
    %dma_start3A_463 = tpu.memref_squeeze %dma_start3A_462 : memref<1x512x1024xf32, #tpu.memory_space<any>> -> memref<512x1024xf32, #tpu.memory_space<any>>
    %dma_start3A_464 = arith.constant 3584 : i32
    %dma_start3A_465 = arith.constant 0 : i32
    %dma_start3A_466 = tpu.memref_slice %arg2[%dma_start3A_464, %dma_start3A_465] : memref<8192x1024xf32, #tpu.memory_space<vmem>> -> memref<512x1024xf32, #tpu.memory_space<vmem>>
    tpu.enqueue_dma source(%dma_start3A_466 : memref<512x1024xf32, #tpu.memory_space<vmem>>) target(%dma_start3A_463 : memref<512x1024xf32, #tpu.memory_space<any>>) target_semaphore(%dma_start3A_459 : memref<!tpu.dma_semaphore, #tpu.memory_space<semaphore_mem>>)
    %dma_start3A_467 = arith.constant 2 : i32
    %dma_start3A_468 = arith.constant 7 : i32
    %dma_start3A_469 = tpu.memref_slice %arg4[%dma_start3A_468] : memref<16x!tpu.dma_semaphore, #tpu.memory_space<semaphore_mem>> -> memref<1x!tpu.dma_semaphore, #tpu.memory_space<semaphore_mem>>
    %dma_start3A_470 = tpu.memref_squeeze %dma_start3A_469 : memref<1x!tpu.dma_semaphore, #tpu.memory_space<semaphore_mem>> -> memref<!tpu.dma_semaphore, #tpu.memory_space<semaphore_mem>>
    %dma_start3A_471 = arith.constant 3584 : i32
    %dma_start3A_472 = arith.constant 0 : i32
    %dma_start3A_473 = tpu.memref_slice %arg1[%dma_start3A_467, %dma_start3A_471, %dma_start3A_472] : memref<3x8192x1024xf32, #tpu.memory_space<any>> -> memref<1x512x1024xf32, #tpu.memory_space<any>>
    %dma_start3A_474 = tpu.memref_squeeze %dma_start3A_473 : memref<1x512x1024xf32, #tpu.memory_space<any>> -> memref<512x1024xf32, #tpu.memory_space<any>>
    %dma_start3A_475 = arith.constant 3584 : i32
    %dma_start3A_476 = arith.constant 0 : i32
    %dma_start3A_477 = tpu.memref_slice %arg2[%dma_start3A_475, %dma_start3A_476] : memref<8192x1024xf32, #tpu.memory_space<vmem>> -> memref<512x1024xf32, #tpu.memory_space<vmem>>
    tpu.enqueue_dma source(%dma_start3A_477 : memref<512x1024xf32, #tpu.memory_space<vmem>>) target(%dma_start3A_474 : memref<512x1024xf32, #tpu.memory_space<any>>) target_semaphore(%dma_start3A_470 : memref<!tpu.dma_semaphore, #tpu.memory_space<semaphore_mem>>)
    %dma_wait3A_478 = arith.constant 8 : i32
    %dma_wait3A_479 = tpu.memref_slice %arg3[%dma_wait3A_478] : memref<16x!tpu.dma_semaphore, #tpu.memory_space<semaphore_mem>> -> memref<1x!tpu.dma_semaphore, #tpu.memory_space<semaphore_mem>>
    %dma_wait3A_480 = tpu.memref_squeeze %dma_wait3A_479 : memref<1x!tpu.dma_semaphore, #tpu.memory_space<semaphore_mem>> -> memref<!tpu.dma_semaphore, #tpu.memory_space<semaphore_mem>>
    %dma_wait3A_481 = arith.constant 4096 : i32
    %dma_wait3A_482 = arith.constant 0 : i32
    %dma_wait3A_483 = tpu.memref_slice %arg2[%dma_wait3A_481, %dma_wait3A_482] : memref<8192x1024xf32, #tpu.memory_space<vmem>> -> memref<512x1024xf32, #tpu.memory_space<vmem>>
    %dma_wait3A_484 = arith.constant 4096 : i32
    %dma_wait3A_485 = arith.constant 0 : i32
    %dma_wait3A_486 = tpu.memref_slice %arg0[%dma_wait3A_484, %dma_wait3A_485] : memref<8192x1024xf32, #tpu.memory_space<any>> -> memref<512x1024xf32, #tpu.memory_space<any>>
    tpu.wait_dma2 semaphore(%dma_wait3A_480 : memref<!tpu.dma_semaphore, #tpu.memory_space<semaphore_mem>>) src(%dma_wait3A_486 : memref<512x1024xf32, #tpu.memory_space<any>>) dst(%dma_wait3A_483 : memref<512x1024xf32, #tpu.memory_space<vmem>>)
    %dma_start3A_487 = arith.constant 0 : i32
    %dma_start3A_488 = arith.constant 8 : i32
    %dma_start3A_489 = tpu.memref_slice %arg4[%dma_start3A_488] : memref<16x!tpu.dma_semaphore, #tpu.memory_space<semaphore_mem>> -> memref<1x!tpu.dma_semaphore, #tpu.memory_space<semaphore_mem>>
    %dma_start3A_490 = tpu.memref_squeeze %dma_start3A_489 : memref<1x!tpu.dma_semaphore, #tpu.memory_space<semaphore_mem>> -> memref<!tpu.dma_semaphore, #tpu.memory_space<semaphore_mem>>
    %dma_start3A_491 = arith.constant 4096 : i32
    %dma_start3A_492 = arith.constant 0 : i32
    %dma_start3A_493 = tpu.memref_slice %arg1[%dma_start3A_487, %dma_start3A_491, %dma_start3A_492] : memref<3x8192x1024xf32, #tpu.memory_space<any>> -> memref<1x512x1024xf32, #tpu.memory_space<any>>
    %dma_start3A_494 = tpu.memref_squeeze %dma_start3A_493 : memref<1x512x1024xf32, #tpu.memory_space<any>> -> memref<512x1024xf32, #tpu.memory_space<any>>
    %dma_start3A_495 = arith.constant 4096 : i32
    %dma_start3A_496 = arith.constant 0 : i32
    %dma_start3A_497 = tpu.memref_slice %arg2[%dma_start3A_495, %dma_start3A_496] : memref<8192x1024xf32, #tpu.memory_space<vmem>> -> memref<512x1024xf32, #tpu.memory_space<vmem>>
    tpu.enqueue_dma source(%dma_start3A_497 : memref<512x1024xf32, #tpu.memory_space<vmem>>) target(%dma_start3A_494 : memref<512x1024xf32, #tpu.memory_space<any>>) target_semaphore(%dma_start3A_490 : memref<!tpu.dma_semaphore, #tpu.memory_space<semaphore_mem>>)
    %dma_start3A_498 = arith.constant 1 : i32
    %dma_start3A_499 = arith.constant 8 : i32
    %dma_start3A_500 = tpu.memref_slice %arg4[%dma_start3A_499] : memref<16x!tpu.dma_semaphore, #tpu.memory_space<semaphore_mem>> -> memref<1x!tpu.dma_semaphore, #tpu.memory_space<semaphore_mem>>
    %dma_start3A_501 = tpu.memref_squeeze %dma_start3A_500 : memref<1x!tpu.dma_semaphore, #tpu.memory_space<semaphore_mem>> -> memref<!tpu.dma_semaphore, #tpu.memory_space<semaphore_mem>>
    %dma_start3A_502 = arith.constant 4096 : i32
    %dma_start3A_503 = arith.constant 0 : i32
    %dma_start3A_504 = tpu.memref_slice %arg1[%dma_start3A_498, %dma_start3A_502, %dma_start3A_503] : memref<3x8192x1024xf32, #tpu.memory_space<any>> -> memref<1x512x1024xf32, #tpu.memory_space<any>>
    %dma_start3A_505 = tpu.memref_squeeze %dma_start3A_504 : memref<1x512x1024xf32, #tpu.memory_space<any>> -> memref<512x1024xf32, #tpu.memory_space<any>>
    %dma_start3A_506 = arith.constant 4096 : i32
    %dma_start3A_507 = arith.constant 0 : i32
    %dma_start3A_508 = tpu.memref_slice %arg2[%dma_start3A_506, %dma_start3A_507] : memref<8192x1024xf32, #tpu.memory_space<vmem>> -> memref<512x1024xf32, #tpu.memory_space<vmem>>
    tpu.enqueue_dma source(%dma_start3A_508 : memref<512x1024xf32, #tpu.memory_space<vmem>>) target(%dma_start3A_505 : memref<512x1024xf32, #tpu.memory_space<any>>) target_semaphore(%dma_start3A_501 : memref<!tpu.dma_semaphore, #tpu.memory_space<semaphore_mem>>)
    %dma_start3A_509 = arith.constant 2 : i32
    %dma_start3A_510 = arith.constant 8 : i32
    %dma_start3A_511 = tpu.memref_slice %arg4[%dma_start3A_510] : memref<16x!tpu.dma_semaphore, #tpu.memory_space<semaphore_mem>> -> memref<1x!tpu.dma_semaphore, #tpu.memory_space<semaphore_mem>>
    %dma_start3A_512 = tpu.memref_squeeze %dma_start3A_511 : memref<1x!tpu.dma_semaphore, #tpu.memory_space<semaphore_mem>> -> memref<!tpu.dma_semaphore, #tpu.memory_space<semaphore_mem>>
    %dma_start3A_513 = arith.constant 4096 : i32
    %dma_start3A_514 = arith.constant 0 : i32
    %dma_start3A_515 = tpu.memref_slice %arg1[%dma_start3A_509, %dma_start3A_513, %dma_start3A_514] : memref<3x8192x1024xf32, #tpu.memory_space<any>> -> memref<1x512x1024xf32, #tpu.memory_space<any>>
    %dma_start3A_516 = tpu.memref_squeeze %dma_start3A_515 : memref<1x512x1024xf32, #tpu.memory_space<any>> -> memref<512x1024xf32, #tpu.memory_space<any>>
    %dma_start3A_517 = arith.constant 4096 : i32
    %dma_start3A_518 = arith.constant 0 : i32
    %dma_start3A_519 = tpu.memref_slice %arg2[%dma_start3A_517, %dma_start3A_518] : memref<8192x1024xf32, #tpu.memory_space<vmem>> -> memref<512x1024xf32, #tpu.memory_space<vmem>>
    tpu.enqueue_dma source(%dma_start3A_519 : memref<512x1024xf32, #tpu.memory_space<vmem>>) target(%dma_start3A_516 : memref<512x1024xf32, #tpu.memory_space<any>>) target_semaphore(%dma_start3A_512 : memref<!tpu.dma_semaphore, #tpu.memory_space<semaphore_mem>>)
    %dma_wait3A_520 = arith.constant 9 : i32
    %dma_wait3A_521 = tpu.memref_slice %arg3[%dma_wait3A_520] : memref<16x!tpu.dma_semaphore, #tpu.memory_space<semaphore_mem>> -> memref<1x!tpu.dma_semaphore, #tpu.memory_space<semaphore_mem>>
    %dma_wait3A_522 = tpu.memref_squeeze %dma_wait3A_521 : memref<1x!tpu.dma_semaphore, #tpu.memory_space<semaphore_mem>> -> memref<!tpu.dma_semaphore, #tpu.memory_space<semaphore_mem>>
    %dma_wait3A_523 = arith.constant 4608 : i32
    %dma_wait3A_524 = arith.constant 0 : i32
    %dma_wait3A_525 = tpu.memref_slice %arg2[%dma_wait3A_523, %dma_wait3A_524] : memref<8192x1024xf32, #tpu.memory_space<vmem>> -> memref<512x1024xf32, #tpu.memory_space<vmem>>
    %dma_wait3A_526 = arith.constant 4608 : i32
    %dma_wait3A_527 = arith.constant 0 : i32
    %dma_wait3A_528 = tpu.memref_slice %arg0[%dma_wait3A_526, %dma_wait3A_527] : memref<8192x1024xf32, #tpu.memory_space<any>> -> memref<512x1024xf32, #tpu.memory_space<any>>
    tpu.wait_dma2 semaphore(%dma_wait3A_522 : memref<!tpu.dma_semaphore, #tpu.memory_space<semaphore_mem>>) src(%dma_wait3A_528 : memref<512x1024xf32, #tpu.memory_space<any>>) dst(%dma_wait3A_525 : memref<512x1024xf32, #tpu.memory_space<vmem>>)
    %dma_start3A_529 = arith.constant 0 : i32
    %dma_start3A_530 = arith.constant 9 : i32
    %dma_start3A_531 = tpu.memref_slice %arg4[%dma_start3A_530] : memref<16x!tpu.dma_semaphore, #tpu.memory_space<semaphore_mem>> -> memref<1x!tpu.dma_semaphore, #tpu.memory_space<semaphore_mem>>
    %dma_start3A_532 = tpu.memref_squeeze %dma_start3A_531 : memref<1x!tpu.dma_semaphore, #tpu.memory_space<semaphore_mem>> -> memref<!tpu.dma_semaphore, #tpu.memory_space<semaphore_mem>>
    %dma_start3A_533 = arith.constant 4608 : i32
    %dma_start3A_534 = arith.constant 0 : i32
    %dma_start3A_535 = tpu.memref_slice %arg1[%dma_start3A_529, %dma_start3A_533, %dma_start3A_534] : memref<3x8192x1024xf32, #tpu.memory_space<any>> -> memref<1x512x1024xf32, #tpu.memory_space<any>>
    %dma_start3A_536 = tpu.memref_squeeze %dma_start3A_535 : memref<1x512x1024xf32, #tpu.memory_space<any>> -> memref<512x1024xf32, #tpu.memory_space<any>>
    %dma_start3A_537 = arith.constant 4608 : i32
    %dma_start3A_538 = arith.constant 0 : i32
    %dma_start3A_539 = tpu.memref_slice %arg2[%dma_start3A_537, %dma_start3A_538] : memref<8192x1024xf32, #tpu.memory_space<vmem>> -> memref<512x1024xf32, #tpu.memory_space<vmem>>
    tpu.enqueue_dma source(%dma_start3A_539 : memref<512x1024xf32, #tpu.memory_space<vmem>>) target(%dma_start3A_536 : memref<512x1024xf32, #tpu.memory_space<any>>) target_semaphore(%dma_start3A_532 : memref<!tpu.dma_semaphore, #tpu.memory_space<semaphore_mem>>)
    %dma_start3A_540 = arith.constant 1 : i32
    %dma_start3A_541 = arith.constant 9 : i32
    %dma_start3A_542 = tpu.memref_slice %arg4[%dma_start3A_541] : memref<16x!tpu.dma_semaphore, #tpu.memory_space<semaphore_mem>> -> memref<1x!tpu.dma_semaphore, #tpu.memory_space<semaphore_mem>>
    %dma_start3A_543 = tpu.memref_squeeze %dma_start3A_542 : memref<1x!tpu.dma_semaphore, #tpu.memory_space<semaphore_mem>> -> memref<!tpu.dma_semaphore, #tpu.memory_space<semaphore_mem>>
    %dma_start3A_544 = arith.constant 4608 : i32
    %dma_start3A_545 = arith.constant 0 : i32
    %dma_start3A_546 = tpu.memref_slice %arg1[%dma_start3A_540, %dma_start3A_544, %dma_start3A_545] : memref<3x8192x1024xf32, #tpu.memory_space<any>> -> memref<1x512x1024xf32, #tpu.memory_space<any>>
    %dma_start3A_547 = tpu.memref_squeeze %dma_start3A_546 : memref<1x512x1024xf32, #tpu.memory_space<any>> -> memref<512x1024xf32, #tpu.memory_space<any>>
    %dma_start3A_548 = arith.constant 4608 : i32
    %dma_start3A_549 = arith.constant 0 : i32
    %dma_start3A_550 = tpu.memref_slice %arg2[%dma_start3A_548, %dma_start3A_549] : memref<8192x1024xf32, #tpu.memory_space<vmem>> -> memref<512x1024xf32, #tpu.memory_space<vmem>>
    tpu.enqueue_dma source(%dma_start3A_550 : memref<512x1024xf32, #tpu.memory_space<vmem>>) target(%dma_start3A_547 : memref<512x1024xf32, #tpu.memory_space<any>>) target_semaphore(%dma_start3A_543 : memref<!tpu.dma_semaphore, #tpu.memory_space<semaphore_mem>>)
    %dma_start3A_551 = arith.constant 2 : i32
    %dma_start3A_552 = arith.constant 9 : i32
    %dma_start3A_553 = tpu.memref_slice %arg4[%dma_start3A_552] : memref<16x!tpu.dma_semaphore, #tpu.memory_space<semaphore_mem>> -> memref<1x!tpu.dma_semaphore, #tpu.memory_space<semaphore_mem>>
    %dma_start3A_554 = tpu.memref_squeeze %dma_start3A_553 : memref<1x!tpu.dma_semaphore, #tpu.memory_space<semaphore_mem>> -> memref<!tpu.dma_semaphore, #tpu.memory_space<semaphore_mem>>
    %dma_start3A_555 = arith.constant 4608 : i32
    %dma_start3A_556 = arith.constant 0 : i32
    %dma_start3A_557 = tpu.memref_slice %arg1[%dma_start3A_551, %dma_start3A_555, %dma_start3A_556] : memref<3x8192x1024xf32, #tpu.memory_space<any>> -> memref<1x512x1024xf32, #tpu.memory_space<any>>
    %dma_start3A_558 = tpu.memref_squeeze %dma_start3A_557 : memref<1x512x1024xf32, #tpu.memory_space<any>> -> memref<512x1024xf32, #tpu.memory_space<any>>
    %dma_start3A_559 = arith.constant 4608 : i32
    %dma_start3A_560 = arith.constant 0 : i32
    %dma_start3A_561 = tpu.memref_slice %arg2[%dma_start3A_559, %dma_start3A_560] : memref<8192x1024xf32, #tpu.memory_space<vmem>> -> memref<512x1024xf32, #tpu.memory_space<vmem>>
    tpu.enqueue_dma source(%dma_start3A_561 : memref<512x1024xf32, #tpu.memory_space<vmem>>) target(%dma_start3A_558 : memref<512x1024xf32, #tpu.memory_space<any>>) target_semaphore(%dma_start3A_554 : memref<!tpu.dma_semaphore, #tpu.memory_space<semaphore_mem>>)
    %dma_wait3A_562 = arith.constant 10 : i32
    %dma_wait3A_563 = tpu.memref_slice %arg3[%dma_wait3A_562] : memref<16x!tpu.dma_semaphore, #tpu.memory_space<semaphore_mem>> -> memref<1x!tpu.dma_semaphore, #tpu.memory_space<semaphore_mem>>
    %dma_wait3A_564 = tpu.memref_squeeze %dma_wait3A_563 : memref<1x!tpu.dma_semaphore, #tpu.memory_space<semaphore_mem>> -> memref<!tpu.dma_semaphore, #tpu.memory_space<semaphore_mem>>
    %dma_wait3A_565 = arith.constant 5120 : i32
    %dma_wait3A_566 = arith.constant 0 : i32
    %dma_wait3A_567 = tpu.memref_slice %arg2[%dma_wait3A_565, %dma_wait3A_566] : memref<8192x1024xf32, #tpu.memory_space<vmem>> -> memref<512x1024xf32, #tpu.memory_space<vmem>>
    %dma_wait3A_568 = arith.constant 5120 : i32
    %dma_wait3A_569 = arith.constant 0 : i32
    %dma_wait3A_570 = tpu.memref_slice %arg0[%dma_wait3A_568, %dma_wait3A_569] : memref<8192x1024xf32, #tpu.memory_space<any>> -> memref<512x1024xf32, #tpu.memory_space<any>>
    tpu.wait_dma2 semaphore(%dma_wait3A_564 : memref<!tpu.dma_semaphore, #tpu.memory_space<semaphore_mem>>) src(%dma_wait3A_570 : memref<512x1024xf32, #tpu.memory_space<any>>) dst(%dma_wait3A_567 : memref<512x1024xf32, #tpu.memory_space<vmem>>)
    %dma_start3A_571 = arith.constant 0 : i32
    %dma_start3A_572 = arith.constant 10 : i32
    %dma_start3A_573 = tpu.memref_slice %arg4[%dma_start3A_572] : memref<16x!tpu.dma_semaphore, #tpu.memory_space<semaphore_mem>> -> memref<1x!tpu.dma_semaphore, #tpu.memory_space<semaphore_mem>>
    %dma_start3A_574 = tpu.memref_squeeze %dma_start3A_573 : memref<1x!tpu.dma_semaphore, #tpu.memory_space<semaphore_mem>> -> memref<!tpu.dma_semaphore, #tpu.memory_space<semaphore_mem>>
    %dma_start3A_575 = arith.constant 5120 : i32
    %dma_start3A_576 = arith.constant 0 : i32
    %dma_start3A_577 = tpu.memref_slice %arg1[%dma_start3A_571, %dma_start3A_575, %dma_start3A_576] : memref<3x8192x1024xf32, #tpu.memory_space<any>> -> memref<1x512x1024xf32, #tpu.memory_space<any>>
    %dma_start3A_578 = tpu.memref_squeeze %dma_start3A_577 : memref<1x512x1024xf32, #tpu.memory_space<any>> -> memref<512x1024xf32, #tpu.memory_space<any>>
    %dma_start3A_579 = arith.constant 5120 : i32
    %dma_start3A_580 = arith.constant 0 : i32
    %dma_start3A_581 = tpu.memref_slice %arg2[%dma_start3A_579, %dma_start3A_580] : memref<8192x1024xf32, #tpu.memory_space<vmem>> -> memref<512x1024xf32, #tpu.memory_space<vmem>>
    tpu.enqueue_dma source(%dma_start3A_581 : memref<512x1024xf32, #tpu.memory_space<vmem>>) target(%dma_start3A_578 : memref<512x1024xf32, #tpu.memory_space<any>>) target_semaphore(%dma_start3A_574 : memref<!tpu.dma_semaphore, #tpu.memory_space<semaphore_mem>>)
    %dma_start3A_582 = arith.constant 1 : i32
    %dma_start3A_583 = arith.constant 10 : i32
    %dma_start3A_584 = tpu.memref_slice %arg4[%dma_start3A_583] : memref<16x!tpu.dma_semaphore, #tpu.memory_space<semaphore_mem>> -> memref<1x!tpu.dma_semaphore, #tpu.memory_space<semaphore_mem>>
    %dma_start3A_585 = tpu.memref_squeeze %dma_start3A_584 : memref<1x!tpu.dma_semaphore, #tpu.memory_space<semaphore_mem>> -> memref<!tpu.dma_semaphore, #tpu.memory_space<semaphore_mem>>
    %dma_start3A_586 = arith.constant 5120 : i32
    %dma_start3A_587 = arith.constant 0 : i32
    %dma_start3A_588 = tpu.memref_slice %arg1[%dma_start3A_582, %dma_start3A_586, %dma_start3A_587] : memref<3x8192x1024xf32, #tpu.memory_space<any>> -> memref<1x512x1024xf32, #tpu.memory_space<any>>
    %dma_start3A_589 = tpu.memref_squeeze %dma_start3A_588 : memref<1x512x1024xf32, #tpu.memory_space<any>> -> memref<512x1024xf32, #tpu.memory_space<any>>
    %dma_start3A_590 = arith.constant 5120 : i32
    %dma_start3A_591 = arith.constant 0 : i32
    %dma_start3A_592 = tpu.memref_slice %arg2[%dma_start3A_590, %dma_start3A_591] : memref<8192x1024xf32, #tpu.memory_space<vmem>> -> memref<512x1024xf32, #tpu.memory_space<vmem>>
    tpu.enqueue_dma source(%dma_start3A_592 : memref<512x1024xf32, #tpu.memory_space<vmem>>) target(%dma_start3A_589 : memref<512x1024xf32, #tpu.memory_space<any>>) target_semaphore(%dma_start3A_585 : memref<!tpu.dma_semaphore, #tpu.memory_space<semaphore_mem>>)
    %dma_start3A_593 = arith.constant 2 : i32
    %dma_start3A_594 = arith.constant 10 : i32
    %dma_start3A_595 = tpu.memref_slice %arg4[%dma_start3A_594] : memref<16x!tpu.dma_semaphore, #tpu.memory_space<semaphore_mem>> -> memref<1x!tpu.dma_semaphore, #tpu.memory_space<semaphore_mem>>
    %dma_start3A_596 = tpu.memref_squeeze %dma_start3A_595 : memref<1x!tpu.dma_semaphore, #tpu.memory_space<semaphore_mem>> -> memref<!tpu.dma_semaphore, #tpu.memory_space<semaphore_mem>>
    %dma_start3A_597 = arith.constant 5120 : i32
    %dma_start3A_598 = arith.constant 0 : i32
    %dma_start3A_599 = tpu.memref_slice %arg1[%dma_start3A_593, %dma_start3A_597, %dma_start3A_598] : memref<3x8192x1024xf32, #tpu.memory_space<any>> -> memref<1x512x1024xf32, #tpu.memory_space<any>>
    %dma_start3A_600 = tpu.memref_squeeze %dma_start3A_599 : memref<1x512x1024xf32, #tpu.memory_space<any>> -> memref<512x1024xf32, #tpu.memory_space<any>>
    %dma_start3A_601 = arith.constant 5120 : i32
    %dma_start3A_602 = arith.constant 0 : i32
    %dma_start3A_603 = tpu.memref_slice %arg2[%dma_start3A_601, %dma_start3A_602] : memref<8192x1024xf32, #tpu.memory_space<vmem>> -> memref<512x1024xf32, #tpu.memory_space<vmem>>
    tpu.enqueue_dma source(%dma_start3A_603 : memref<512x1024xf32, #tpu.memory_space<vmem>>) target(%dma_start3A_600 : memref<512x1024xf32, #tpu.memory_space<any>>) target_semaphore(%dma_start3A_596 : memref<!tpu.dma_semaphore, #tpu.memory_space<semaphore_mem>>)
    %dma_wait3A_604 = arith.constant 11 : i32
    %dma_wait3A_605 = tpu.memref_slice %arg3[%dma_wait3A_604] : memref<16x!tpu.dma_semaphore, #tpu.memory_space<semaphore_mem>> -> memref<1x!tpu.dma_semaphore, #tpu.memory_space<semaphore_mem>>
    %dma_wait3A_606 = tpu.memref_squeeze %dma_wait3A_605 : memref<1x!tpu.dma_semaphore, #tpu.memory_space<semaphore_mem>> -> memref<!tpu.dma_semaphore, #tpu.memory_space<semaphore_mem>>
    %dma_wait3A_607 = arith.constant 5632 : i32
    %dma_wait3A_608 = arith.constant 0 : i32
    %dma_wait3A_609 = tpu.memref_slice %arg2[%dma_wait3A_607, %dma_wait3A_608] : memref<8192x1024xf32, #tpu.memory_space<vmem>> -> memref<512x1024xf32, #tpu.memory_space<vmem>>
    %dma_wait3A_610 = arith.constant 5632 : i32
    %dma_wait3A_611 = arith.constant 0 : i32
    %dma_wait3A_612 = tpu.memref_slice %arg0[%dma_wait3A_610, %dma_wait3A_611] : memref<8192x1024xf32, #tpu.memory_space<any>> -> memref<512x1024xf32, #tpu.memory_space<any>>
    tpu.wait_dma2 semaphore(%dma_wait3A_606 : memref<!tpu.dma_semaphore, #tpu.memory_space<semaphore_mem>>) src(%dma_wait3A_612 : memref<512x1024xf32, #tpu.memory_space<any>>) dst(%dma_wait3A_609 : memref<512x1024xf32, #tpu.memory_space<vmem>>)
    %dma_start3A_613 = arith.constant 0 : i32
    %dma_start3A_614 = arith.constant 11 : i32
    %dma_start3A_615 = tpu.memref_slice %arg4[%dma_start3A_614] : memref<16x!tpu.dma_semaphore, #tpu.memory_space<semaphore_mem>> -> memref<1x!tpu.dma_semaphore, #tpu.memory_space<semaphore_mem>>
    %dma_start3A_616 = tpu.memref_squeeze %dma_start3A_615 : memref<1x!tpu.dma_semaphore, #tpu.memory_space<semaphore_mem>> -> memref<!tpu.dma_semaphore, #tpu.memory_space<semaphore_mem>>
    %dma_start3A_617 = arith.constant 5632 : i32
    %dma_start3A_618 = arith.constant 0 : i32
    %dma_start3A_619 = tpu.memref_slice %arg1[%dma_start3A_613, %dma_start3A_617, %dma_start3A_618] : memref<3x8192x1024xf32, #tpu.memory_space<any>> -> memref<1x512x1024xf32, #tpu.memory_space<any>>
    %dma_start3A_620 = tpu.memref_squeeze %dma_start3A_619 : memref<1x512x1024xf32, #tpu.memory_space<any>> -> memref<512x1024xf32, #tpu.memory_space<any>>
    %dma_start3A_621 = arith.constant 5632 : i32
    %dma_start3A_622 = arith.constant 0 : i32
    %dma_start3A_623 = tpu.memref_slice %arg2[%dma_start3A_621, %dma_start3A_622] : memref<8192x1024xf32, #tpu.memory_space<vmem>> -> memref<512x1024xf32, #tpu.memory_space<vmem>>
    tpu.enqueue_dma source(%dma_start3A_623 : memref<512x1024xf32, #tpu.memory_space<vmem>>) target(%dma_start3A_620 : memref<512x1024xf32, #tpu.memory_space<any>>) target_semaphore(%dma_start3A_616 : memref<!tpu.dma_semaphore, #tpu.memory_space<semaphore_mem>>)
    %dma_start3A_624 = arith.constant 1 : i32
    %dma_start3A_625 = arith.constant 11 : i32
    %dma_start3A_626 = tpu.memref_slice %arg4[%dma_start3A_625] : memref<16x!tpu.dma_semaphore, #tpu.memory_space<semaphore_mem>> -> memref<1x!tpu.dma_semaphore, #tpu.memory_space<semaphore_mem>>
    %dma_start3A_627 = tpu.memref_squeeze %dma_start3A_626 : memref<1x!tpu.dma_semaphore, #tpu.memory_space<semaphore_mem>> -> memref<!tpu.dma_semaphore, #tpu.memory_space<semaphore_mem>>
    %dma_start3A_628 = arith.constant 5632 : i32
    %dma_start3A_629 = arith.constant 0 : i32
    %dma_start3A_630 = tpu.memref_slice %arg1[%dma_start3A_624, %dma_start3A_628, %dma_start3A_629] : memref<3x8192x1024xf32, #tpu.memory_space<any>> -> memref<1x512x1024xf32, #tpu.memory_space<any>>
    %dma_start3A_631 = tpu.memref_squeeze %dma_start3A_630 : memref<1x512x1024xf32, #tpu.memory_space<any>> -> memref<512x1024xf32, #tpu.memory_space<any>>
    %dma_start3A_632 = arith.constant 5632 : i32
    %dma_start3A_633 = arith.constant 0 : i32
    %dma_start3A_634 = tpu.memref_slice %arg2[%dma_start3A_632, %dma_start3A_633] : memref<8192x1024xf32, #tpu.memory_space<vmem>> -> memref<512x1024xf32, #tpu.memory_space<vmem>>
    tpu.enqueue_dma source(%dma_start3A_634 : memref<512x1024xf32, #tpu.memory_space<vmem>>) target(%dma_start3A_631 : memref<512x1024xf32, #tpu.memory_space<any>>) target_semaphore(%dma_start3A_627 : memref<!tpu.dma_semaphore, #tpu.memory_space<semaphore_mem>>)
    %dma_start3A_635 = arith.constant 2 : i32
    %dma_start3A_636 = arith.constant 11 : i32
    %dma_start3A_637 = tpu.memref_slice %arg4[%dma_start3A_636] : memref<16x!tpu.dma_semaphore, #tpu.memory_space<semaphore_mem>> -> memref<1x!tpu.dma_semaphore, #tpu.memory_space<semaphore_mem>>
    %dma_start3A_638 = tpu.memref_squeeze %dma_start3A_637 : memref<1x!tpu.dma_semaphore, #tpu.memory_space<semaphore_mem>> -> memref<!tpu.dma_semaphore, #tpu.memory_space<semaphore_mem>>
    %dma_start3A_639 = arith.constant 5632 : i32
    %dma_start3A_640 = arith.constant 0 : i32
    %dma_start3A_641 = tpu.memref_slice %arg1[%dma_start3A_635, %dma_start3A_639, %dma_start3A_640] : memref<3x8192x1024xf32, #tpu.memory_space<any>> -> memref<1x512x1024xf32, #tpu.memory_space<any>>
    %dma_start3A_642 = tpu.memref_squeeze %dma_start3A_641 : memref<1x512x1024xf32, #tpu.memory_space<any>> -> memref<512x1024xf32, #tpu.memory_space<any>>
    %dma_start3A_643 = arith.constant 5632 : i32
    %dma_start3A_644 = arith.constant 0 : i32
    %dma_start3A_645 = tpu.memref_slice %arg2[%dma_start3A_643, %dma_start3A_644] : memref<8192x1024xf32, #tpu.memory_space<vmem>> -> memref<512x1024xf32, #tpu.memory_space<vmem>>
    tpu.enqueue_dma source(%dma_start3A_645 : memref<512x1024xf32, #tpu.memory_space<vmem>>) target(%dma_start3A_642 : memref<512x1024xf32, #tpu.memory_space<any>>) target_semaphore(%dma_start3A_638 : memref<!tpu.dma_semaphore, #tpu.memory_space<semaphore_mem>>)
    %dma_wait3A_646 = arith.constant 12 : i32
    %dma_wait3A_647 = tpu.memref_slice %arg3[%dma_wait3A_646] : memref<16x!tpu.dma_semaphore, #tpu.memory_space<semaphore_mem>> -> memref<1x!tpu.dma_semaphore, #tpu.memory_space<semaphore_mem>>
    %dma_wait3A_648 = tpu.memref_squeeze %dma_wait3A_647 : memref<1x!tpu.dma_semaphore, #tpu.memory_space<semaphore_mem>> -> memref<!tpu.dma_semaphore, #tpu.memory_space<semaphore_mem>>
    %dma_wait3A_649 = arith.constant 6144 : i32
    %dma_wait3A_650 = arith.constant 0 : i32
    %dma_wait3A_651 = tpu.memref_slice %arg2[%dma_wait3A_649, %dma_wait3A_650] : memref<8192x1024xf32, #tpu.memory_space<vmem>> -> memref<512x1024xf32, #tpu.memory_space<vmem>>
    %dma_wait3A_652 = arith.constant 6144 : i32
    %dma_wait3A_653 = arith.constant 0 : i32
    %dma_wait3A_654 = tpu.memref_slice %arg0[%dma_wait3A_652, %dma_wait3A_653] : memref<8192x1024xf32, #tpu.memory_space<any>> -> memref<512x1024xf32, #tpu.memory_space<any>>
    tpu.wait_dma2 semaphore(%dma_wait3A_648 : memref<!tpu.dma_semaphore, #tpu.memory_space<semaphore_mem>>) src(%dma_wait3A_654 : memref<512x1024xf32, #tpu.memory_space<any>>) dst(%dma_wait3A_651 : memref<512x1024xf32, #tpu.memory_space<vmem>>)
    %dma_start3A_655 = arith.constant 0 : i32
    %dma_start3A_656 = arith.constant 12 : i32
    %dma_start3A_657 = tpu.memref_slice %arg4[%dma_start3A_656] : memref<16x!tpu.dma_semaphore, #tpu.memory_space<semaphore_mem>> -> memref<1x!tpu.dma_semaphore, #tpu.memory_space<semaphore_mem>>
    %dma_start3A_658 = tpu.memref_squeeze %dma_start3A_657 : memref<1x!tpu.dma_semaphore, #tpu.memory_space<semaphore_mem>> -> memref<!tpu.dma_semaphore, #tpu.memory_space<semaphore_mem>>
    %dma_start3A_659 = arith.constant 6144 : i32
    %dma_start3A_660 = arith.constant 0 : i32
    %dma_start3A_661 = tpu.memref_slice %arg1[%dma_start3A_655, %dma_start3A_659, %dma_start3A_660] : memref<3x8192x1024xf32, #tpu.memory_space<any>> -> memref<1x512x1024xf32, #tpu.memory_space<any>>
    %dma_start3A_662 = tpu.memref_squeeze %dma_start3A_661 : memref<1x512x1024xf32, #tpu.memory_space<any>> -> memref<512x1024xf32, #tpu.memory_space<any>>
    %dma_start3A_663 = arith.constant 6144 : i32
    %dma_start3A_664 = arith.constant 0 : i32
    %dma_start3A_665 = tpu.memref_slice %arg2[%dma_start3A_663, %dma_start3A_664] : memref<8192x1024xf32, #tpu.memory_space<vmem>> -> memref<512x1024xf32, #tpu.memory_space<vmem>>
    tpu.enqueue_dma source(%dma_start3A_665 : memref<512x1024xf32, #tpu.memory_space<vmem>>) target(%dma_start3A_662 : memref<512x1024xf32, #tpu.memory_space<any>>) target_semaphore(%dma_start3A_658 : memref<!tpu.dma_semaphore, #tpu.memory_space<semaphore_mem>>)
    %dma_start3A_666 = arith.constant 1 : i32
    %dma_start3A_667 = arith.constant 12 : i32
    %dma_start3A_668 = tpu.memref_slice %arg4[%dma_start3A_667] : memref<16x!tpu.dma_semaphore, #tpu.memory_space<semaphore_mem>> -> memref<1x!tpu.dma_semaphore, #tpu.memory_space<semaphore_mem>>
    %dma_start3A_669 = tpu.memref_squeeze %dma_start3A_668 : memref<1x!tpu.dma_semaphore, #tpu.memory_space<semaphore_mem>> -> memref<!tpu.dma_semaphore, #tpu.memory_space<semaphore_mem>>
    %dma_start3A_670 = arith.constant 6144 : i32
    %dma_start3A_671 = arith.constant 0 : i32
    %dma_start3A_672 = tpu.memref_slice %arg1[%dma_start3A_666, %dma_start3A_670, %dma_start3A_671] : memref<3x8192x1024xf32, #tpu.memory_space<any>> -> memref<1x512x1024xf32, #tpu.memory_space<any>>
    %dma_start3A_673 = tpu.memref_squeeze %dma_start3A_672 : memref<1x512x1024xf32, #tpu.memory_space<any>> -> memref<512x1024xf32, #tpu.memory_space<any>>
    %dma_start3A_674 = arith.constant 6144 : i32
    %dma_start3A_675 = arith.constant 0 : i32
    %dma_start3A_676 = tpu.memref_slice %arg2[%dma_start3A_674, %dma_start3A_675] : memref<8192x1024xf32, #tpu.memory_space<vmem>> -> memref<512x1024xf32, #tpu.memory_space<vmem>>
    tpu.enqueue_dma source(%dma_start3A_676 : memref<512x1024xf32, #tpu.memory_space<vmem>>) target(%dma_start3A_673 : memref<512x1024xf32, #tpu.memory_space<any>>) target_semaphore(%dma_start3A_669 : memref<!tpu.dma_semaphore, #tpu.memory_space<semaphore_mem>>)
    %dma_start3A_677 = arith.constant 2 : i32
    %dma_start3A_678 = arith.constant 12 : i32
    %dma_start3A_679 = tpu.memref_slice %arg4[%dma_start3A_678] : memref<16x!tpu.dma_semaphore, #tpu.memory_space<semaphore_mem>> -> memref<1x!tpu.dma_semaphore, #tpu.memory_space<semaphore_mem>>
    %dma_start3A_680 = tpu.memref_squeeze %dma_start3A_679 : memref<1x!tpu.dma_semaphore, #tpu.memory_space<semaphore_mem>> -> memref<!tpu.dma_semaphore, #tpu.memory_space<semaphore_mem>>
    %dma_start3A_681 = arith.constant 6144 : i32
    %dma_start3A_682 = arith.constant 0 : i32
    %dma_start3A_683 = tpu.memref_slice %arg1[%dma_start3A_677, %dma_start3A_681, %dma_start3A_682] : memref<3x8192x1024xf32, #tpu.memory_space<any>> -> memref<1x512x1024xf32, #tpu.memory_space<any>>
    %dma_start3A_684 = tpu.memref_squeeze %dma_start3A_683 : memref<1x512x1024xf32, #tpu.memory_space<any>> -> memref<512x1024xf32, #tpu.memory_space<any>>
    %dma_start3A_685 = arith.constant 6144 : i32
    %dma_start3A_686 = arith.constant 0 : i32
    %dma_start3A_687 = tpu.memref_slice %arg2[%dma_start3A_685, %dma_start3A_686] : memref<8192x1024xf32, #tpu.memory_space<vmem>> -> memref<512x1024xf32, #tpu.memory_space<vmem>>
    tpu.enqueue_dma source(%dma_start3A_687 : memref<512x1024xf32, #tpu.memory_space<vmem>>) target(%dma_start3A_684 : memref<512x1024xf32, #tpu.memory_space<any>>) target_semaphore(%dma_start3A_680 : memref<!tpu.dma_semaphore, #tpu.memory_space<semaphore_mem>>)
    %dma_wait3A_688 = arith.constant 13 : i32
    %dma_wait3A_689 = tpu.memref_slice %arg3[%dma_wait3A_688] : memref<16x!tpu.dma_semaphore, #tpu.memory_space<semaphore_mem>> -> memref<1x!tpu.dma_semaphore, #tpu.memory_space<semaphore_mem>>
    %dma_wait3A_690 = tpu.memref_squeeze %dma_wait3A_689 : memref<1x!tpu.dma_semaphore, #tpu.memory_space<semaphore_mem>> -> memref<!tpu.dma_semaphore, #tpu.memory_space<semaphore_mem>>
    %dma_wait3A_691 = arith.constant 6656 : i32
    %dma_wait3A_692 = arith.constant 0 : i32
    %dma_wait3A_693 = tpu.memref_slice %arg2[%dma_wait3A_691, %dma_wait3A_692] : memref<8192x1024xf32, #tpu.memory_space<vmem>> -> memref<512x1024xf32, #tpu.memory_space<vmem>>
    %dma_wait3A_694 = arith.constant 6656 : i32
    %dma_wait3A_695 = arith.constant 0 : i32
    %dma_wait3A_696 = tpu.memref_slice %arg0[%dma_wait3A_694, %dma_wait3A_695] : memref<8192x1024xf32, #tpu.memory_space<any>> -> memref<512x1024xf32, #tpu.memory_space<any>>
    tpu.wait_dma2 semaphore(%dma_wait3A_690 : memref<!tpu.dma_semaphore, #tpu.memory_space<semaphore_mem>>) src(%dma_wait3A_696 : memref<512x1024xf32, #tpu.memory_space<any>>) dst(%dma_wait3A_693 : memref<512x1024xf32, #tpu.memory_space<vmem>>)
    %dma_start3A_697 = arith.constant 0 : i32
    %dma_start3A_698 = arith.constant 13 : i32
    %dma_start3A_699 = tpu.memref_slice %arg4[%dma_start3A_698] : memref<16x!tpu.dma_semaphore, #tpu.memory_space<semaphore_mem>> -> memref<1x!tpu.dma_semaphore, #tpu.memory_space<semaphore_mem>>
    %dma_start3A_700 = tpu.memref_squeeze %dma_start3A_699 : memref<1x!tpu.dma_semaphore, #tpu.memory_space<semaphore_mem>> -> memref<!tpu.dma_semaphore, #tpu.memory_space<semaphore_mem>>
    %dma_start3A_701 = arith.constant 6656 : i32
    %dma_start3A_702 = arith.constant 0 : i32
    %dma_start3A_703 = tpu.memref_slice %arg1[%dma_start3A_697, %dma_start3A_701, %dma_start3A_702] : memref<3x8192x1024xf32, #tpu.memory_space<any>> -> memref<1x512x1024xf32, #tpu.memory_space<any>>
    %dma_start3A_704 = tpu.memref_squeeze %dma_start3A_703 : memref<1x512x1024xf32, #tpu.memory_space<any>> -> memref<512x1024xf32, #tpu.memory_space<any>>
    %dma_start3A_705 = arith.constant 6656 : i32
    %dma_start3A_706 = arith.constant 0 : i32
    %dma_start3A_707 = tpu.memref_slice %arg2[%dma_start3A_705, %dma_start3A_706] : memref<8192x1024xf32, #tpu.memory_space<vmem>> -> memref<512x1024xf32, #tpu.memory_space<vmem>>
    tpu.enqueue_dma source(%dma_start3A_707 : memref<512x1024xf32, #tpu.memory_space<vmem>>) target(%dma_start3A_704 : memref<512x1024xf32, #tpu.memory_space<any>>) target_semaphore(%dma_start3A_700 : memref<!tpu.dma_semaphore, #tpu.memory_space<semaphore_mem>>)
    %dma_start3A_708 = arith.constant 1 : i32
    %dma_start3A_709 = arith.constant 13 : i32
    %dma_start3A_710 = tpu.memref_slice %arg4[%dma_start3A_709] : memref<16x!tpu.dma_semaphore, #tpu.memory_space<semaphore_mem>> -> memref<1x!tpu.dma_semaphore, #tpu.memory_space<semaphore_mem>>
    %dma_start3A_711 = tpu.memref_squeeze %dma_start3A_710 : memref<1x!tpu.dma_semaphore, #tpu.memory_space<semaphore_mem>> -> memref<!tpu.dma_semaphore, #tpu.memory_space<semaphore_mem>>
    %dma_start3A_712 = arith.constant 6656 : i32
    %dma_start3A_713 = arith.constant 0 : i32
    %dma_start3A_714 = tpu.memref_slice %arg1[%dma_start3A_708, %dma_start3A_712, %dma_start3A_713] : memref<3x8192x1024xf32, #tpu.memory_space<any>> -> memref<1x512x1024xf32, #tpu.memory_space<any>>
    %dma_start3A_715 = tpu.memref_squeeze %dma_start3A_714 : memref<1x512x1024xf32, #tpu.memory_space<any>> -> memref<512x1024xf32, #tpu.memory_space<any>>
    %dma_start3A_716 = arith.constant 6656 : i32
    %dma_start3A_717 = arith.constant 0 : i32
    %dma_start3A_718 = tpu.memref_slice %arg2[%dma_start3A_716, %dma_start3A_717] : memref<8192x1024xf32, #tpu.memory_space<vmem>> -> memref<512x1024xf32, #tpu.memory_space<vmem>>
    tpu.enqueue_dma source(%dma_start3A_718 : memref<512x1024xf32, #tpu.memory_space<vmem>>) target(%dma_start3A_715 : memref<512x1024xf32, #tpu.memory_space<any>>) target_semaphore(%dma_start3A_711 : memref<!tpu.dma_semaphore, #tpu.memory_space<semaphore_mem>>)
    %dma_start3A_719 = arith.constant 2 : i32
    %dma_start3A_720 = arith.constant 13 : i32
    %dma_start3A_721 = tpu.memref_slice %arg4[%dma_start3A_720] : memref<16x!tpu.dma_semaphore, #tpu.memory_space<semaphore_mem>> -> memref<1x!tpu.dma_semaphore, #tpu.memory_space<semaphore_mem>>
    %dma_start3A_722 = tpu.memref_squeeze %dma_start3A_721 : memref<1x!tpu.dma_semaphore, #tpu.memory_space<semaphore_mem>> -> memref<!tpu.dma_semaphore, #tpu.memory_space<semaphore_mem>>
    %dma_start3A_723 = arith.constant 6656 : i32
    %dma_start3A_724 = arith.constant 0 : i32
    %dma_start3A_725 = tpu.memref_slice %arg1[%dma_start3A_719, %dma_start3A_723, %dma_start3A_724] : memref<3x8192x1024xf32, #tpu.memory_space<any>> -> memref<1x512x1024xf32, #tpu.memory_space<any>>
    %dma_start3A_726 = tpu.memref_squeeze %dma_start3A_725 : memref<1x512x1024xf32, #tpu.memory_space<any>> -> memref<512x1024xf32, #tpu.memory_space<any>>
    %dma_start3A_727 = arith.constant 6656 : i32
    %dma_start3A_728 = arith.constant 0 : i32
    %dma_start3A_729 = tpu.memref_slice %arg2[%dma_start3A_727, %dma_start3A_728] : memref<8192x1024xf32, #tpu.memory_space<vmem>> -> memref<512x1024xf32, #tpu.memory_space<vmem>>
    tpu.enqueue_dma source(%dma_start3A_729 : memref<512x1024xf32, #tpu.memory_space<vmem>>) target(%dma_start3A_726 : memref<512x1024xf32, #tpu.memory_space<any>>) target_semaphore(%dma_start3A_722 : memref<!tpu.dma_semaphore, #tpu.memory_space<semaphore_mem>>)
    %dma_wait3A_730 = arith.constant 14 : i32
    %dma_wait3A_731 = tpu.memref_slice %arg3[%dma_wait3A_730] : memref<16x!tpu.dma_semaphore, #tpu.memory_space<semaphore_mem>> -> memref<1x!tpu.dma_semaphore, #tpu.memory_space<semaphore_mem>>
    %dma_wait3A_732 = tpu.memref_squeeze %dma_wait3A_731 : memref<1x!tpu.dma_semaphore, #tpu.memory_space<semaphore_mem>> -> memref<!tpu.dma_semaphore, #tpu.memory_space<semaphore_mem>>
    %dma_wait3A_733 = arith.constant 7168 : i32
    %dma_wait3A_734 = arith.constant 0 : i32
    %dma_wait3A_735 = tpu.memref_slice %arg2[%dma_wait3A_733, %dma_wait3A_734] : memref<8192x1024xf32, #tpu.memory_space<vmem>> -> memref<512x1024xf32, #tpu.memory_space<vmem>>
    %dma_wait3A_736 = arith.constant 7168 : i32
    %dma_wait3A_737 = arith.constant 0 : i32
    %dma_wait3A_738 = tpu.memref_slice %arg0[%dma_wait3A_736, %dma_wait3A_737] : memref<8192x1024xf32, #tpu.memory_space<any>> -> memref<512x1024xf32, #tpu.memory_space<any>>
    tpu.wait_dma2 semaphore(%dma_wait3A_732 : memref<!tpu.dma_semaphore, #tpu.memory_space<semaphore_mem>>) src(%dma_wait3A_738 : memref<512x1024xf32, #tpu.memory_space<any>>) dst(%dma_wait3A_735 : memref<512x1024xf32, #tpu.memory_space<vmem>>)
    %dma_start3A_739 = arith.constant 0 : i32
    %dma_start3A_740 = arith.constant 14 : i32
    %dma_start3A_741 = tpu.memref_slice %arg4[%dma_start3A_740] : memref<16x!tpu.dma_semaphore, #tpu.memory_space<semaphore_mem>> -> memref<1x!tpu.dma_semaphore, #tpu.memory_space<semaphore_mem>>
    %dma_start3A_742 = tpu.memref_squeeze %dma_start3A_741 : memref<1x!tpu.dma_semaphore, #tpu.memory_space<semaphore_mem>> -> memref<!tpu.dma_semaphore, #tpu.memory_space<semaphore_mem>>
    %dma_start3A_743 = arith.constant 7168 : i32
    %dma_start3A_744 = arith.constant 0 : i32
    %dma_start3A_745 = tpu.memref_slice %arg1[%dma_start3A_739, %dma_start3A_743, %dma_start3A_744] : memref<3x8192x1024xf32, #tpu.memory_space<any>> -> memref<1x512x1024xf32, #tpu.memory_space<any>>
    %dma_start3A_746 = tpu.memref_squeeze %dma_start3A_745 : memref<1x512x1024xf32, #tpu.memory_space<any>> -> memref<512x1024xf32, #tpu.memory_space<any>>
    %dma_start3A_747 = arith.constant 7168 : i32
    %dma_start3A_748 = arith.constant 0 : i32
    %dma_start3A_749 = tpu.memref_slice %arg2[%dma_start3A_747, %dma_start3A_748] : memref<8192x1024xf32, #tpu.memory_space<vmem>> -> memref<512x1024xf32, #tpu.memory_space<vmem>>
    tpu.enqueue_dma source(%dma_start3A_749 : memref<512x1024xf32, #tpu.memory_space<vmem>>) target(%dma_start3A_746 : memref<512x1024xf32, #tpu.memory_space<any>>) target_semaphore(%dma_start3A_742 : memref<!tpu.dma_semaphore, #tpu.memory_space<semaphore_mem>>)
    %dma_start3A_750 = arith.constant 1 : i32
    %dma_start3A_751 = arith.constant 14 : i32
    %dma_start3A_752 = tpu.memref_slice %arg4[%dma_start3A_751] : memref<16x!tpu.dma_semaphore, #tpu.memory_space<semaphore_mem>> -> memref<1x!tpu.dma_semaphore, #tpu.memory_space<semaphore_mem>>
    %dma_start3A_753 = tpu.memref_squeeze %dma_start3A_752 : memref<1x!tpu.dma_semaphore, #tpu.memory_space<semaphore_mem>> -> memref<!tpu.dma_semaphore, #tpu.memory_space<semaphore_mem>>
    %dma_start3A_754 = arith.constant 7168 : i32
    %dma_start3A_755 = arith.constant 0 : i32
    %dma_start3A_756 = tpu.memref_slice %arg1[%dma_start3A_750, %dma_start3A_754, %dma_start3A_755] : memref<3x8192x1024xf32, #tpu.memory_space<any>> -> memref<1x512x1024xf32, #tpu.memory_space<any>>
    %dma_start3A_757 = tpu.memref_squeeze %dma_start3A_756 : memref<1x512x1024xf32, #tpu.memory_space<any>> -> memref<512x1024xf32, #tpu.memory_space<any>>
    %dma_start3A_758 = arith.constant 7168 : i32
    %dma_start3A_759 = arith.constant 0 : i32
    %dma_start3A_760 = tpu.memref_slice %arg2[%dma_start3A_758, %dma_start3A_759] : memref<8192x1024xf32, #tpu.memory_space<vmem>> -> memref<512x1024xf32, #tpu.memory_space<vmem>>
    tpu.enqueue_dma source(%dma_start3A_760 : memref<512x1024xf32, #tpu.memory_space<vmem>>) target(%dma_start3A_757 : memref<512x1024xf32, #tpu.memory_space<any>>) target_semaphore(%dma_start3A_753 : memref<!tpu.dma_semaphore, #tpu.memory_space<semaphore_mem>>)
    %dma_start3A_761 = arith.constant 2 : i32
    %dma_start3A_762 = arith.constant 14 : i32
    %dma_start3A_763 = tpu.memref_slice %arg4[%dma_start3A_762] : memref<16x!tpu.dma_semaphore, #tpu.memory_space<semaphore_mem>> -> memref<1x!tpu.dma_semaphore, #tpu.memory_space<semaphore_mem>>
    %dma_start3A_764 = tpu.memref_squeeze %dma_start3A_763 : memref<1x!tpu.dma_semaphore, #tpu.memory_space<semaphore_mem>> -> memref<!tpu.dma_semaphore, #tpu.memory_space<semaphore_mem>>
    %dma_start3A_765 = arith.constant 7168 : i32
    %dma_start3A_766 = arith.constant 0 : i32
    %dma_start3A_767 = tpu.memref_slice %arg1[%dma_start3A_761, %dma_start3A_765, %dma_start3A_766] : memref<3x8192x1024xf32, #tpu.memory_space<any>> -> memref<1x512x1024xf32, #tpu.memory_space<any>>
    %dma_start3A_768 = tpu.memref_squeeze %dma_start3A_767 : memref<1x512x1024xf32, #tpu.memory_space<any>> -> memref<512x1024xf32, #tpu.memory_space<any>>
    %dma_start3A_769 = arith.constant 7168 : i32
    %dma_start3A_770 = arith.constant 0 : i32
    %dma_start3A_771 = tpu.memref_slice %arg2[%dma_start3A_769, %dma_start3A_770] : memref<8192x1024xf32, #tpu.memory_space<vmem>> -> memref<512x1024xf32, #tpu.memory_space<vmem>>
    tpu.enqueue_dma source(%dma_start3A_771 : memref<512x1024xf32, #tpu.memory_space<vmem>>) target(%dma_start3A_768 : memref<512x1024xf32, #tpu.memory_space<any>>) target_semaphore(%dma_start3A_764 : memref<!tpu.dma_semaphore, #tpu.memory_space<semaphore_mem>>)
    %dma_wait3A_772 = arith.constant 15 : i32
    %dma_wait3A_773 = tpu.memref_slice %arg3[%dma_wait3A_772] : memref<16x!tpu.dma_semaphore, #tpu.memory_space<semaphore_mem>> -> memref<1x!tpu.dma_semaphore, #tpu.memory_space<semaphore_mem>>
    %dma_wait3A_774 = tpu.memref_squeeze %dma_wait3A_773 : memref<1x!tpu.dma_semaphore, #tpu.memory_space<semaphore_mem>> -> memref<!tpu.dma_semaphore, #tpu.memory_space<semaphore_mem>>
    %dma_wait3A_775 = arith.constant 7680 : i32
    %dma_wait3A_776 = arith.constant 0 : i32
    %dma_wait3A_777 = tpu.memref_slice %arg2[%dma_wait3A_775, %dma_wait3A_776] : memref<8192x1024xf32, #tpu.memory_space<vmem>> -> memref<512x1024xf32, #tpu.memory_space<vmem>>
    %dma_wait3A_778 = arith.constant 7680 : i32
    %dma_wait3A_779 = arith.constant 0 : i32
    %dma_wait3A_780 = tpu.memref_slice %arg0[%dma_wait3A_778, %dma_wait3A_779] : memref<8192x1024xf32, #tpu.memory_space<any>> -> memref<512x1024xf32, #tpu.memory_space<any>>
    tpu.wait_dma2 semaphore(%dma_wait3A_774 : memref<!tpu.dma_semaphore, #tpu.memory_space<semaphore_mem>>) src(%dma_wait3A_780 : memref<512x1024xf32, #tpu.memory_space<any>>) dst(%dma_wait3A_777 : memref<512x1024xf32, #tpu.memory_space<vmem>>)
    %dma_start3A_781 = arith.constant 0 : i32
    %dma_start3A_782 = arith.constant 15 : i32
    %dma_start3A_783 = tpu.memref_slice %arg4[%dma_start3A_782] : memref<16x!tpu.dma_semaphore, #tpu.memory_space<semaphore_mem>> -> memref<1x!tpu.dma_semaphore, #tpu.memory_space<semaphore_mem>>
    %dma_start3A_784 = tpu.memref_squeeze %dma_start3A_783 : memref<1x!tpu.dma_semaphore, #tpu.memory_space<semaphore_mem>> -> memref<!tpu.dma_semaphore, #tpu.memory_space<semaphore_mem>>
    %dma_start3A_785 = arith.constant 7680 : i32
    %dma_start3A_786 = arith.constant 0 : i32
    %dma_start3A_787 = tpu.memref_slice %arg1[%dma_start3A_781, %dma_start3A_785, %dma_start3A_786] : memref<3x8192x1024xf32, #tpu.memory_space<any>> -> memref<1x512x1024xf32, #tpu.memory_space<any>>
    %dma_start3A_788 = tpu.memref_squeeze %dma_start3A_787 : memref<1x512x1024xf32, #tpu.memory_space<any>> -> memref<512x1024xf32, #tpu.memory_space<any>>
    %dma_start3A_789 = arith.constant 7680 : i32
    %dma_start3A_790 = arith.constant 0 : i32
    %dma_start3A_791 = tpu.memref_slice %arg2[%dma_start3A_789, %dma_start3A_790] : memref<8192x1024xf32, #tpu.memory_space<vmem>> -> memref<512x1024xf32, #tpu.memory_space<vmem>>
    tpu.enqueue_dma source(%dma_start3A_791 : memref<512x1024xf32, #tpu.memory_space<vmem>>) target(%dma_start3A_788 : memref<512x1024xf32, #tpu.memory_space<any>>) target_semaphore(%dma_start3A_784 : memref<!tpu.dma_semaphore, #tpu.memory_space<semaphore_mem>>)
    %dma_start3A_792 = arith.constant 1 : i32
    %dma_start3A_793 = arith.constant 15 : i32
    %dma_start3A_794 = tpu.memref_slice %arg4[%dma_start3A_793] : memref<16x!tpu.dma_semaphore, #tpu.memory_space<semaphore_mem>> -> memref<1x!tpu.dma_semaphore, #tpu.memory_space<semaphore_mem>>
    %dma_start3A_795 = tpu.memref_squeeze %dma_start3A_794 : memref<1x!tpu.dma_semaphore, #tpu.memory_space<semaphore_mem>> -> memref<!tpu.dma_semaphore, #tpu.memory_space<semaphore_mem>>
    %dma_start3A_796 = arith.constant 7680 : i32
    %dma_start3A_797 = arith.constant 0 : i32
    %dma_start3A_798 = tpu.memref_slice %arg1[%dma_start3A_792, %dma_start3A_796, %dma_start3A_797] : memref<3x8192x1024xf32, #tpu.memory_space<any>> -> memref<1x512x1024xf32, #tpu.memory_space<any>>
    %dma_start3A_799 = tpu.memref_squeeze %dma_start3A_798 : memref<1x512x1024xf32, #tpu.memory_space<any>> -> memref<512x1024xf32, #tpu.memory_space<any>>
    %dma_start3A_800 = arith.constant 7680 : i32
    %dma_start3A_801 = arith.constant 0 : i32
    %dma_start3A_802 = tpu.memref_slice %arg2[%dma_start3A_800, %dma_start3A_801] : memref<8192x1024xf32, #tpu.memory_space<vmem>> -> memref<512x1024xf32, #tpu.memory_space<vmem>>
    tpu.enqueue_dma source(%dma_start3A_802 : memref<512x1024xf32, #tpu.memory_space<vmem>>) target(%dma_start3A_799 : memref<512x1024xf32, #tpu.memory_space<any>>) target_semaphore(%dma_start3A_795 : memref<!tpu.dma_semaphore, #tpu.memory_space<semaphore_mem>>)
    %dma_start3A_803 = arith.constant 2 : i32
    %dma_start3A_804 = arith.constant 15 : i32
    %dma_start3A_805 = tpu.memref_slice %arg4[%dma_start3A_804] : memref<16x!tpu.dma_semaphore, #tpu.memory_space<semaphore_mem>> -> memref<1x!tpu.dma_semaphore, #tpu.memory_space<semaphore_mem>>
    %dma_start3A_806 = tpu.memref_squeeze %dma_start3A_805 : memref<1x!tpu.dma_semaphore, #tpu.memory_space<semaphore_mem>> -> memref<!tpu.dma_semaphore, #tpu.memory_space<semaphore_mem>>
    %dma_start3A_807 = arith.constant 7680 : i32
    %dma_start3A_808 = arith.constant 0 : i32
    %dma_start3A_809 = tpu.memref_slice %arg1[%dma_start3A_803, %dma_start3A_807, %dma_start3A_808] : memref<3x8192x1024xf32, #tpu.memory_space<any>> -> memref<1x512x1024xf32, #tpu.memory_space<any>>
    %dma_start3A_810 = tpu.memref_squeeze %dma_start3A_809 : memref<1x512x1024xf32, #tpu.memory_space<any>> -> memref<512x1024xf32, #tpu.memory_space<any>>
    %dma_start3A_811 = arith.constant 7680 : i32
    %dma_start3A_812 = arith.constant 0 : i32
    %dma_start3A_813 = tpu.memref_slice %arg2[%dma_start3A_811, %dma_start3A_812] : memref<8192x1024xf32, #tpu.memory_space<vmem>> -> memref<512x1024xf32, #tpu.memory_space<vmem>>
    tpu.enqueue_dma source(%dma_start3A_813 : memref<512x1024xf32, #tpu.memory_space<vmem>>) target(%dma_start3A_810 : memref<512x1024xf32, #tpu.memory_space<any>>) target_semaphore(%dma_start3A_806 : memref<!tpu.dma_semaphore, #tpu.memory_space<semaphore_mem>>)
    %dma_wait3A_814 = arith.constant 0 : i32
    %dma_wait3A_815 = arith.constant 0 : i32
    %dma_wait3A_816 = tpu.memref_slice %arg4[%dma_wait3A_815] : memref<16x!tpu.dma_semaphore, #tpu.memory_space<semaphore_mem>> -> memref<1x!tpu.dma_semaphore, #tpu.memory_space<semaphore_mem>>
    %dma_wait3A_817 = tpu.memref_squeeze %dma_wait3A_816 : memref<1x!tpu.dma_semaphore, #tpu.memory_space<semaphore_mem>> -> memref<!tpu.dma_semaphore, #tpu.memory_space<semaphore_mem>>
    %dma_wait3A_818 = arith.constant 0 : i32
    %dma_wait3A_819 = arith.constant 0 : i32
    %dma_wait3A_820 = tpu.memref_slice %arg1[%dma_wait3A_814, %dma_wait3A_818, %dma_wait3A_819] : memref<3x8192x1024xf32, #tpu.memory_space<any>> -> memref<1x512x1024xf32, #tpu.memory_space<any>>
    %dma_wait3A_821 = tpu.memref_squeeze %dma_wait3A_820 : memref<1x512x1024xf32, #tpu.memory_space<any>> -> memref<512x1024xf32, #tpu.memory_space<any>>
    %dma_wait3A_822 = arith.constant 0 : i32
    %dma_wait3A_823 = arith.constant 0 : i32
    %dma_wait3A_824 = tpu.memref_slice %arg2[%dma_wait3A_822, %dma_wait3A_823] : memref<8192x1024xf32, #tpu.memory_space<vmem>> -> memref<512x1024xf32, #tpu.memory_space<vmem>>
    tpu.wait_dma2 semaphore(%dma_wait3A_817 : memref<!tpu.dma_semaphore, #tpu.memory_space<semaphore_mem>>) src(%dma_wait3A_824 : memref<512x1024xf32, #tpu.memory_space<vmem>>) dst(%dma_wait3A_821 : memref<512x1024xf32, #tpu.memory_space<any>>)
    %dma_wait3A_825 = arith.constant 1 : i32
    %dma_wait3A_826 = arith.constant 0 : i32
    %dma_wait3A_827 = tpu.memref_slice %arg4[%dma_wait3A_826] : memref<16x!tpu.dma_semaphore, #tpu.memory_space<semaphore_mem>> -> memref<1x!tpu.dma_semaphore, #tpu.memory_space<semaphore_mem>>
    %dma_wait3A_828 = tpu.memref_squeeze %dma_wait3A_827 : memref<1x!tpu.dma_semaphore, #tpu.memory_space<semaphore_mem>> -> memref<!tpu.dma_semaphore, #tpu.memory_space<semaphore_mem>>
    %dma_wait3A_829 = arith.constant 0 : i32
    %dma_wait3A_830 = arith.constant 0 : i32
    %dma_wait3A_831 = tpu.memref_slice %arg1[%dma_wait3A_825, %dma_wait3A_829, %dma_wait3A_830] : memref<3x8192x1024xf32, #tpu.memory_space<any>> -> memref<1x512x1024xf32, #tpu.memory_space<any>>
    %dma_wait3A_832 = tpu.memref_squeeze %dma_wait3A_831 : memref<1x512x1024xf32, #tpu.memory_space<any>> -> memref<512x1024xf32, #tpu.memory_space<any>>
    %dma_wait3A_833 = arith.constant 0 : i32
    %dma_wait3A_834 = arith.constant 0 : i32
    %dma_wait3A_835 = tpu.memref_slice %arg2[%dma_wait3A_833, %dma_wait3A_834] : memref<8192x1024xf32, #tpu.memory_space<vmem>> -> memref<512x1024xf32, #tpu.memory_space<vmem>>
    tpu.wait_dma2 semaphore(%dma_wait3A_828 : memref<!tpu.dma_semaphore, #tpu.memory_space<semaphore_mem>>) src(%dma_wait3A_835 : memref<512x1024xf32, #tpu.memory_space<vmem>>) dst(%dma_wait3A_832 : memref<512x1024xf32, #tpu.memory_space<any>>)
    %dma_wait3A_836 = arith.constant 2 : i32
    %dma_wait3A_837 = arith.constant 0 : i32
    %dma_wait3A_838 = tpu.memref_slice %arg4[%dma_wait3A_837] : memref<16x!tpu.dma_semaphore, #tpu.memory_space<semaphore_mem>> -> memref<1x!tpu.dma_semaphore, #tpu.memory_space<semaphore_mem>>
    %dma_wait3A_839 = tpu.memref_squeeze %dma_wait3A_838 : memref<1x!tpu.dma_semaphore, #tpu.memory_space<semaphore_mem>> -> memref<!tpu.dma_semaphore, #tpu.memory_space<semaphore_mem>>
    %dma_wait3A_840 = arith.constant 0 : i32
    %dma_wait3A_841 = arith.constant 0 : i32
    %dma_wait3A_842 = tpu.memref_slice %arg1[%dma_wait3A_836, %dma_wait3A_840, %dma_wait3A_841] : memref<3x8192x1024xf32, #tpu.memory_space<any>> -> memref<1x512x1024xf32, #tpu.memory_space<any>>
    %dma_wait3A_843 = tpu.memref_squeeze %dma_wait3A_842 : memref<1x512x1024xf32, #tpu.memory_space<any>> -> memref<512x1024xf32, #tpu.memory_space<any>>
    %dma_wait3A_844 = arith.constant 0 : i32
    %dma_wait3A_845 = arith.constant 0 : i32
    %dma_wait3A_846 = tpu.memref_slice %arg2[%dma_wait3A_844, %dma_wait3A_845] : memref<8192x1024xf32, #tpu.memory_space<vmem>> -> memref<512x1024xf32, #tpu.memory_space<vmem>>
    tpu.wait_dma2 semaphore(%dma_wait3A_839 : memref<!tpu.dma_semaphore, #tpu.memory_space<semaphore_mem>>) src(%dma_wait3A_846 : memref<512x1024xf32, #tpu.memory_space<vmem>>) dst(%dma_wait3A_843 : memref<512x1024xf32, #tpu.memory_space<any>>)
    %dma_wait3A_847 = arith.constant 0 : i32
    %dma_wait3A_848 = arith.constant 1 : i32
    %dma_wait3A_849 = tpu.memref_slice %arg4[%dma_wait3A_848] : memref<16x!tpu.dma_semaphore, #tpu.memory_space<semaphore_mem>> -> memref<1x!tpu.dma_semaphore, #tpu.memory_space<semaphore_mem>>
    %dma_wait3A_850 = tpu.memref_squeeze %dma_wait3A_849 : memref<1x!tpu.dma_semaphore, #tpu.memory_space<semaphore_mem>> -> memref<!tpu.dma_semaphore, #tpu.memory_space<semaphore_mem>>
    %dma_wait3A_851 = arith.constant 512 : i32
    %dma_wait3A_852 = arith.constant 0 : i32
    %dma_wait3A_853 = tpu.memref_slice %arg1[%dma_wait3A_847, %dma_wait3A_851, %dma_wait3A_852] : memref<3x8192x1024xf32, #tpu.memory_space<any>> -> memref<1x512x1024xf32, #tpu.memory_space<any>>
    %dma_wait3A_854 = tpu.memref_squeeze %dma_wait3A_853 : memref<1x512x1024xf32, #tpu.memory_space<any>> -> memref<512x1024xf32, #tpu.memory_space<any>>
    %dma_wait3A_855 = arith.constant 512 : i32
    %dma_wait3A_856 = arith.constant 0 : i32
    %dma_wait3A_857 = tpu.memref_slice %arg2[%dma_wait3A_855, %dma_wait3A_856] : memref<8192x1024xf32, #tpu.memory_space<vmem>> -> memref<512x1024xf32, #tpu.memory_space<vmem>>
    tpu.wait_dma2 semaphore(%dma_wait3A_850 : memref<!tpu.dma_semaphore, #tpu.memory_space<semaphore_mem>>) src(%dma_wait3A_857 : memref<512x1024xf32, #tpu.memory_space<vmem>>) dst(%dma_wait3A_854 : memref<512x1024xf32, #tpu.memory_space<any>>)
    %dma_wait3A_858 = arith.constant 1 : i32
    %dma_wait3A_859 = arith.constant 1 : i32
    %dma_wait3A_860 = tpu.memref_slice %arg4[%dma_wait3A_859] : memref<16x!tpu.dma_semaphore, #tpu.memory_space<semaphore_mem>> -> memref<1x!tpu.dma_semaphore, #tpu.memory_space<semaphore_mem>>
    %dma_wait3A_861 = tpu.memref_squeeze %dma_wait3A_860 : memref<1x!tpu.dma_semaphore, #tpu.memory_space<semaphore_mem>> -> memref<!tpu.dma_semaphore, #tpu.memory_space<semaphore_mem>>
    %dma_wait3A_862 = arith.constant 512 : i32
    %dma_wait3A_863 = arith.constant 0 : i32
    %dma_wait3A_864 = tpu.memref_slice %arg1[%dma_wait3A_858, %dma_wait3A_862, %dma_wait3A_863] : memref<3x8192x1024xf32, #tpu.memory_space<any>> -> memref<1x512x1024xf32, #tpu.memory_space<any>>
    %dma_wait3A_865 = tpu.memref_squeeze %dma_wait3A_864 : memref<1x512x1024xf32, #tpu.memory_space<any>> -> memref<512x1024xf32, #tpu.memory_space<any>>
    %dma_wait3A_866 = arith.constant 512 : i32
    %dma_wait3A_867 = arith.constant 0 : i32
    %dma_wait3A_868 = tpu.memref_slice %arg2[%dma_wait3A_866, %dma_wait3A_867] : memref<8192x1024xf32, #tpu.memory_space<vmem>> -> memref<512x1024xf32, #tpu.memory_space<vmem>>
    tpu.wait_dma2 semaphore(%dma_wait3A_861 : memref<!tpu.dma_semaphore, #tpu.memory_space<semaphore_mem>>) src(%dma_wait3A_868 : memref<512x1024xf32, #tpu.memory_space<vmem>>) dst(%dma_wait3A_865 : memref<512x1024xf32, #tpu.memory_space<any>>)
    %dma_wait3A_869 = arith.constant 2 : i32
    %dma_wait3A_870 = arith.constant 1 : i32
    %dma_wait3A_871 = tpu.memref_slice %arg4[%dma_wait3A_870] : memref<16x!tpu.dma_semaphore, #tpu.memory_space<semaphore_mem>> -> memref<1x!tpu.dma_semaphore, #tpu.memory_space<semaphore_mem>>
    %dma_wait3A_872 = tpu.memref_squeeze %dma_wait3A_871 : memref<1x!tpu.dma_semaphore, #tpu.memory_space<semaphore_mem>> -> memref<!tpu.dma_semaphore, #tpu.memory_space<semaphore_mem>>
    %dma_wait3A_873 = arith.constant 512 : i32
    %dma_wait3A_874 = arith.constant 0 : i32
    %dma_wait3A_875 = tpu.memref_slice %arg1[%dma_wait3A_869, %dma_wait3A_873, %dma_wait3A_874] : memref<3x8192x1024xf32, #tpu.memory_space<any>> -> memref<1x512x1024xf32, #tpu.memory_space<any>>
    %dma_wait3A_876 = tpu.memref_squeeze %dma_wait3A_875 : memref<1x512x1024xf32, #tpu.memory_space<any>> -> memref<512x1024xf32, #tpu.memory_space<any>>
    %dma_wait3A_877 = arith.constant 512 : i32
    %dma_wait3A_878 = arith.constant 0 : i32
    %dma_wait3A_879 = tpu.memref_slice %arg2[%dma_wait3A_877, %dma_wait3A_878] : memref<8192x1024xf32, #tpu.memory_space<vmem>> -> memref<512x1024xf32, #tpu.memory_space<vmem>>
    tpu.wait_dma2 semaphore(%dma_wait3A_872 : memref<!tpu.dma_semaphore, #tpu.memory_space<semaphore_mem>>) src(%dma_wait3A_879 : memref<512x1024xf32, #tpu.memory_space<vmem>>) dst(%dma_wait3A_876 : memref<512x1024xf32, #tpu.memory_space<any>>)
    %dma_wait3A_880 = arith.constant 0 : i32
    %dma_wait3A_881 = arith.constant 2 : i32
    %dma_wait3A_882 = tpu.memref_slice %arg4[%dma_wait3A_881] : memref<16x!tpu.dma_semaphore, #tpu.memory_space<semaphore_mem>> -> memref<1x!tpu.dma_semaphore, #tpu.memory_space<semaphore_mem>>
    %dma_wait3A_883 = tpu.memref_squeeze %dma_wait3A_882 : memref<1x!tpu.dma_semaphore, #tpu.memory_space<semaphore_mem>> -> memref<!tpu.dma_semaphore, #tpu.memory_space<semaphore_mem>>
    %dma_wait3A_884 = arith.constant 1024 : i32
    %dma_wait3A_885 = arith.constant 0 : i32
    %dma_wait3A_886 = tpu.memref_slice %arg1[%dma_wait3A_880, %dma_wait3A_884, %dma_wait3A_885] : memref<3x8192x1024xf32, #tpu.memory_space<any>> -> memref<1x512x1024xf32, #tpu.memory_space<any>>
    %dma_wait3A_887 = tpu.memref_squeeze %dma_wait3A_886 : memref<1x512x1024xf32, #tpu.memory_space<any>> -> memref<512x1024xf32, #tpu.memory_space<any>>
    %dma_wait3A_888 = arith.constant 1024 : i32
    %dma_wait3A_889 = arith.constant 0 : i32
    %dma_wait3A_890 = tpu.memref_slice %arg2[%dma_wait3A_888, %dma_wait3A_889] : memref<8192x1024xf32, #tpu.memory_space<vmem>> -> memref<512x1024xf32, #tpu.memory_space<vmem>>
    tpu.wait_dma2 semaphore(%dma_wait3A_883 : memref<!tpu.dma_semaphore, #tpu.memory_space<semaphore_mem>>) src(%dma_wait3A_890 : memref<512x1024xf32, #tpu.memory_space<vmem>>) dst(%dma_wait3A_887 : memref<512x1024xf32, #tpu.memory_space<any>>)
    %dma_wait3A_891 = arith.constant 1 : i32
    %dma_wait3A_892 = arith.constant 2 : i32
    %dma_wait3A_893 = tpu.memref_slice %arg4[%dma_wait3A_892] : memref<16x!tpu.dma_semaphore, #tpu.memory_space<semaphore_mem>> -> memref<1x!tpu.dma_semaphore, #tpu.memory_space<semaphore_mem>>
    %dma_wait3A_894 = tpu.memref_squeeze %dma_wait3A_893 : memref<1x!tpu.dma_semaphore, #tpu.memory_space<semaphore_mem>> -> memref<!tpu.dma_semaphore, #tpu.memory_space<semaphore_mem>>
    %dma_wait3A_895 = arith.constant 1024 : i32
    %dma_wait3A_896 = arith.constant 0 : i32
    %dma_wait3A_897 = tpu.memref_slice %arg1[%dma_wait3A_891, %dma_wait3A_895, %dma_wait3A_896] : memref<3x8192x1024xf32, #tpu.memory_space<any>> -> memref<1x512x1024xf32, #tpu.memory_space<any>>
    %dma_wait3A_898 = tpu.memref_squeeze %dma_wait3A_897 : memref<1x512x1024xf32, #tpu.memory_space<any>> -> memref<512x1024xf32, #tpu.memory_space<any>>
    %dma_wait3A_899 = arith.constant 1024 : i32
    %dma_wait3A_900 = arith.constant 0 : i32
    %dma_wait3A_901 = tpu.memref_slice %arg2[%dma_wait3A_899, %dma_wait3A_900] : memref<8192x1024xf32, #tpu.memory_space<vmem>> -> memref<512x1024xf32, #tpu.memory_space<vmem>>
    tpu.wait_dma2 semaphore(%dma_wait3A_894 : memref<!tpu.dma_semaphore, #tpu.memory_space<semaphore_mem>>) src(%dma_wait3A_901 : memref<512x1024xf32, #tpu.memory_space<vmem>>) dst(%dma_wait3A_898 : memref<512x1024xf32, #tpu.memory_space<any>>)
    %dma_wait3A_902 = arith.constant 2 : i32
    %dma_wait3A_903 = arith.constant 2 : i32
    %dma_wait3A_904 = tpu.memref_slice %arg4[%dma_wait3A_903] : memref<16x!tpu.dma_semaphore, #tpu.memory_space<semaphore_mem>> -> memref<1x!tpu.dma_semaphore, #tpu.memory_space<semaphore_mem>>
    %dma_wait3A_905 = tpu.memref_squeeze %dma_wait3A_904 : memref<1x!tpu.dma_semaphore, #tpu.memory_space<semaphore_mem>> -> memref<!tpu.dma_semaphore, #tpu.memory_space<semaphore_mem>>
    %dma_wait3A_906 = arith.constant 1024 : i32
    %dma_wait3A_907 = arith.constant 0 : i32
    %dma_wait3A_908 = tpu.memref_slice %arg1[%dma_wait3A_902, %dma_wait3A_906, %dma_wait3A_907] : memref<3x8192x1024xf32, #tpu.memory_space<any>> -> memref<1x512x1024xf32, #tpu.memory_space<any>>
    %dma_wait3A_909 = tpu.memref_squeeze %dma_wait3A_908 : memref<1x512x1024xf32, #tpu.memory_space<any>> -> memref<512x1024xf32, #tpu.memory_space<any>>
    %dma_wait3A_910 = arith.constant 1024 : i32
    %dma_wait3A_911 = arith.constant 0 : i32
    %dma_wait3A_912 = tpu.memref_slice %arg2[%dma_wait3A_910, %dma_wait3A_911] : memref<8192x1024xf32, #tpu.memory_space<vmem>> -> memref<512x1024xf32, #tpu.memory_space<vmem>>
    tpu.wait_dma2 semaphore(%dma_wait3A_905 : memref<!tpu.dma_semaphore, #tpu.memory_space<semaphore_mem>>) src(%dma_wait3A_912 : memref<512x1024xf32, #tpu.memory_space<vmem>>) dst(%dma_wait3A_909 : memref<512x1024xf32, #tpu.memory_space<any>>)
    %dma_wait3A_913 = arith.constant 0 : i32
    %dma_wait3A_914 = arith.constant 3 : i32
    %dma_wait3A_915 = tpu.memref_slice %arg4[%dma_wait3A_914] : memref<16x!tpu.dma_semaphore, #tpu.memory_space<semaphore_mem>> -> memref<1x!tpu.dma_semaphore, #tpu.memory_space<semaphore_mem>>
    %dma_wait3A_916 = tpu.memref_squeeze %dma_wait3A_915 : memref<1x!tpu.dma_semaphore, #tpu.memory_space<semaphore_mem>> -> memref<!tpu.dma_semaphore, #tpu.memory_space<semaphore_mem>>
    %dma_wait3A_917 = arith.constant 1536 : i32
    %dma_wait3A_918 = arith.constant 0 : i32
    %dma_wait3A_919 = tpu.memref_slice %arg1[%dma_wait3A_913, %dma_wait3A_917, %dma_wait3A_918] : memref<3x8192x1024xf32, #tpu.memory_space<any>> -> memref<1x512x1024xf32, #tpu.memory_space<any>>
    %dma_wait3A_920 = tpu.memref_squeeze %dma_wait3A_919 : memref<1x512x1024xf32, #tpu.memory_space<any>> -> memref<512x1024xf32, #tpu.memory_space<any>>
    %dma_wait3A_921 = arith.constant 1536 : i32
    %dma_wait3A_922 = arith.constant 0 : i32
    %dma_wait3A_923 = tpu.memref_slice %arg2[%dma_wait3A_921, %dma_wait3A_922] : memref<8192x1024xf32, #tpu.memory_space<vmem>> -> memref<512x1024xf32, #tpu.memory_space<vmem>>
    tpu.wait_dma2 semaphore(%dma_wait3A_916 : memref<!tpu.dma_semaphore, #tpu.memory_space<semaphore_mem>>) src(%dma_wait3A_923 : memref<512x1024xf32, #tpu.memory_space<vmem>>) dst(%dma_wait3A_920 : memref<512x1024xf32, #tpu.memory_space<any>>)
    %dma_wait3A_924 = arith.constant 1 : i32
    %dma_wait3A_925 = arith.constant 3 : i32
    %dma_wait3A_926 = tpu.memref_slice %arg4[%dma_wait3A_925] : memref<16x!tpu.dma_semaphore, #tpu.memory_space<semaphore_mem>> -> memref<1x!tpu.dma_semaphore, #tpu.memory_space<semaphore_mem>>
    %dma_wait3A_927 = tpu.memref_squeeze %dma_wait3A_926 : memref<1x!tpu.dma_semaphore, #tpu.memory_space<semaphore_mem>> -> memref<!tpu.dma_semaphore, #tpu.memory_space<semaphore_mem>>
    %dma_wait3A_928 = arith.constant 1536 : i32
    %dma_wait3A_929 = arith.constant 0 : i32
    %dma_wait3A_930 = tpu.memref_slice %arg1[%dma_wait3A_924, %dma_wait3A_928, %dma_wait3A_929] : memref<3x8192x1024xf32, #tpu.memory_space<any>> -> memref<1x512x1024xf32, #tpu.memory_space<any>>
    %dma_wait3A_931 = tpu.memref_squeeze %dma_wait3A_930 : memref<1x512x1024xf32, #tpu.memory_space<any>> -> memref<512x1024xf32, #tpu.memory_space<any>>
    %dma_wait3A_932 = arith.constant 1536 : i32
    %dma_wait3A_933 = arith.constant 0 : i32
    %dma_wait3A_934 = tpu.memref_slice %arg2[%dma_wait3A_932, %dma_wait3A_933] : memref<8192x1024xf32, #tpu.memory_space<vmem>> -> memref<512x1024xf32, #tpu.memory_space<vmem>>
    tpu.wait_dma2 semaphore(%dma_wait3A_927 : memref<!tpu.dma_semaphore, #tpu.memory_space<semaphore_mem>>) src(%dma_wait3A_934 : memref<512x1024xf32, #tpu.memory_space<vmem>>) dst(%dma_wait3A_931 : memref<512x1024xf32, #tpu.memory_space<any>>)
    %dma_wait3A_935 = arith.constant 2 : i32
    %dma_wait3A_936 = arith.constant 3 : i32
    %dma_wait3A_937 = tpu.memref_slice %arg4[%dma_wait3A_936] : memref<16x!tpu.dma_semaphore, #tpu.memory_space<semaphore_mem>> -> memref<1x!tpu.dma_semaphore, #tpu.memory_space<semaphore_mem>>
    %dma_wait3A_938 = tpu.memref_squeeze %dma_wait3A_937 : memref<1x!tpu.dma_semaphore, #tpu.memory_space<semaphore_mem>> -> memref<!tpu.dma_semaphore, #tpu.memory_space<semaphore_mem>>
    %dma_wait3A_939 = arith.constant 1536 : i32
    %dma_wait3A_940 = arith.constant 0 : i32
    %dma_wait3A_941 = tpu.memref_slice %arg1[%dma_wait3A_935, %dma_wait3A_939, %dma_wait3A_940] : memref<3x8192x1024xf32, #tpu.memory_space<any>> -> memref<1x512x1024xf32, #tpu.memory_space<any>>
    %dma_wait3A_942 = tpu.memref_squeeze %dma_wait3A_941 : memref<1x512x1024xf32, #tpu.memory_space<any>> -> memref<512x1024xf32, #tpu.memory_space<any>>
    %dma_wait3A_943 = arith.constant 1536 : i32
    %dma_wait3A_944 = arith.constant 0 : i32
    %dma_wait3A_945 = tpu.memref_slice %arg2[%dma_wait3A_943, %dma_wait3A_944] : memref<8192x1024xf32, #tpu.memory_space<vmem>> -> memref<512x1024xf32, #tpu.memory_space<vmem>>
    tpu.wait_dma2 semaphore(%dma_wait3A_938 : memref<!tpu.dma_semaphore, #tpu.memory_space<semaphore_mem>>) src(%dma_wait3A_945 : memref<512x1024xf32, #tpu.memory_space<vmem>>) dst(%dma_wait3A_942 : memref<512x1024xf32, #tpu.memory_space<any>>)
    %dma_wait3A_946 = arith.constant 0 : i32
    %dma_wait3A_947 = arith.constant 4 : i32
    %dma_wait3A_948 = tpu.memref_slice %arg4[%dma_wait3A_947] : memref<16x!tpu.dma_semaphore, #tpu.memory_space<semaphore_mem>> -> memref<1x!tpu.dma_semaphore, #tpu.memory_space<semaphore_mem>>
    %dma_wait3A_949 = tpu.memref_squeeze %dma_wait3A_948 : memref<1x!tpu.dma_semaphore, #tpu.memory_space<semaphore_mem>> -> memref<!tpu.dma_semaphore, #tpu.memory_space<semaphore_mem>>
    %dma_wait3A_950 = arith.constant 2048 : i32
    %dma_wait3A_951 = arith.constant 0 : i32
    %dma_wait3A_952 = tpu.memref_slice %arg1[%dma_wait3A_946, %dma_wait3A_950, %dma_wait3A_951] : memref<3x8192x1024xf32, #tpu.memory_space<any>> -> memref<1x512x1024xf32, #tpu.memory_space<any>>
    %dma_wait3A_953 = tpu.memref_squeeze %dma_wait3A_952 : memref<1x512x1024xf32, #tpu.memory_space<any>> -> memref<512x1024xf32, #tpu.memory_space<any>>
    %dma_wait3A_954 = arith.constant 2048 : i32
    %dma_wait3A_955 = arith.constant 0 : i32
    %dma_wait3A_956 = tpu.memref_slice %arg2[%dma_wait3A_954, %dma_wait3A_955] : memref<8192x1024xf32, #tpu.memory_space<vmem>> -> memref<512x1024xf32, #tpu.memory_space<vmem>>
    tpu.wait_dma2 semaphore(%dma_wait3A_949 : memref<!tpu.dma_semaphore, #tpu.memory_space<semaphore_mem>>) src(%dma_wait3A_956 : memref<512x1024xf32, #tpu.memory_space<vmem>>) dst(%dma_wait3A_953 : memref<512x1024xf32, #tpu.memory_space<any>>)
    %dma_wait3A_957 = arith.constant 1 : i32
    %dma_wait3A_958 = arith.constant 4 : i32
    %dma_wait3A_959 = tpu.memref_slice %arg4[%dma_wait3A_958] : memref<16x!tpu.dma_semaphore, #tpu.memory_space<semaphore_mem>> -> memref<1x!tpu.dma_semaphore, #tpu.memory_space<semaphore_mem>>
    %dma_wait3A_960 = tpu.memref_squeeze %dma_wait3A_959 : memref<1x!tpu.dma_semaphore, #tpu.memory_space<semaphore_mem>> -> memref<!tpu.dma_semaphore, #tpu.memory_space<semaphore_mem>>
    %dma_wait3A_961 = arith.constant 2048 : i32
    %dma_wait3A_962 = arith.constant 0 : i32
    %dma_wait3A_963 = tpu.memref_slice %arg1[%dma_wait3A_957, %dma_wait3A_961, %dma_wait3A_962] : memref<3x8192x1024xf32, #tpu.memory_space<any>> -> memref<1x512x1024xf32, #tpu.memory_space<any>>
    %dma_wait3A_964 = tpu.memref_squeeze %dma_wait3A_963 : memref<1x512x1024xf32, #tpu.memory_space<any>> -> memref<512x1024xf32, #tpu.memory_space<any>>
    %dma_wait3A_965 = arith.constant 2048 : i32
    %dma_wait3A_966 = arith.constant 0 : i32
    %dma_wait3A_967 = tpu.memref_slice %arg2[%dma_wait3A_965, %dma_wait3A_966] : memref<8192x1024xf32, #tpu.memory_space<vmem>> -> memref<512x1024xf32, #tpu.memory_space<vmem>>
    tpu.wait_dma2 semaphore(%dma_wait3A_960 : memref<!tpu.dma_semaphore, #tpu.memory_space<semaphore_mem>>) src(%dma_wait3A_967 : memref<512x1024xf32, #tpu.memory_space<vmem>>) dst(%dma_wait3A_964 : memref<512x1024xf32, #tpu.memory_space<any>>)
    %dma_wait3A_968 = arith.constant 2 : i32
    %dma_wait3A_969 = arith.constant 4 : i32
    %dma_wait3A_970 = tpu.memref_slice %arg4[%dma_wait3A_969] : memref<16x!tpu.dma_semaphore, #tpu.memory_space<semaphore_mem>> -> memref<1x!tpu.dma_semaphore, #tpu.memory_space<semaphore_mem>>
    %dma_wait3A_971 = tpu.memref_squeeze %dma_wait3A_970 : memref<1x!tpu.dma_semaphore, #tpu.memory_space<semaphore_mem>> -> memref<!tpu.dma_semaphore, #tpu.memory_space<semaphore_mem>>
    %dma_wait3A_972 = arith.constant 2048 : i32
    %dma_wait3A_973 = arith.constant 0 : i32
    %dma_wait3A_974 = tpu.memref_slice %arg1[%dma_wait3A_968, %dma_wait3A_972, %dma_wait3A_973] : memref<3x8192x1024xf32, #tpu.memory_space<any>> -> memref<1x512x1024xf32, #tpu.memory_space<any>>
    %dma_wait3A_975 = tpu.memref_squeeze %dma_wait3A_974 : memref<1x512x1024xf32, #tpu.memory_space<any>> -> memref<512x1024xf32, #tpu.memory_space<any>>
    %dma_wait3A_976 = arith.constant 2048 : i32
    %dma_wait3A_977 = arith.constant 0 : i32
    %dma_wait3A_978 = tpu.memref_slice %arg2[%dma_wait3A_976, %dma_wait3A_977] : memref<8192x1024xf32, #tpu.memory_space<vmem>> -> memref<512x1024xf32, #tpu.memory_space<vmem>>
    tpu.wait_dma2 semaphore(%dma_wait3A_971 : memref<!tpu.dma_semaphore, #tpu.memory_space<semaphore_mem>>) src(%dma_wait3A_978 : memref<512x1024xf32, #tpu.memory_space<vmem>>) dst(%dma_wait3A_975 : memref<512x1024xf32, #tpu.memory_space<any>>)
    %dma_wait3A_979 = arith.constant 0 : i32
    %dma_wait3A_980 = arith.constant 5 : i32
    %dma_wait3A_981 = tpu.memref_slice %arg4[%dma_wait3A_980] : memref<16x!tpu.dma_semaphore, #tpu.memory_space<semaphore_mem>> -> memref<1x!tpu.dma_semaphore, #tpu.memory_space<semaphore_mem>>
    %dma_wait3A_982 = tpu.memref_squeeze %dma_wait3A_981 : memref<1x!tpu.dma_semaphore, #tpu.memory_space<semaphore_mem>> -> memref<!tpu.dma_semaphore, #tpu.memory_space<semaphore_mem>>
    %dma_wait3A_983 = arith.constant 2560 : i32
    %dma_wait3A_984 = arith.constant 0 : i32
    %dma_wait3A_985 = tpu.memref_slice %arg1[%dma_wait3A_979, %dma_wait3A_983, %dma_wait3A_984] : memref<3x8192x1024xf32, #tpu.memory_space<any>> -> memref<1x512x1024xf32, #tpu.memory_space<any>>
    %dma_wait3A_986 = tpu.memref_squeeze %dma_wait3A_985 : memref<1x512x1024xf32, #tpu.memory_space<any>> -> memref<512x1024xf32, #tpu.memory_space<any>>
    %dma_wait3A_987 = arith.constant 2560 : i32
    %dma_wait3A_988 = arith.constant 0 : i32
    %dma_wait3A_989 = tpu.memref_slice %arg2[%dma_wait3A_987, %dma_wait3A_988] : memref<8192x1024xf32, #tpu.memory_space<vmem>> -> memref<512x1024xf32, #tpu.memory_space<vmem>>
    tpu.wait_dma2 semaphore(%dma_wait3A_982 : memref<!tpu.dma_semaphore, #tpu.memory_space<semaphore_mem>>) src(%dma_wait3A_989 : memref<512x1024xf32, #tpu.memory_space<vmem>>) dst(%dma_wait3A_986 : memref<512x1024xf32, #tpu.memory_space<any>>)
    %dma_wait3A_990 = arith.constant 1 : i32
    %dma_wait3A_991 = arith.constant 5 : i32
    %dma_wait3A_992 = tpu.memref_slice %arg4[%dma_wait3A_991] : memref<16x!tpu.dma_semaphore, #tpu.memory_space<semaphore_mem>> -> memref<1x!tpu.dma_semaphore, #tpu.memory_space<semaphore_mem>>
    %dma_wait3A_993 = tpu.memref_squeeze %dma_wait3A_992 : memref<1x!tpu.dma_semaphore, #tpu.memory_space<semaphore_mem>> -> memref<!tpu.dma_semaphore, #tpu.memory_space<semaphore_mem>>
    %dma_wait3A_994 = arith.constant 2560 : i32
    %dma_wait3A_995 = arith.constant 0 : i32
    %dma_wait3A_996 = tpu.memref_slice %arg1[%dma_wait3A_990, %dma_wait3A_994, %dma_wait3A_995] : memref<3x8192x1024xf32, #tpu.memory_space<any>> -> memref<1x512x1024xf32, #tpu.memory_space<any>>
    %dma_wait3A_997 = tpu.memref_squeeze %dma_wait3A_996 : memref<1x512x1024xf32, #tpu.memory_space<any>> -> memref<512x1024xf32, #tpu.memory_space<any>>
    %dma_wait3A_998 = arith.constant 2560 : i32
    %dma_wait3A_999 = arith.constant 0 : i32
    %dma_wait3A_1000 = tpu.memref_slice %arg2[%dma_wait3A_998, %dma_wait3A_999] : memref<8192x1024xf32, #tpu.memory_space<vmem>> -> memref<512x1024xf32, #tpu.memory_space<vmem>>
    tpu.wait_dma2 semaphore(%dma_wait3A_993 : memref<!tpu.dma_semaphore, #tpu.memory_space<semaphore_mem>>) src(%dma_wait3A_1000 : memref<512x1024xf32, #tpu.memory_space<vmem>>) dst(%dma_wait3A_997 : memref<512x1024xf32, #tpu.memory_space<any>>)
    %dma_wait3A_1001 = arith.constant 2 : i32
    %dma_wait3A_1002 = arith.constant 5 : i32
    %dma_wait3A_1003 = tpu.memref_slice %arg4[%dma_wait3A_1002] : memref<16x!tpu.dma_semaphore, #tpu.memory_space<semaphore_mem>> -> memref<1x!tpu.dma_semaphore, #tpu.memory_space<semaphore_mem>>
    %dma_wait3A_1004 = tpu.memref_squeeze %dma_wait3A_1003 : memref<1x!tpu.dma_semaphore, #tpu.memory_space<semaphore_mem>> -> memref<!tpu.dma_semaphore, #tpu.memory_space<semaphore_mem>>
    %dma_wait3A_1005 = arith.constant 2560 : i32
    %dma_wait3A_1006 = arith.constant 0 : i32
    %dma_wait3A_1007 = tpu.memref_slice %arg1[%dma_wait3A_1001, %dma_wait3A_1005, %dma_wait3A_1006] : memref<3x8192x1024xf32, #tpu.memory_space<any>> -> memref<1x512x1024xf32, #tpu.memory_space<any>>
    %dma_wait3A_1008 = tpu.memref_squeeze %dma_wait3A_1007 : memref<1x512x1024xf32, #tpu.memory_space<any>> -> memref<512x1024xf32, #tpu.memory_space<any>>
    %dma_wait3A_1009 = arith.constant 2560 : i32
    %dma_wait3A_1010 = arith.constant 0 : i32
    %dma_wait3A_1011 = tpu.memref_slice %arg2[%dma_wait3A_1009, %dma_wait3A_1010] : memref<8192x1024xf32, #tpu.memory_space<vmem>> -> memref<512x1024xf32, #tpu.memory_space<vmem>>
    tpu.wait_dma2 semaphore(%dma_wait3A_1004 : memref<!tpu.dma_semaphore, #tpu.memory_space<semaphore_mem>>) src(%dma_wait3A_1011 : memref<512x1024xf32, #tpu.memory_space<vmem>>) dst(%dma_wait3A_1008 : memref<512x1024xf32, #tpu.memory_space<any>>)
    %dma_wait3A_1012 = arith.constant 0 : i32
    %dma_wait3A_1013 = arith.constant 6 : i32
    %dma_wait3A_1014 = tpu.memref_slice %arg4[%dma_wait3A_1013] : memref<16x!tpu.dma_semaphore, #tpu.memory_space<semaphore_mem>> -> memref<1x!tpu.dma_semaphore, #tpu.memory_space<semaphore_mem>>
    %dma_wait3A_1015 = tpu.memref_squeeze %dma_wait3A_1014 : memref<1x!tpu.dma_semaphore, #tpu.memory_space<semaphore_mem>> -> memref<!tpu.dma_semaphore, #tpu.memory_space<semaphore_mem>>
    %dma_wait3A_1016 = arith.constant 3072 : i32
    %dma_wait3A_1017 = arith.constant 0 : i32
    %dma_wait3A_1018 = tpu.memref_slice %arg1[%dma_wait3A_1012, %dma_wait3A_1016, %dma_wait3A_1017] : memref<3x8192x1024xf32, #tpu.memory_space<any>> -> memref<1x512x1024xf32, #tpu.memory_space<any>>
    %dma_wait3A_1019 = tpu.memref_squeeze %dma_wait3A_1018 : memref<1x512x1024xf32, #tpu.memory_space<any>> -> memref<512x1024xf32, #tpu.memory_space<any>>
    %dma_wait3A_1020 = arith.constant 3072 : i32
    %dma_wait3A_1021 = arith.constant 0 : i32
    %dma_wait3A_1022 = tpu.memref_slice %arg2[%dma_wait3A_1020, %dma_wait3A_1021] : memref<8192x1024xf32, #tpu.memory_space<vmem>> -> memref<512x1024xf32, #tpu.memory_space<vmem>>
    tpu.wait_dma2 semaphore(%dma_wait3A_1015 : memref<!tpu.dma_semaphore, #tpu.memory_space<semaphore_mem>>) src(%dma_wait3A_1022 : memref<512x1024xf32, #tpu.memory_space<vmem>>) dst(%dma_wait3A_1019 : memref<512x1024xf32, #tpu.memory_space<any>>)
    %dma_wait3A_1023 = arith.constant 1 : i32
    %dma_wait3A_1024 = arith.constant 6 : i32
    %dma_wait3A_1025 = tpu.memref_slice %arg4[%dma_wait3A_1024] : memref<16x!tpu.dma_semaphore, #tpu.memory_space<semaphore_mem>> -> memref<1x!tpu.dma_semaphore, #tpu.memory_space<semaphore_mem>>
    %dma_wait3A_1026 = tpu.memref_squeeze %dma_wait3A_1025 : memref<1x!tpu.dma_semaphore, #tpu.memory_space<semaphore_mem>> -> memref<!tpu.dma_semaphore, #tpu.memory_space<semaphore_mem>>
    %dma_wait3A_1027 = arith.constant 3072 : i32
    %dma_wait3A_1028 = arith.constant 0 : i32
    %dma_wait3A_1029 = tpu.memref_slice %arg1[%dma_wait3A_1023, %dma_wait3A_1027, %dma_wait3A_1028] : memref<3x8192x1024xf32, #tpu.memory_space<any>> -> memref<1x512x1024xf32, #tpu.memory_space<any>>
    %dma_wait3A_1030 = tpu.memref_squeeze %dma_wait3A_1029 : memref<1x512x1024xf32, #tpu.memory_space<any>> -> memref<512x1024xf32, #tpu.memory_space<any>>
    %dma_wait3A_1031 = arith.constant 3072 : i32
    %dma_wait3A_1032 = arith.constant 0 : i32
    %dma_wait3A_1033 = tpu.memref_slice %arg2[%dma_wait3A_1031, %dma_wait3A_1032] : memref<8192x1024xf32, #tpu.memory_space<vmem>> -> memref<512x1024xf32, #tpu.memory_space<vmem>>
    tpu.wait_dma2 semaphore(%dma_wait3A_1026 : memref<!tpu.dma_semaphore, #tpu.memory_space<semaphore_mem>>) src(%dma_wait3A_1033 : memref<512x1024xf32, #tpu.memory_space<vmem>>) dst(%dma_wait3A_1030 : memref<512x1024xf32, #tpu.memory_space<any>>)
    %dma_wait3A_1034 = arith.constant 2 : i32
    %dma_wait3A_1035 = arith.constant 6 : i32
    %dma_wait3A_1036 = tpu.memref_slice %arg4[%dma_wait3A_1035] : memref<16x!tpu.dma_semaphore, #tpu.memory_space<semaphore_mem>> -> memref<1x!tpu.dma_semaphore, #tpu.memory_space<semaphore_mem>>
    %dma_wait3A_1037 = tpu.memref_squeeze %dma_wait3A_1036 : memref<1x!tpu.dma_semaphore, #tpu.memory_space<semaphore_mem>> -> memref<!tpu.dma_semaphore, #tpu.memory_space<semaphore_mem>>
    %dma_wait3A_1038 = arith.constant 3072 : i32
    %dma_wait3A_1039 = arith.constant 0 : i32
    %dma_wait3A_1040 = tpu.memref_slice %arg1[%dma_wait3A_1034, %dma_wait3A_1038, %dma_wait3A_1039] : memref<3x8192x1024xf32, #tpu.memory_space<any>> -> memref<1x512x1024xf32, #tpu.memory_space<any>>
    %dma_wait3A_1041 = tpu.memref_squeeze %dma_wait3A_1040 : memref<1x512x1024xf32, #tpu.memory_space<any>> -> memref<512x1024xf32, #tpu.memory_space<any>>
    %dma_wait3A_1042 = arith.constant 3072 : i32
    %dma_wait3A_1043 = arith.constant 0 : i32
    %dma_wait3A_1044 = tpu.memref_slice %arg2[%dma_wait3A_1042, %dma_wait3A_1043] : memref<8192x1024xf32, #tpu.memory_space<vmem>> -> memref<512x1024xf32, #tpu.memory_space<vmem>>
    tpu.wait_dma2 semaphore(%dma_wait3A_1037 : memref<!tpu.dma_semaphore, #tpu.memory_space<semaphore_mem>>) src(%dma_wait3A_1044 : memref<512x1024xf32, #tpu.memory_space<vmem>>) dst(%dma_wait3A_1041 : memref<512x1024xf32, #tpu.memory_space<any>>)
    %dma_wait3A_1045 = arith.constant 0 : i32
    %dma_wait3A_1046 = arith.constant 7 : i32
    %dma_wait3A_1047 = tpu.memref_slice %arg4[%dma_wait3A_1046] : memref<16x!tpu.dma_semaphore, #tpu.memory_space<semaphore_mem>> -> memref<1x!tpu.dma_semaphore, #tpu.memory_space<semaphore_mem>>
    %dma_wait3A_1048 = tpu.memref_squeeze %dma_wait3A_1047 : memref<1x!tpu.dma_semaphore, #tpu.memory_space<semaphore_mem>> -> memref<!tpu.dma_semaphore, #tpu.memory_space<semaphore_mem>>
    %dma_wait3A_1049 = arith.constant 3584 : i32
    %dma_wait3A_1050 = arith.constant 0 : i32
    %dma_wait3A_1051 = tpu.memref_slice %arg1[%dma_wait3A_1045, %dma_wait3A_1049, %dma_wait3A_1050] : memref<3x8192x1024xf32, #tpu.memory_space<any>> -> memref<1x512x1024xf32, #tpu.memory_space<any>>
    %dma_wait3A_1052 = tpu.memref_squeeze %dma_wait3A_1051 : memref<1x512x1024xf32, #tpu.memory_space<any>> -> memref<512x1024xf32, #tpu.memory_space<any>>
    %dma_wait3A_1053 = arith.constant 3584 : i32
    %dma_wait3A_1054 = arith.constant 0 : i32
    %dma_wait3A_1055 = tpu.memref_slice %arg2[%dma_wait3A_1053, %dma_wait3A_1054] : memref<8192x1024xf32, #tpu.memory_space<vmem>> -> memref<512x1024xf32, #tpu.memory_space<vmem>>
    tpu.wait_dma2 semaphore(%dma_wait3A_1048 : memref<!tpu.dma_semaphore, #tpu.memory_space<semaphore_mem>>) src(%dma_wait3A_1055 : memref<512x1024xf32, #tpu.memory_space<vmem>>) dst(%dma_wait3A_1052 : memref<512x1024xf32, #tpu.memory_space<any>>)
    %dma_wait3A_1056 = arith.constant 1 : i32
    %dma_wait3A_1057 = arith.constant 7 : i32
    %dma_wait3A_1058 = tpu.memref_slice %arg4[%dma_wait3A_1057] : memref<16x!tpu.dma_semaphore, #tpu.memory_space<semaphore_mem>> -> memref<1x!tpu.dma_semaphore, #tpu.memory_space<semaphore_mem>>
    %dma_wait3A_1059 = tpu.memref_squeeze %dma_wait3A_1058 : memref<1x!tpu.dma_semaphore, #tpu.memory_space<semaphore_mem>> -> memref<!tpu.dma_semaphore, #tpu.memory_space<semaphore_mem>>
    %dma_wait3A_1060 = arith.constant 3584 : i32
    %dma_wait3A_1061 = arith.constant 0 : i32
    %dma_wait3A_1062 = tpu.memref_slice %arg1[%dma_wait3A_1056, %dma_wait3A_1060, %dma_wait3A_1061] : memref<3x8192x1024xf32, #tpu.memory_space<any>> -> memref<1x512x1024xf32, #tpu.memory_space<any>>
    %dma_wait3A_1063 = tpu.memref_squeeze %dma_wait3A_1062 : memref<1x512x1024xf32, #tpu.memory_space<any>> -> memref<512x1024xf32, #tpu.memory_space<any>>
    %dma_wait3A_1064 = arith.constant 3584 : i32
    %dma_wait3A_1065 = arith.constant 0 : i32
    %dma_wait3A_1066 = tpu.memref_slice %arg2[%dma_wait3A_1064, %dma_wait3A_1065] : memref<8192x1024xf32, #tpu.memory_space<vmem>> -> memref<512x1024xf32, #tpu.memory_space<vmem>>
    tpu.wait_dma2 semaphore(%dma_wait3A_1059 : memref<!tpu.dma_semaphore, #tpu.memory_space<semaphore_mem>>) src(%dma_wait3A_1066 : memref<512x1024xf32, #tpu.memory_space<vmem>>) dst(%dma_wait3A_1063 : memref<512x1024xf32, #tpu.memory_space<any>>)
    %dma_wait3A_1067 = arith.constant 2 : i32
    %dma_wait3A_1068 = arith.constant 7 : i32
    %dma_wait3A_1069 = tpu.memref_slice %arg4[%dma_wait3A_1068] : memref<16x!tpu.dma_semaphore, #tpu.memory_space<semaphore_mem>> -> memref<1x!tpu.dma_semaphore, #tpu.memory_space<semaphore_mem>>
    %dma_wait3A_1070 = tpu.memref_squeeze %dma_wait3A_1069 : memref<1x!tpu.dma_semaphore, #tpu.memory_space<semaphore_mem>> -> memref<!tpu.dma_semaphore, #tpu.memory_space<semaphore_mem>>
    %dma_wait3A_1071 = arith.constant 3584 : i32
    %dma_wait3A_1072 = arith.constant 0 : i32
    %dma_wait3A_1073 = tpu.memref_slice %arg1[%dma_wait3A_1067, %dma_wait3A_1071, %dma_wait3A_1072] : memref<3x8192x1024xf32, #tpu.memory_space<any>> -> memref<1x512x1024xf32, #tpu.memory_space<any>>
    %dma_wait3A_1074 = tpu.memref_squeeze %dma_wait3A_1073 : memref<1x512x1024xf32, #tpu.memory_space<any>> -> memref<512x1024xf32, #tpu.memory_space<any>>
    %dma_wait3A_1075 = arith.constant 3584 : i32
    %dma_wait3A_1076 = arith.constant 0 : i32
    %dma_wait3A_1077 = tpu.memref_slice %arg2[%dma_wait3A_1075, %dma_wait3A_1076] : memref<8192x1024xf32, #tpu.memory_space<vmem>> -> memref<512x1024xf32, #tpu.memory_space<vmem>>
    tpu.wait_dma2 semaphore(%dma_wait3A_1070 : memref<!tpu.dma_semaphore, #tpu.memory_space<semaphore_mem>>) src(%dma_wait3A_1077 : memref<512x1024xf32, #tpu.memory_space<vmem>>) dst(%dma_wait3A_1074 : memref<512x1024xf32, #tpu.memory_space<any>>)
    %dma_wait3A_1078 = arith.constant 0 : i32
    %dma_wait3A_1079 = arith.constant 8 : i32
    %dma_wait3A_1080 = tpu.memref_slice %arg4[%dma_wait3A_1079] : memref<16x!tpu.dma_semaphore, #tpu.memory_space<semaphore_mem>> -> memref<1x!tpu.dma_semaphore, #tpu.memory_space<semaphore_mem>>
    %dma_wait3A_1081 = tpu.memref_squeeze %dma_wait3A_1080 : memref<1x!tpu.dma_semaphore, #tpu.memory_space<semaphore_mem>> -> memref<!tpu.dma_semaphore, #tpu.memory_space<semaphore_mem>>
    %dma_wait3A_1082 = arith.constant 4096 : i32
    %dma_wait3A_1083 = arith.constant 0 : i32
    %dma_wait3A_1084 = tpu.memref_slice %arg1[%dma_wait3A_1078, %dma_wait3A_1082, %dma_wait3A_1083] : memref<3x8192x1024xf32, #tpu.memory_space<any>> -> memref<1x512x1024xf32, #tpu.memory_space<any>>
    %dma_wait3A_1085 = tpu.memref_squeeze %dma_wait3A_1084 : memref<1x512x1024xf32, #tpu.memory_space<any>> -> memref<512x1024xf32, #tpu.memory_space<any>>
    %dma_wait3A_1086 = arith.constant 4096 : i32
    %dma_wait3A_1087 = arith.constant 0 : i32
    %dma_wait3A_1088 = tpu.memref_slice %arg2[%dma_wait3A_1086, %dma_wait3A_1087] : memref<8192x1024xf32, #tpu.memory_space<vmem>> -> memref<512x1024xf32, #tpu.memory_space<vmem>>
    tpu.wait_dma2 semaphore(%dma_wait3A_1081 : memref<!tpu.dma_semaphore, #tpu.memory_space<semaphore_mem>>) src(%dma_wait3A_1088 : memref<512x1024xf32, #tpu.memory_space<vmem>>) dst(%dma_wait3A_1085 : memref<512x1024xf32, #tpu.memory_space<any>>)
    %dma_wait3A_1089 = arith.constant 1 : i32
    %dma_wait3A_1090 = arith.constant 8 : i32
    %dma_wait3A_1091 = tpu.memref_slice %arg4[%dma_wait3A_1090] : memref<16x!tpu.dma_semaphore, #tpu.memory_space<semaphore_mem>> -> memref<1x!tpu.dma_semaphore, #tpu.memory_space<semaphore_mem>>
    %dma_wait3A_1092 = tpu.memref_squeeze %dma_wait3A_1091 : memref<1x!tpu.dma_semaphore, #tpu.memory_space<semaphore_mem>> -> memref<!tpu.dma_semaphore, #tpu.memory_space<semaphore_mem>>
    %dma_wait3A_1093 = arith.constant 4096 : i32
    %dma_wait3A_1094 = arith.constant 0 : i32
    %dma_wait3A_1095 = tpu.memref_slice %arg1[%dma_wait3A_1089, %dma_wait3A_1093, %dma_wait3A_1094] : memref<3x8192x1024xf32, #tpu.memory_space<any>> -> memref<1x512x1024xf32, #tpu.memory_space<any>>
    %dma_wait3A_1096 = tpu.memref_squeeze %dma_wait3A_1095 : memref<1x512x1024xf32, #tpu.memory_space<any>> -> memref<512x1024xf32, #tpu.memory_space<any>>
    %dma_wait3A_1097 = arith.constant 4096 : i32
    %dma_wait3A_1098 = arith.constant 0 : i32
    %dma_wait3A_1099 = tpu.memref_slice %arg2[%dma_wait3A_1097, %dma_wait3A_1098] : memref<8192x1024xf32, #tpu.memory_space<vmem>> -> memref<512x1024xf32, #tpu.memory_space<vmem>>
    tpu.wait_dma2 semaphore(%dma_wait3A_1092 : memref<!tpu.dma_semaphore, #tpu.memory_space<semaphore_mem>>) src(%dma_wait3A_1099 : memref<512x1024xf32, #tpu.memory_space<vmem>>) dst(%dma_wait3A_1096 : memref<512x1024xf32, #tpu.memory_space<any>>)
    %dma_wait3A_1100 = arith.constant 2 : i32
    %dma_wait3A_1101 = arith.constant 8 : i32
    %dma_wait3A_1102 = tpu.memref_slice %arg4[%dma_wait3A_1101] : memref<16x!tpu.dma_semaphore, #tpu.memory_space<semaphore_mem>> -> memref<1x!tpu.dma_semaphore, #tpu.memory_space<semaphore_mem>>
    %dma_wait3A_1103 = tpu.memref_squeeze %dma_wait3A_1102 : memref<1x!tpu.dma_semaphore, #tpu.memory_space<semaphore_mem>> -> memref<!tpu.dma_semaphore, #tpu.memory_space<semaphore_mem>>
    %dma_wait3A_1104 = arith.constant 4096 : i32
    %dma_wait3A_1105 = arith.constant 0 : i32
    %dma_wait3A_1106 = tpu.memref_slice %arg1[%dma_wait3A_1100, %dma_wait3A_1104, %dma_wait3A_1105] : memref<3x8192x1024xf32, #tpu.memory_space<any>> -> memref<1x512x1024xf32, #tpu.memory_space<any>>
    %dma_wait3A_1107 = tpu.memref_squeeze %dma_wait3A_1106 : memref<1x512x1024xf32, #tpu.memory_space<any>> -> memref<512x1024xf32, #tpu.memory_space<any>>
    %dma_wait3A_1108 = arith.constant 4096 : i32
    %dma_wait3A_1109 = arith.constant 0 : i32
    %dma_wait3A_1110 = tpu.memref_slice %arg2[%dma_wait3A_1108, %dma_wait3A_1109] : memref<8192x1024xf32, #tpu.memory_space<vmem>> -> memref<512x1024xf32, #tpu.memory_space<vmem>>
    tpu.wait_dma2 semaphore(%dma_wait3A_1103 : memref<!tpu.dma_semaphore, #tpu.memory_space<semaphore_mem>>) src(%dma_wait3A_1110 : memref<512x1024xf32, #tpu.memory_space<vmem>>) dst(%dma_wait3A_1107 : memref<512x1024xf32, #tpu.memory_space<any>>)
    %dma_wait3A_1111 = arith.constant 0 : i32
    %dma_wait3A_1112 = arith.constant 9 : i32
    %dma_wait3A_1113 = tpu.memref_slice %arg4[%dma_wait3A_1112] : memref<16x!tpu.dma_semaphore, #tpu.memory_space<semaphore_mem>> -> memref<1x!tpu.dma_semaphore, #tpu.memory_space<semaphore_mem>>
    %dma_wait3A_1114 = tpu.memref_squeeze %dma_wait3A_1113 : memref<1x!tpu.dma_semaphore, #tpu.memory_space<semaphore_mem>> -> memref<!tpu.dma_semaphore, #tpu.memory_space<semaphore_mem>>
    %dma_wait3A_1115 = arith.constant 4608 : i32
    %dma_wait3A_1116 = arith.constant 0 : i32
    %dma_wait3A_1117 = tpu.memref_slice %arg1[%dma_wait3A_1111, %dma_wait3A_1115, %dma_wait3A_1116] : memref<3x8192x1024xf32, #tpu.memory_space<any>> -> memref<1x512x1024xf32, #tpu.memory_space<any>>
    %dma_wait3A_1118 = tpu.memref_squeeze %dma_wait3A_1117 : memref<1x512x1024xf32, #tpu.memory_space<any>> -> memref<512x1024xf32, #tpu.memory_space<any>>
    %dma_wait3A_1119 = arith.constant 4608 : i32
    %dma_wait3A_1120 = arith.constant 0 : i32
    %dma_wait3A_1121 = tpu.memref_slice %arg2[%dma_wait3A_1119, %dma_wait3A_1120] : memref<8192x1024xf32, #tpu.memory_space<vmem>> -> memref<512x1024xf32, #tpu.memory_space<vmem>>
    tpu.wait_dma2 semaphore(%dma_wait3A_1114 : memref<!tpu.dma_semaphore, #tpu.memory_space<semaphore_mem>>) src(%dma_wait3A_1121 : memref<512x1024xf32, #tpu.memory_space<vmem>>) dst(%dma_wait3A_1118 : memref<512x1024xf32, #tpu.memory_space<any>>)
    %dma_wait3A_1122 = arith.constant 1 : i32
    %dma_wait3A_1123 = arith.constant 9 : i32
    %dma_wait3A_1124 = tpu.memref_slice %arg4[%dma_wait3A_1123] : memref<16x!tpu.dma_semaphore, #tpu.memory_space<semaphore_mem>> -> memref<1x!tpu.dma_semaphore, #tpu.memory_space<semaphore_mem>>
    %dma_wait3A_1125 = tpu.memref_squeeze %dma_wait3A_1124 : memref<1x!tpu.dma_semaphore, #tpu.memory_space<semaphore_mem>> -> memref<!tpu.dma_semaphore, #tpu.memory_space<semaphore_mem>>
    %dma_wait3A_1126 = arith.constant 4608 : i32
    %dma_wait3A_1127 = arith.constant 0 : i32
    %dma_wait3A_1128 = tpu.memref_slice %arg1[%dma_wait3A_1122, %dma_wait3A_1126, %dma_wait3A_1127] : memref<3x8192x1024xf32, #tpu.memory_space<any>> -> memref<1x512x1024xf32, #tpu.memory_space<any>>
    %dma_wait3A_1129 = tpu.memref_squeeze %dma_wait3A_1128 : memref<1x512x1024xf32, #tpu.memory_space<any>> -> memref<512x1024xf32, #tpu.memory_space<any>>
    %dma_wait3A_1130 = arith.constant 4608 : i32
    %dma_wait3A_1131 = arith.constant 0 : i32
    %dma_wait3A_1132 = tpu.memref_slice %arg2[%dma_wait3A_1130, %dma_wait3A_1131] : memref<8192x1024xf32, #tpu.memory_space<vmem>> -> memref<512x1024xf32, #tpu.memory_space<vmem>>
    tpu.wait_dma2 semaphore(%dma_wait3A_1125 : memref<!tpu.dma_semaphore, #tpu.memory_space<semaphore_mem>>) src(%dma_wait3A_1132 : memref<512x1024xf32, #tpu.memory_space<vmem>>) dst(%dma_wait3A_1129 : memref<512x1024xf32, #tpu.memory_space<any>>)
    %dma_wait3A_1133 = arith.constant 2 : i32
    %dma_wait3A_1134 = arith.constant 9 : i32
    %dma_wait3A_1135 = tpu.memref_slice %arg4[%dma_wait3A_1134] : memref<16x!tpu.dma_semaphore, #tpu.memory_space<semaphore_mem>> -> memref<1x!tpu.dma_semaphore, #tpu.memory_space<semaphore_mem>>
    %dma_wait3A_1136 = tpu.memref_squeeze %dma_wait3A_1135 : memref<1x!tpu.dma_semaphore, #tpu.memory_space<semaphore_mem>> -> memref<!tpu.dma_semaphore, #tpu.memory_space<semaphore_mem>>
    %dma_wait3A_1137 = arith.constant 4608 : i32
    %dma_wait3A_1138 = arith.constant 0 : i32
    %dma_wait3A_1139 = tpu.memref_slice %arg1[%dma_wait3A_1133, %dma_wait3A_1137, %dma_wait3A_1138] : memref<3x8192x1024xf32, #tpu.memory_space<any>> -> memref<1x512x1024xf32, #tpu.memory_space<any>>
    %dma_wait3A_1140 = tpu.memref_squeeze %dma_wait3A_1139 : memref<1x512x1024xf32, #tpu.memory_space<any>> -> memref<512x1024xf32, #tpu.memory_space<any>>
    %dma_wait3A_1141 = arith.constant 4608 : i32
    %dma_wait3A_1142 = arith.constant 0 : i32
    %dma_wait3A_1143 = tpu.memref_slice %arg2[%dma_wait3A_1141, %dma_wait3A_1142] : memref<8192x1024xf32, #tpu.memory_space<vmem>> -> memref<512x1024xf32, #tpu.memory_space<vmem>>
    tpu.wait_dma2 semaphore(%dma_wait3A_1136 : memref<!tpu.dma_semaphore, #tpu.memory_space<semaphore_mem>>) src(%dma_wait3A_1143 : memref<512x1024xf32, #tpu.memory_space<vmem>>) dst(%dma_wait3A_1140 : memref<512x1024xf32, #tpu.memory_space<any>>)
    %dma_wait3A_1144 = arith.constant 0 : i32
    %dma_wait3A_1145 = arith.constant 10 : i32
    %dma_wait3A_1146 = tpu.memref_slice %arg4[%dma_wait3A_1145] : memref<16x!tpu.dma_semaphore, #tpu.memory_space<semaphore_mem>> -> memref<1x!tpu.dma_semaphore, #tpu.memory_space<semaphore_mem>>
    %dma_wait3A_1147 = tpu.memref_squeeze %dma_wait3A_1146 : memref<1x!tpu.dma_semaphore, #tpu.memory_space<semaphore_mem>> -> memref<!tpu.dma_semaphore, #tpu.memory_space<semaphore_mem>>
    %dma_wait3A_1148 = arith.constant 5120 : i32
    %dma_wait3A_1149 = arith.constant 0 : i32
    %dma_wait3A_1150 = tpu.memref_slice %arg1[%dma_wait3A_1144, %dma_wait3A_1148, %dma_wait3A_1149] : memref<3x8192x1024xf32, #tpu.memory_space<any>> -> memref<1x512x1024xf32, #tpu.memory_space<any>>
    %dma_wait3A_1151 = tpu.memref_squeeze %dma_wait3A_1150 : memref<1x512x1024xf32, #tpu.memory_space<any>> -> memref<512x1024xf32, #tpu.memory_space<any>>
    %dma_wait3A_1152 = arith.constant 5120 : i32
    %dma_wait3A_1153 = arith.constant 0 : i32
    %dma_wait3A_1154 = tpu.memref_slice %arg2[%dma_wait3A_1152, %dma_wait3A_1153] : memref<8192x1024xf32, #tpu.memory_space<vmem>> -> memref<512x1024xf32, #tpu.memory_space<vmem>>
    tpu.wait_dma2 semaphore(%dma_wait3A_1147 : memref<!tpu.dma_semaphore, #tpu.memory_space<semaphore_mem>>) src(%dma_wait3A_1154 : memref<512x1024xf32, #tpu.memory_space<vmem>>) dst(%dma_wait3A_1151 : memref<512x1024xf32, #tpu.memory_space<any>>)
    %dma_wait3A_1155 = arith.constant 1 : i32
    %dma_wait3A_1156 = arith.constant 10 : i32
    %dma_wait3A_1157 = tpu.memref_slice %arg4[%dma_wait3A_1156] : memref<16x!tpu.dma_semaphore, #tpu.memory_space<semaphore_mem>> -> memref<1x!tpu.dma_semaphore, #tpu.memory_space<semaphore_mem>>
    %dma_wait3A_1158 = tpu.memref_squeeze %dma_wait3A_1157 : memref<1x!tpu.dma_semaphore, #tpu.memory_space<semaphore_mem>> -> memref<!tpu.dma_semaphore, #tpu.memory_space<semaphore_mem>>
    %dma_wait3A_1159 = arith.constant 5120 : i32
    %dma_wait3A_1160 = arith.constant 0 : i32
    %dma_wait3A_1161 = tpu.memref_slice %arg1[%dma_wait3A_1155, %dma_wait3A_1159, %dma_wait3A_1160] : memref<3x8192x1024xf32, #tpu.memory_space<any>> -> memref<1x512x1024xf32, #tpu.memory_space<any>>
    %dma_wait3A_1162 = tpu.memref_squeeze %dma_wait3A_1161 : memref<1x512x1024xf32, #tpu.memory_space<any>> -> memref<512x1024xf32, #tpu.memory_space<any>>
    %dma_wait3A_1163 = arith.constant 5120 : i32
    %dma_wait3A_1164 = arith.constant 0 : i32
    %dma_wait3A_1165 = tpu.memref_slice %arg2[%dma_wait3A_1163, %dma_wait3A_1164] : memref<8192x1024xf32, #tpu.memory_space<vmem>> -> memref<512x1024xf32, #tpu.memory_space<vmem>>
    tpu.wait_dma2 semaphore(%dma_wait3A_1158 : memref<!tpu.dma_semaphore, #tpu.memory_space<semaphore_mem>>) src(%dma_wait3A_1165 : memref<512x1024xf32, #tpu.memory_space<vmem>>) dst(%dma_wait3A_1162 : memref<512x1024xf32, #tpu.memory_space<any>>)
    %dma_wait3A_1166 = arith.constant 2 : i32
    %dma_wait3A_1167 = arith.constant 10 : i32
    %dma_wait3A_1168 = tpu.memref_slice %arg4[%dma_wait3A_1167] : memref<16x!tpu.dma_semaphore, #tpu.memory_space<semaphore_mem>> -> memref<1x!tpu.dma_semaphore, #tpu.memory_space<semaphore_mem>>
    %dma_wait3A_1169 = tpu.memref_squeeze %dma_wait3A_1168 : memref<1x!tpu.dma_semaphore, #tpu.memory_space<semaphore_mem>> -> memref<!tpu.dma_semaphore, #tpu.memory_space<semaphore_mem>>
    %dma_wait3A_1170 = arith.constant 5120 : i32
    %dma_wait3A_1171 = arith.constant 0 : i32
    %dma_wait3A_1172 = tpu.memref_slice %arg1[%dma_wait3A_1166, %dma_wait3A_1170, %dma_wait3A_1171] : memref<3x8192x1024xf32, #tpu.memory_space<any>> -> memref<1x512x1024xf32, #tpu.memory_space<any>>
    %dma_wait3A_1173 = tpu.memref_squeeze %dma_wait3A_1172 : memref<1x512x1024xf32, #tpu.memory_space<any>> -> memref<512x1024xf32, #tpu.memory_space<any>>
    %dma_wait3A_1174 = arith.constant 5120 : i32
    %dma_wait3A_1175 = arith.constant 0 : i32
    %dma_wait3A_1176 = tpu.memref_slice %arg2[%dma_wait3A_1174, %dma_wait3A_1175] : memref<8192x1024xf32, #tpu.memory_space<vmem>> -> memref<512x1024xf32, #tpu.memory_space<vmem>>
    tpu.wait_dma2 semaphore(%dma_wait3A_1169 : memref<!tpu.dma_semaphore, #tpu.memory_space<semaphore_mem>>) src(%dma_wait3A_1176 : memref<512x1024xf32, #tpu.memory_space<vmem>>) dst(%dma_wait3A_1173 : memref<512x1024xf32, #tpu.memory_space<any>>)
    %dma_wait3A_1177 = arith.constant 0 : i32
    %dma_wait3A_1178 = arith.constant 11 : i32
    %dma_wait3A_1179 = tpu.memref_slice %arg4[%dma_wait3A_1178] : memref<16x!tpu.dma_semaphore, #tpu.memory_space<semaphore_mem>> -> memref<1x!tpu.dma_semaphore, #tpu.memory_space<semaphore_mem>>
    %dma_wait3A_1180 = tpu.memref_squeeze %dma_wait3A_1179 : memref<1x!tpu.dma_semaphore, #tpu.memory_space<semaphore_mem>> -> memref<!tpu.dma_semaphore, #tpu.memory_space<semaphore_mem>>
    %dma_wait3A_1181 = arith.constant 5632 : i32
    %dma_wait3A_1182 = arith.constant 0 : i32
    %dma_wait3A_1183 = tpu.memref_slice %arg1[%dma_wait3A_1177, %dma_wait3A_1181, %dma_wait3A_1182] : memref<3x8192x1024xf32, #tpu.memory_space<any>> -> memref<1x512x1024xf32, #tpu.memory_space<any>>
    %dma_wait3A_1184 = tpu.memref_squeeze %dma_wait3A_1183 : memref<1x512x1024xf32, #tpu.memory_space<any>> -> memref<512x1024xf32, #tpu.memory_space<any>>
    %dma_wait3A_1185 = arith.constant 5632 : i32
    %dma_wait3A_1186 = arith.constant 0 : i32
    %dma_wait3A_1187 = tpu.memref_slice %arg2[%dma_wait3A_1185, %dma_wait3A_1186] : memref<8192x1024xf32, #tpu.memory_space<vmem>> -> memref<512x1024xf32, #tpu.memory_space<vmem>>
    tpu.wait_dma2 semaphore(%dma_wait3A_1180 : memref<!tpu.dma_semaphore, #tpu.memory_space<semaphore_mem>>) src(%dma_wait3A_1187 : memref<512x1024xf32, #tpu.memory_space<vmem>>) dst(%dma_wait3A_1184 : memref<512x1024xf32, #tpu.memory_space<any>>)
    %dma_wait3A_1188 = arith.constant 1 : i32
    %dma_wait3A_1189 = arith.constant 11 : i32
    %dma_wait3A_1190 = tpu.memref_slice %arg4[%dma_wait3A_1189] : memref<16x!tpu.dma_semaphore, #tpu.memory_space<semaphore_mem>> -> memref<1x!tpu.dma_semaphore, #tpu.memory_space<semaphore_mem>>
    %dma_wait3A_1191 = tpu.memref_squeeze %dma_wait3A_1190 : memref<1x!tpu.dma_semaphore, #tpu.memory_space<semaphore_mem>> -> memref<!tpu.dma_semaphore, #tpu.memory_space<semaphore_mem>>
    %dma_wait3A_1192 = arith.constant 5632 : i32
    %dma_wait3A_1193 = arith.constant 0 : i32
    %dma_wait3A_1194 = tpu.memref_slice %arg1[%dma_wait3A_1188, %dma_wait3A_1192, %dma_wait3A_1193] : memref<3x8192x1024xf32, #tpu.memory_space<any>> -> memref<1x512x1024xf32, #tpu.memory_space<any>>
    %dma_wait3A_1195 = tpu.memref_squeeze %dma_wait3A_1194 : memref<1x512x1024xf32, #tpu.memory_space<any>> -> memref<512x1024xf32, #tpu.memory_space<any>>
    %dma_wait3A_1196 = arith.constant 5632 : i32
    %dma_wait3A_1197 = arith.constant 0 : i32
    %dma_wait3A_1198 = tpu.memref_slice %arg2[%dma_wait3A_1196, %dma_wait3A_1197] : memref<8192x1024xf32, #tpu.memory_space<vmem>> -> memref<512x1024xf32, #tpu.memory_space<vmem>>
    tpu.wait_dma2 semaphore(%dma_wait3A_1191 : memref<!tpu.dma_semaphore, #tpu.memory_space<semaphore_mem>>) src(%dma_wait3A_1198 : memref<512x1024xf32, #tpu.memory_space<vmem>>) dst(%dma_wait3A_1195 : memref<512x1024xf32, #tpu.memory_space<any>>)
    %dma_wait3A_1199 = arith.constant 2 : i32
    %dma_wait3A_1200 = arith.constant 11 : i32
    %dma_wait3A_1201 = tpu.memref_slice %arg4[%dma_wait3A_1200] : memref<16x!tpu.dma_semaphore, #tpu.memory_space<semaphore_mem>> -> memref<1x!tpu.dma_semaphore, #tpu.memory_space<semaphore_mem>>
    %dma_wait3A_1202 = tpu.memref_squeeze %dma_wait3A_1201 : memref<1x!tpu.dma_semaphore, #tpu.memory_space<semaphore_mem>> -> memref<!tpu.dma_semaphore, #tpu.memory_space<semaphore_mem>>
    %dma_wait3A_1203 = arith.constant 5632 : i32
    %dma_wait3A_1204 = arith.constant 0 : i32
    %dma_wait3A_1205 = tpu.memref_slice %arg1[%dma_wait3A_1199, %dma_wait3A_1203, %dma_wait3A_1204] : memref<3x8192x1024xf32, #tpu.memory_space<any>> -> memref<1x512x1024xf32, #tpu.memory_space<any>>
    %dma_wait3A_1206 = tpu.memref_squeeze %dma_wait3A_1205 : memref<1x512x1024xf32, #tpu.memory_space<any>> -> memref<512x1024xf32, #tpu.memory_space<any>>
    %dma_wait3A_1207 = arith.constant 5632 : i32
    %dma_wait3A_1208 = arith.constant 0 : i32
    %dma_wait3A_1209 = tpu.memref_slice %arg2[%dma_wait3A_1207, %dma_wait3A_1208] : memref<8192x1024xf32, #tpu.memory_space<vmem>> -> memref<512x1024xf32, #tpu.memory_space<vmem>>
    tpu.wait_dma2 semaphore(%dma_wait3A_1202 : memref<!tpu.dma_semaphore, #tpu.memory_space<semaphore_mem>>) src(%dma_wait3A_1209 : memref<512x1024xf32, #tpu.memory_space<vmem>>) dst(%dma_wait3A_1206 : memref<512x1024xf32, #tpu.memory_space<any>>)
    %dma_wait3A_1210 = arith.constant 0 : i32
    %dma_wait3A_1211 = arith.constant 12 : i32
    %dma_wait3A_1212 = tpu.memref_slice %arg4[%dma_wait3A_1211] : memref<16x!tpu.dma_semaphore, #tpu.memory_space<semaphore_mem>> -> memref<1x!tpu.dma_semaphore, #tpu.memory_space<semaphore_mem>>
    %dma_wait3A_1213 = tpu.memref_squeeze %dma_wait3A_1212 : memref<1x!tpu.dma_semaphore, #tpu.memory_space<semaphore_mem>> -> memref<!tpu.dma_semaphore, #tpu.memory_space<semaphore_mem>>
    %dma_wait3A_1214 = arith.constant 6144 : i32
    %dma_wait3A_1215 = arith.constant 0 : i32
    %dma_wait3A_1216 = tpu.memref_slice %arg1[%dma_wait3A_1210, %dma_wait3A_1214, %dma_wait3A_1215] : memref<3x8192x1024xf32, #tpu.memory_space<any>> -> memref<1x512x1024xf32, #tpu.memory_space<any>>
    %dma_wait3A_1217 = tpu.memref_squeeze %dma_wait3A_1216 : memref<1x512x1024xf32, #tpu.memory_space<any>> -> memref<512x1024xf32, #tpu.memory_space<any>>
    %dma_wait3A_1218 = arith.constant 6144 : i32
    %dma_wait3A_1219 = arith.constant 0 : i32
    %dma_wait3A_1220 = tpu.memref_slice %arg2[%dma_wait3A_1218, %dma_wait3A_1219] : memref<8192x1024xf32, #tpu.memory_space<vmem>> -> memref<512x1024xf32, #tpu.memory_space<vmem>>
    tpu.wait_dma2 semaphore(%dma_wait3A_1213 : memref<!tpu.dma_semaphore, #tpu.memory_space<semaphore_mem>>) src(%dma_wait3A_1220 : memref<512x1024xf32, #tpu.memory_space<vmem>>) dst(%dma_wait3A_1217 : memref<512x1024xf32, #tpu.memory_space<any>>)
    %dma_wait3A_1221 = arith.constant 1 : i32
    %dma_wait3A_1222 = arith.constant 12 : i32
    %dma_wait3A_1223 = tpu.memref_slice %arg4[%dma_wait3A_1222] : memref<16x!tpu.dma_semaphore, #tpu.memory_space<semaphore_mem>> -> memref<1x!tpu.dma_semaphore, #tpu.memory_space<semaphore_mem>>
    %dma_wait3A_1224 = tpu.memref_squeeze %dma_wait3A_1223 : memref<1x!tpu.dma_semaphore, #tpu.memory_space<semaphore_mem>> -> memref<!tpu.dma_semaphore, #tpu.memory_space<semaphore_mem>>
    %dma_wait3A_1225 = arith.constant 6144 : i32
    %dma_wait3A_1226 = arith.constant 0 : i32
    %dma_wait3A_1227 = tpu.memref_slice %arg1[%dma_wait3A_1221, %dma_wait3A_1225, %dma_wait3A_1226] : memref<3x8192x1024xf32, #tpu.memory_space<any>> -> memref<1x512x1024xf32, #tpu.memory_space<any>>
    %dma_wait3A_1228 = tpu.memref_squeeze %dma_wait3A_1227 : memref<1x512x1024xf32, #tpu.memory_space<any>> -> memref<512x1024xf32, #tpu.memory_space<any>>
    %dma_wait3A_1229 = arith.constant 6144 : i32
    %dma_wait3A_1230 = arith.constant 0 : i32
    %dma_wait3A_1231 = tpu.memref_slice %arg2[%dma_wait3A_1229, %dma_wait3A_1230] : memref<8192x1024xf32, #tpu.memory_space<vmem>> -> memref<512x1024xf32, #tpu.memory_space<vmem>>
    tpu.wait_dma2 semaphore(%dma_wait3A_1224 : memref<!tpu.dma_semaphore, #tpu.memory_space<semaphore_mem>>) src(%dma_wait3A_1231 : memref<512x1024xf32, #tpu.memory_space<vmem>>) dst(%dma_wait3A_1228 : memref<512x1024xf32, #tpu.memory_space<any>>)
    %dma_wait3A_1232 = arith.constant 2 : i32
    %dma_wait3A_1233 = arith.constant 12 : i32
    %dma_wait3A_1234 = tpu.memref_slice %arg4[%dma_wait3A_1233] : memref<16x!tpu.dma_semaphore, #tpu.memory_space<semaphore_mem>> -> memref<1x!tpu.dma_semaphore, #tpu.memory_space<semaphore_mem>>
    %dma_wait3A_1235 = tpu.memref_squeeze %dma_wait3A_1234 : memref<1x!tpu.dma_semaphore, #tpu.memory_space<semaphore_mem>> -> memref<!tpu.dma_semaphore, #tpu.memory_space<semaphore_mem>>
    %dma_wait3A_1236 = arith.constant 6144 : i32
    %dma_wait3A_1237 = arith.constant 0 : i32
    %dma_wait3A_1238 = tpu.memref_slice %arg1[%dma_wait3A_1232, %dma_wait3A_1236, %dma_wait3A_1237] : memref<3x8192x1024xf32, #tpu.memory_space<any>> -> memref<1x512x1024xf32, #tpu.memory_space<any>>
    %dma_wait3A_1239 = tpu.memref_squeeze %dma_wait3A_1238 : memref<1x512x1024xf32, #tpu.memory_space<any>> -> memref<512x1024xf32, #tpu.memory_space<any>>
    %dma_wait3A_1240 = arith.constant 6144 : i32
    %dma_wait3A_1241 = arith.constant 0 : i32
    %dma_wait3A_1242 = tpu.memref_slice %arg2[%dma_wait3A_1240, %dma_wait3A_1241] : memref<8192x1024xf32, #tpu.memory_space<vmem>> -> memref<512x1024xf32, #tpu.memory_space<vmem>>
    tpu.wait_dma2 semaphore(%dma_wait3A_1235 : memref<!tpu.dma_semaphore, #tpu.memory_space<semaphore_mem>>) src(%dma_wait3A_1242 : memref<512x1024xf32, #tpu.memory_space<vmem>>) dst(%dma_wait3A_1239 : memref<512x1024xf32, #tpu.memory_space<any>>)
    %dma_wait3A_1243 = arith.constant 0 : i32
    %dma_wait3A_1244 = arith.constant 13 : i32
    %dma_wait3A_1245 = tpu.memref_slice %arg4[%dma_wait3A_1244] : memref<16x!tpu.dma_semaphore, #tpu.memory_space<semaphore_mem>> -> memref<1x!tpu.dma_semaphore, #tpu.memory_space<semaphore_mem>>
    %dma_wait3A_1246 = tpu.memref_squeeze %dma_wait3A_1245 : memref<1x!tpu.dma_semaphore, #tpu.memory_space<semaphore_mem>> -> memref<!tpu.dma_semaphore, #tpu.memory_space<semaphore_mem>>
    %dma_wait3A_1247 = arith.constant 6656 : i32
    %dma_wait3A_1248 = arith.constant 0 : i32
    %dma_wait3A_1249 = tpu.memref_slice %arg1[%dma_wait3A_1243, %dma_wait3A_1247, %dma_wait3A_1248] : memref<3x8192x1024xf32, #tpu.memory_space<any>> -> memref<1x512x1024xf32, #tpu.memory_space<any>>
    %dma_wait3A_1250 = tpu.memref_squeeze %dma_wait3A_1249 : memref<1x512x1024xf32, #tpu.memory_space<any>> -> memref<512x1024xf32, #tpu.memory_space<any>>
    %dma_wait3A_1251 = arith.constant 6656 : i32
    %dma_wait3A_1252 = arith.constant 0 : i32
    %dma_wait3A_1253 = tpu.memref_slice %arg2[%dma_wait3A_1251, %dma_wait3A_1252] : memref<8192x1024xf32, #tpu.memory_space<vmem>> -> memref<512x1024xf32, #tpu.memory_space<vmem>>
    tpu.wait_dma2 semaphore(%dma_wait3A_1246 : memref<!tpu.dma_semaphore, #tpu.memory_space<semaphore_mem>>) src(%dma_wait3A_1253 : memref<512x1024xf32, #tpu.memory_space<vmem>>) dst(%dma_wait3A_1250 : memref<512x1024xf32, #tpu.memory_space<any>>)
    %dma_wait3A_1254 = arith.constant 1 : i32
    %dma_wait3A_1255 = arith.constant 13 : i32
    %dma_wait3A_1256 = tpu.memref_slice %arg4[%dma_wait3A_1255] : memref<16x!tpu.dma_semaphore, #tpu.memory_space<semaphore_mem>> -> memref<1x!tpu.dma_semaphore, #tpu.memory_space<semaphore_mem>>
    %dma_wait3A_1257 = tpu.memref_squeeze %dma_wait3A_1256 : memref<1x!tpu.dma_semaphore, #tpu.memory_space<semaphore_mem>> -> memref<!tpu.dma_semaphore, #tpu.memory_space<semaphore_mem>>
    %dma_wait3A_1258 = arith.constant 6656 : i32
    %dma_wait3A_1259 = arith.constant 0 : i32
    %dma_wait3A_1260 = tpu.memref_slice %arg1[%dma_wait3A_1254, %dma_wait3A_1258, %dma_wait3A_1259] : memref<3x8192x1024xf32, #tpu.memory_space<any>> -> memref<1x512x1024xf32, #tpu.memory_space<any>>
    %dma_wait3A_1261 = tpu.memref_squeeze %dma_wait3A_1260 : memref<1x512x1024xf32, #tpu.memory_space<any>> -> memref<512x1024xf32, #tpu.memory_space<any>>
    %dma_wait3A_1262 = arith.constant 6656 : i32
    %dma_wait3A_1263 = arith.constant 0 : i32
    %dma_wait3A_1264 = tpu.memref_slice %arg2[%dma_wait3A_1262, %dma_wait3A_1263] : memref<8192x1024xf32, #tpu.memory_space<vmem>> -> memref<512x1024xf32, #tpu.memory_space<vmem>>
    tpu.wait_dma2 semaphore(%dma_wait3A_1257 : memref<!tpu.dma_semaphore, #tpu.memory_space<semaphore_mem>>) src(%dma_wait3A_1264 : memref<512x1024xf32, #tpu.memory_space<vmem>>) dst(%dma_wait3A_1261 : memref<512x1024xf32, #tpu.memory_space<any>>)
    %dma_wait3A_1265 = arith.constant 2 : i32
    %dma_wait3A_1266 = arith.constant 13 : i32
    %dma_wait3A_1267 = tpu.memref_slice %arg4[%dma_wait3A_1266] : memref<16x!tpu.dma_semaphore, #tpu.memory_space<semaphore_mem>> -> memref<1x!tpu.dma_semaphore, #tpu.memory_space<semaphore_mem>>
    %dma_wait3A_1268 = tpu.memref_squeeze %dma_wait3A_1267 : memref<1x!tpu.dma_semaphore, #tpu.memory_space<semaphore_mem>> -> memref<!tpu.dma_semaphore, #tpu.memory_space<semaphore_mem>>
    %dma_wait3A_1269 = arith.constant 6656 : i32
    %dma_wait3A_1270 = arith.constant 0 : i32
    %dma_wait3A_1271 = tpu.memref_slice %arg1[%dma_wait3A_1265, %dma_wait3A_1269, %dma_wait3A_1270] : memref<3x8192x1024xf32, #tpu.memory_space<any>> -> memref<1x512x1024xf32, #tpu.memory_space<any>>
    %dma_wait3A_1272 = tpu.memref_squeeze %dma_wait3A_1271 : memref<1x512x1024xf32, #tpu.memory_space<any>> -> memref<512x1024xf32, #tpu.memory_space<any>>
    %dma_wait3A_1273 = arith.constant 6656 : i32
    %dma_wait3A_1274 = arith.constant 0 : i32
    %dma_wait3A_1275 = tpu.memref_slice %arg2[%dma_wait3A_1273, %dma_wait3A_1274] : memref<8192x1024xf32, #tpu.memory_space<vmem>> -> memref<512x1024xf32, #tpu.memory_space<vmem>>
    tpu.wait_dma2 semaphore(%dma_wait3A_1268 : memref<!tpu.dma_semaphore, #tpu.memory_space<semaphore_mem>>) src(%dma_wait3A_1275 : memref<512x1024xf32, #tpu.memory_space<vmem>>) dst(%dma_wait3A_1272 : memref<512x1024xf32, #tpu.memory_space<any>>)
    %dma_wait3A_1276 = arith.constant 0 : i32
    %dma_wait3A_1277 = arith.constant 14 : i32
    %dma_wait3A_1278 = tpu.memref_slice %arg4[%dma_wait3A_1277] : memref<16x!tpu.dma_semaphore, #tpu.memory_space<semaphore_mem>> -> memref<1x!tpu.dma_semaphore, #tpu.memory_space<semaphore_mem>>
    %dma_wait3A_1279 = tpu.memref_squeeze %dma_wait3A_1278 : memref<1x!tpu.dma_semaphore, #tpu.memory_space<semaphore_mem>> -> memref<!tpu.dma_semaphore, #tpu.memory_space<semaphore_mem>>
    %dma_wait3A_1280 = arith.constant 7168 : i32
    %dma_wait3A_1281 = arith.constant 0 : i32
    %dma_wait3A_1282 = tpu.memref_slice %arg1[%dma_wait3A_1276, %dma_wait3A_1280, %dma_wait3A_1281] : memref<3x8192x1024xf32, #tpu.memory_space<any>> -> memref<1x512x1024xf32, #tpu.memory_space<any>>
    %dma_wait3A_1283 = tpu.memref_squeeze %dma_wait3A_1282 : memref<1x512x1024xf32, #tpu.memory_space<any>> -> memref<512x1024xf32, #tpu.memory_space<any>>
    %dma_wait3A_1284 = arith.constant 7168 : i32
    %dma_wait3A_1285 = arith.constant 0 : i32
    %dma_wait3A_1286 = tpu.memref_slice %arg2[%dma_wait3A_1284, %dma_wait3A_1285] : memref<8192x1024xf32, #tpu.memory_space<vmem>> -> memref<512x1024xf32, #tpu.memory_space<vmem>>
    tpu.wait_dma2 semaphore(%dma_wait3A_1279 : memref<!tpu.dma_semaphore, #tpu.memory_space<semaphore_mem>>) src(%dma_wait3A_1286 : memref<512x1024xf32, #tpu.memory_space<vmem>>) dst(%dma_wait3A_1283 : memref<512x1024xf32, #tpu.memory_space<any>>)
    %dma_wait3A_1287 = arith.constant 1 : i32
    %dma_wait3A_1288 = arith.constant 14 : i32
    %dma_wait3A_1289 = tpu.memref_slice %arg4[%dma_wait3A_1288] : memref<16x!tpu.dma_semaphore, #tpu.memory_space<semaphore_mem>> -> memref<1x!tpu.dma_semaphore, #tpu.memory_space<semaphore_mem>>
    %dma_wait3A_1290 = tpu.memref_squeeze %dma_wait3A_1289 : memref<1x!tpu.dma_semaphore, #tpu.memory_space<semaphore_mem>> -> memref<!tpu.dma_semaphore, #tpu.memory_space<semaphore_mem>>
    %dma_wait3A_1291 = arith.constant 7168 : i32
    %dma_wait3A_1292 = arith.constant 0 : i32
    %dma_wait3A_1293 = tpu.memref_slice %arg1[%dma_wait3A_1287, %dma_wait3A_1291, %dma_wait3A_1292] : memref<3x8192x1024xf32, #tpu.memory_space<any>> -> memref<1x512x1024xf32, #tpu.memory_space<any>>
    %dma_wait3A_1294 = tpu.memref_squeeze %dma_wait3A_1293 : memref<1x512x1024xf32, #tpu.memory_space<any>> -> memref<512x1024xf32, #tpu.memory_space<any>>
    %dma_wait3A_1295 = arith.constant 7168 : i32
    %dma_wait3A_1296 = arith.constant 0 : i32
    %dma_wait3A_1297 = tpu.memref_slice %arg2[%dma_wait3A_1295, %dma_wait3A_1296] : memref<8192x1024xf32, #tpu.memory_space<vmem>> -> memref<512x1024xf32, #tpu.memory_space<vmem>>
    tpu.wait_dma2 semaphore(%dma_wait3A_1290 : memref<!tpu.dma_semaphore, #tpu.memory_space<semaphore_mem>>) src(%dma_wait3A_1297 : memref<512x1024xf32, #tpu.memory_space<vmem>>) dst(%dma_wait3A_1294 : memref<512x1024xf32, #tpu.memory_space<any>>)
    %dma_wait3A_1298 = arith.constant 2 : i32
    %dma_wait3A_1299 = arith.constant 14 : i32
    %dma_wait3A_1300 = tpu.memref_slice %arg4[%dma_wait3A_1299] : memref<16x!tpu.dma_semaphore, #tpu.memory_space<semaphore_mem>> -> memref<1x!tpu.dma_semaphore, #tpu.memory_space<semaphore_mem>>
    %dma_wait3A_1301 = tpu.memref_squeeze %dma_wait3A_1300 : memref<1x!tpu.dma_semaphore, #tpu.memory_space<semaphore_mem>> -> memref<!tpu.dma_semaphore, #tpu.memory_space<semaphore_mem>>
    %dma_wait3A_1302 = arith.constant 7168 : i32
    %dma_wait3A_1303 = arith.constant 0 : i32
    %dma_wait3A_1304 = tpu.memref_slice %arg1[%dma_wait3A_1298, %dma_wait3A_1302, %dma_wait3A_1303] : memref<3x8192x1024xf32, #tpu.memory_space<any>> -> memref<1x512x1024xf32, #tpu.memory_space<any>>
    %dma_wait3A_1305 = tpu.memref_squeeze %dma_wait3A_1304 : memref<1x512x1024xf32, #tpu.memory_space<any>> -> memref<512x1024xf32, #tpu.memory_space<any>>
    %dma_wait3A_1306 = arith.constant 7168 : i32
    %dma_wait3A_1307 = arith.constant 0 : i32
    %dma_wait3A_1308 = tpu.memref_slice %arg2[%dma_wait3A_1306, %dma_wait3A_1307] : memref<8192x1024xf32, #tpu.memory_space<vmem>> -> memref<512x1024xf32, #tpu.memory_space<vmem>>
    tpu.wait_dma2 semaphore(%dma_wait3A_1301 : memref<!tpu.dma_semaphore, #tpu.memory_space<semaphore_mem>>) src(%dma_wait3A_1308 : memref<512x1024xf32, #tpu.memory_space<vmem>>) dst(%dma_wait3A_1305 : memref<512x1024xf32, #tpu.memory_space<any>>)
    %dma_wait3A_1309 = arith.constant 0 : i32
    %dma_wait3A_1310 = arith.constant 15 : i32
    %dma_wait3A_1311 = tpu.memref_slice %arg4[%dma_wait3A_1310] : memref<16x!tpu.dma_semaphore, #tpu.memory_space<semaphore_mem>> -> memref<1x!tpu.dma_semaphore, #tpu.memory_space<semaphore_mem>>
    %dma_wait3A_1312 = tpu.memref_squeeze %dma_wait3A_1311 : memref<1x!tpu.dma_semaphore, #tpu.memory_space<semaphore_mem>> -> memref<!tpu.dma_semaphore, #tpu.memory_space<semaphore_mem>>
    %dma_wait3A_1313 = arith.constant 7680 : i32
    %dma_wait3A_1314 = arith.constant 0 : i32
    %dma_wait3A_1315 = tpu.memref_slice %arg1[%dma_wait3A_1309, %dma_wait3A_1313, %dma_wait3A_1314] : memref<3x8192x1024xf32, #tpu.memory_space<any>> -> memref<1x512x1024xf32, #tpu.memory_space<any>>
    %dma_wait3A_1316 = tpu.memref_squeeze %dma_wait3A_1315 : memref<1x512x1024xf32, #tpu.memory_space<any>> -> memref<512x1024xf32, #tpu.memory_space<any>>
    %dma_wait3A_1317 = arith.constant 7680 : i32
    %dma_wait3A_1318 = arith.constant 0 : i32
    %dma_wait3A_1319 = tpu.memref_slice %arg2[%dma_wait3A_1317, %dma_wait3A_1318] : memref<8192x1024xf32, #tpu.memory_space<vmem>> -> memref<512x1024xf32, #tpu.memory_space<vmem>>
    tpu.wait_dma2 semaphore(%dma_wait3A_1312 : memref<!tpu.dma_semaphore, #tpu.memory_space<semaphore_mem>>) src(%dma_wait3A_1319 : memref<512x1024xf32, #tpu.memory_space<vmem>>) dst(%dma_wait3A_1316 : memref<512x1024xf32, #tpu.memory_space<any>>)
    %dma_wait3A_1320 = arith.constant 1 : i32
    %dma_wait3A_1321 = arith.constant 15 : i32
    %dma_wait3A_1322 = tpu.memref_slice %arg4[%dma_wait3A_1321] : memref<16x!tpu.dma_semaphore, #tpu.memory_space<semaphore_mem>> -> memref<1x!tpu.dma_semaphore, #tpu.memory_space<semaphore_mem>>
    %dma_wait3A_1323 = tpu.memref_squeeze %dma_wait3A_1322 : memref<1x!tpu.dma_semaphore, #tpu.memory_space<semaphore_mem>> -> memref<!tpu.dma_semaphore, #tpu.memory_space<semaphore_mem>>
    %dma_wait3A_1324 = arith.constant 7680 : i32
    %dma_wait3A_1325 = arith.constant 0 : i32
    %dma_wait3A_1326 = tpu.memref_slice %arg1[%dma_wait3A_1320, %dma_wait3A_1324, %dma_wait3A_1325] : memref<3x8192x1024xf32, #tpu.memory_space<any>> -> memref<1x512x1024xf32, #tpu.memory_space<any>>
    %dma_wait3A_1327 = tpu.memref_squeeze %dma_wait3A_1326 : memref<1x512x1024xf32, #tpu.memory_space<any>> -> memref<512x1024xf32, #tpu.memory_space<any>>
    %dma_wait3A_1328 = arith.constant 7680 : i32
    %dma_wait3A_1329 = arith.constant 0 : i32
    %dma_wait3A_1330 = tpu.memref_slice %arg2[%dma_wait3A_1328, %dma_wait3A_1329] : memref<8192x1024xf32, #tpu.memory_space<vmem>> -> memref<512x1024xf32, #tpu.memory_space<vmem>>
    tpu.wait_dma2 semaphore(%dma_wait3A_1323 : memref<!tpu.dma_semaphore, #tpu.memory_space<semaphore_mem>>) src(%dma_wait3A_1330 : memref<512x1024xf32, #tpu.memory_space<vmem>>) dst(%dma_wait3A_1327 : memref<512x1024xf32, #tpu.memory_space<any>>)
    %dma_wait3A_1331 = arith.constant 2 : i32
    %dma_wait3A_1332 = arith.constant 15 : i32
    %dma_wait3A_1333 = tpu.memref_slice %arg4[%dma_wait3A_1332] : memref<16x!tpu.dma_semaphore, #tpu.memory_space<semaphore_mem>> -> memref<1x!tpu.dma_semaphore, #tpu.memory_space<semaphore_mem>>
    %dma_wait3A_1334 = tpu.memref_squeeze %dma_wait3A_1333 : memref<1x!tpu.dma_semaphore, #tpu.memory_space<semaphore_mem>> -> memref<!tpu.dma_semaphore, #tpu.memory_space<semaphore_mem>>
    %dma_wait3A_1335 = arith.constant 7680 : i32
    %dma_wait3A_1336 = arith.constant 0 : i32
    %dma_wait3A_1337 = tpu.memref_slice %arg1[%dma_wait3A_1331, %dma_wait3A_1335, %dma_wait3A_1336] : memref<3x8192x1024xf32, #tpu.memory_space<any>> -> memref<1x512x1024xf32, #tpu.memory_space<any>>
    %dma_wait3A_1338 = tpu.memref_squeeze %dma_wait3A_1337 : memref<1x512x1024xf32, #tpu.memory_space<any>> -> memref<512x1024xf32, #tpu.memory_space<any>>
    %dma_wait3A_1339 = arith.constant 7680 : i32
    %dma_wait3A_1340 = arith.constant 0 : i32
    %dma_wait3A_1341 = tpu.memref_slice %arg2[%dma_wait3A_1339, %dma_wait3A_1340] : memref<8192x1024xf32, #tpu.memory_space<vmem>> -> memref<512x1024xf32, #tpu.memory_space<vmem>>
    tpu.wait_dma2 semaphore(%dma_wait3A_1334 : memref<!tpu.dma_semaphore, #tpu.memory_space<semaphore_mem>>) src(%dma_wait3A_1341 : memref<512x1024xf32, #tpu.memory_space<vmem>>) dst(%dma_wait3A_1338 : memref<512x1024xf32, #tpu.memory_space<any>>)
    return
  }
}

</mosaic_0001>

<sc_bundles>
// kernel: kernel.4.cloned.1.call-start
scs
__scs_entry_jumppad:
0x0: {  	(pc) =	sbr.rel $0x88, $3  }
0x1: {  	(tag) =	ssettag $0x0;
	lr =	simm.s32 $0x1  }
0x2: {  	[smem:$0x3FA0] =	sst lr;
	_ =	strace $0xD0000000  }
0x3: {  	_ = 	snop  }
0x4: {  	_ = 	snop  }
0x5: {  	_ = 	snop  }
0x6: {  	_ = 	snop  }
0x7: {  	_ = 	snop  }
__scs_overlays_trampoline_lowered:
0x8: {  	[smem:$0x3FAF] =	sst s0  }
0x9: {  	[smem:$0x3FB0] =	sst s1  }
0xa: {  	[smem:$0x3FB1] =	sst s2  }
0xb: {  	[smem:$0x3FB2] =	sst s3  }
0xc: {  	[smem:$0x3FB3] =	sst s4  }
0xd: {  	[smem:$0x3FB4] =	sst s5  }
0xe: {  	[smem:$0x3FB5] =	sst s6  }
0xf: {  	[smem:$0x3FB6] =	sst s7  }
0x10: {  	[smem:$0x3FB7] =	sst s8  }
0x11: {  	[smem:$0x3FB8] =	sst s9;
	s0 =	simm.s32 @!p0 $0x0  }
0x12: {  	s1 =	sld [smem:$0x3F9E];
	s0 =	simm.s32 @p0 $0x1  }
0x13: {  	[smem:$0x3FB9] =	sst s0;
	s0 =	simm.s32 @!p1 $0x0  }
0x14: {  	s2 =	sld [smem:$0x3F9D];
	s0 =	simm.s32 @p1 $0x1  }
0x15: {  	[smem:$0x3FBA] =	sst s0;
	s0 =	simm.s32 @!p2 $0x0  }
0x16: {  	s3 =	sld [smem:$0x3FDB];
	s0 =	simm.s32 @p2 $0x1  }
0x17: {  	s4 =	simm.s32 $0x1BF5;
	[smem:$0x3FBC] =	sst s0  }
0x18: {  	s0 =	sld [smem:$0x3F9F];
	_ =	swait.ge [sflag:s4], $0x0  }
0x19: {  	s7 =	sld [smem:$0x3FA0]  }
0x1a: {  	s8 =	sadd.s32 $0xFFFFE003, lr  }
0x1b: {  	s9 =	sadd.s32 $0xFFFFFEF7, lr;
	s5 =	simm.s32 $0xFFFFFFFF;
	p2 =	slt.u32 s8, $0xFFFFF086  }
0x1c: {  	p1 =	slt.u32 s9, $0xF7A;
	s5 =	simm.s32 @!p2 $0x0  }
0x1d: {  	s5 =	simm.s32 @p1 $0x1;
	p0 =	seq.s32 s7, s2  }
0x1e: {  	s7 =	smul.u32 @!p0 $0xF7A, s2;
	p2 =	seq.s32 @!p0 s5, $0x0  }
0x1f: {  	s9 =	smul.u32 $0xF7A, s1;
	s8 =	simm.s32 @!p0 $0x1BF5;
	p2 =	por !p2, p0  }
0x20: {  	[sflag:s8] =	ssyncset.s32 @!p0 $0xFFFFF086;
	s6 =	sadd.s32 @!p0 s3, s7;
	s7 =	simm.s32 @!p0 $0x108  }
0x21: {  	s3 =	sadd.s32 s3, s9;
	s6 =	sadd.s32 @!p0 $0x88, s6;
	s7 =	simm.s32 @p2 $0x1082  }
0x22: {  	[simem:s7], [sflag:s8] =	dma.local @!p0 [hbm:s6], $0xF7A  }
0x23: {  	s9 =	sor.u32 $0xD0000000, s2;
	s6 =	simm.s32 $0x108;
	_ =	swait.ge @!p0 [sflag:s8], $0x0  }
0x24: {  	s3 =	sadd.s32 $0x88, s3;
	s6 =	simm.s32 @!p1 $0x1082;
	[sflag:s4] =	ssyncset.s32 $0xFFFFF086  }
0x25: {  	[simem:s6], [sflag:s4] =	dma.local [hbm:s3], $0xF7A  }
0x26: {  	[smem:$0x3FA0] =	sst s1;
	(tag) =	ssettag s2;
	_ =	strace s9  }
0x27: {  	s1 =	sld [smem:$0x3FB0]  }
0x28: {  	s2 =	sld [smem:$0x3FB1]  }
0x29: {  	s4 =	sld [smem:$0x3FB3]  }
0x2a: {  	p0 =	seq.s32 s5, $0x0;
	s5 =	sld [smem:$0x3FB4]  }
0x2b: {  	s6 =	sld [smem:$0x3FB5]  }
0x2c: {  	s7 =	sld [smem:$0x3FB6]  }
0x2d: {  	s3 =	simm.s32 $0x108;
	s8 =	sld [smem:$0x3FB7]  }
0x2e: {  	s3 =	simm.s32 @!p0 $0x1082;
	s9 =	sld [smem:$0x3FB8]  }
0x2f: {  	lr =	sadd.s32 s0, s3;
	s0 =	sld [smem:$0x3FAF]  }
0x30: {  	s3 =	sld [smem:$0x3FB2]  }
0x31: {  	[smem:$0x3FBB] =	sst s10  }
0x32: {  	s10 =	sld [smem:$0x3FB9];
	_ =	sdelay $0x3  }
0x33: {  	p0 =	seq.s32 s10, $0x1;
	s10 =	sld [smem:$0x3FBB];
	_ =	sdelay $0x3  }
0x34: {  	[smem:$0x3FBB] =	sst s10  }
0x35: {  	s10 =	sld [smem:$0x3FBA];
	_ =	sdelay $0x3  }
0x36: {  	p1 =	seq.s32 s10, $0x1;
	s10 =	sld [smem:$0x3FBB];
	_ =	sdelay $0x3  }
0x37: {  	[smem:$0x3FBB] =	sst s10  }
0x38: {  	s10 =	sld [smem:$0x3FBC]  }
0x39: {  	_ = 	snop;
	(pc) =	sbr.ind lr, $3  }
0x3a: {  	_ = 	snop  }
0x3b: {  	_ = 	snop  }
0x3c: {  	p2 =	seq.s32 s10, $0x1;
	s10 =	sld [smem:$0x3FBB]  }
0x3d: {  	_ =	shalt  }
0x3e: {  	_ =	shalt  }
0x3f: {  	_ =	shalt  }
0x40: {  	_ =	shalt  }
0x41: {  	_ =	shalt  }
0x42: {  	_ =	shalt  }
0x43: {  	_ =	shalt  }
0x44: {  	_ =	shalt  }
0x45: {  	_ =	shalt  }
0x46: {  	_ =	shalt  }
0x47: {  	_ =	shalt  }
0x48: {  	_ =	shalt  }
0x49: {  	_ =	shalt  }
0x4a: {  	_ =	shalt  }
0x4b: {  	_ =	shalt  }
0x4c: {  	_ =	shalt  }
0x4d: {  	_ =	shalt  }
0x4e: {  	_ =	shalt  }
0x4f: {  	_ =	shalt  }
0x50: {  	_ =	shalt  }
0x51: {  	_ =	shalt  }
0x52: {  	_ =	shalt  }
0x53: {  	_ =	shalt  }
0x54: {  	_ =	shalt  }
0x55: {  	_ =	shalt  }
0x56: {  	_ =	shalt  }
0x57: {  	_ =	shalt  }
0x58: {  	_ =	shalt  }
0x59: {  	_ =	shalt  }
0x5a: {  	_ =	shalt  }
0x5b: {  	_ =	shalt  }
0x5c: {  	_ =	shalt  }
0x5d: {  	_ =	shalt  }
0x5e: {  	_ =	shalt  }
0x5f: {  	_ =	shalt  }
0x60: {  	_ =	shalt  }
0x61: {  	_ =	shalt  }
0x62: {  	_ =	shalt  }
0x63: {  	_ =	shalt  }
0x64: {  	_ =	shalt  }
0x65: {  	_ =	shalt  }
0x66: {  	_ =	shalt  }
0x67: {  	_ =	shalt  }
0x68: {  	_ =	shalt  }
0x69: {  	_ =	shalt  }
0x6a: {  	_ =	shalt  }
0x6b: {  	_ =	shalt  }
0x6c: {  	_ =	shalt  }
0x6d: {  	_ =	shalt  }
0x6e: {  	_ =	shalt  }
0x6f: {  	_ =	shalt  }
0x70: {  	_ =	shalt  }
0x71: {  	_ =	shalt  }
0x72: {  	_ =	shalt  }
0x73: {  	_ =	shalt  }
0x74: {  	_ =	shalt  }
0x75: {  	_ =	shalt  }
0x76: {  	_ =	shalt  }
0x77: {  	_ =	shalt  }
0x78: {  	_ =	shalt  }
0x79: {  	_ =	shalt  }
0x7a: {  	_ =	shalt  }
0x7b: {  	_ =	shalt  }
0x7c: {  	_ =	shalt  }
0x7d: {  	_ =	shalt  }
0x7e: {  	_ =	shalt  }
0x7f: {  	_ =	shalt  }
0x80: {  	_ =	shalt  }
0x81: {  	_ =	shalt  }
0x82: {  	_ =	shalt  }
0x83: {  	_ =	shalt  }
0x84: {  	_ =	shalt  }
0x85: {  	_ =	shalt  }
0x86: {  	_ =	shalt  }
0x87: {  	_ =	shalt  }
.Lfunc_end0:
.L_simem_size_0:
called_computation_lowered:
.L_overlay_start_0:
0x88: {  	s2 =	sld [smem:$0x3FD9]  }
0x89: {  	s3 =	sld [smem:$0x3FFE];
	_ =	sdelay $0x1  }
0x8a: {  	s1 =	srdreg.scid  }
0x8b: {  	s0 =	sand.u32 $0x1, s1  }
0x8c: {  	s17 =	sshll.u32 s0, $0xA;
	s2 =	sadd.s32 s3, s2  }
0x8d: {  	s2 =	sadd.s32 s2, s17  }
0x8e: {  	[smem:$0x3FC7] =	sst s2  }
0x8f: {  	_ = 	snop  }
0x90: {  	s2 =	sld [smem:$0x3FC9];
	(tm) =	ssettm $0x1  }
0x91: {  	s18 =	sld [smem:$0x3FFB];
	_ =	sdelay $0x3  }
0x92: {  	_ =	strace s18  }
0x93: {  	s3 =	sld [smem:$0x3FFC];
	_ =	sdelay $0x3  }
0x94: {  	_ =	strace s3  }
0x95: {  	s3 =	sld [smem:$0x3FFD];
	_ =	sdelay $0x3  }
0x96: {  	_ =	strace s3  }
0x97: {  	_ =	strace $0x8FFFFFFF  }
0x98: {  	s19 =	sld [smem:$0x3FDB];
	_ =	sdelay $0x1  }
0x99: {  	s4 =	simm.s32 $_scs_section_size  }
0x9a: {  	s5 =	simm.s32 $_size__tile_overlayer_lowered;
	s6 =	simm.s32 $_tile_overlayer_lowered  }
0x9b: {  	s22 =	simm.s32 $0x1BFF;
	s21 =	sshll.u32 s6, $0x1;
	s3 =	sadd.s32 s4, s19  }
0x9c: {  	s7 =	simm.s32 $0x0;
	s20 =	sshll.u32 s5, $0x1;
	s5 =	sadd.s32 s21, s3  }
0x9d: {  	[timem:s7], [sflag:s22] =	dma.local [hbm:s5], s20  }
0x9e: {  	_ =	swait.ge [sflag:s22], s20  }
0x9f: {  	s4 =	ssub.s32 $0x0, s20;
	[sflag:s22] =	ssyncset.done $0x0  }
0xa0: {  	[sflag:s22] =	ssyncadd.s32 s4;
	_ =	sdelay $0x1  }
0xa1: {  	s23 =	simm.s32 $0x1B8B  }
0xa2: {  	_ =	swait.ge [sflag:s23], $0x1  }
0xa3: {  	[sflag:s23] =	ssyncset.done $0x0  }
0xa4: {  	s25 =	simm.s32 $0x1B8E;
	s24 =	sld [smem:$0x3FFE];
	[sflag:s23] =	ssyncadd.s32 $0xFFFFFFFF  }
0xa5: {  	s26 =	simm.s32 $execute0_lowered;
	[smem:$0x3FD2] =	sst s25  }
0xa6: {  	s5 =	sshll.u32 s26, $0x1;
	_ =	strace $0x80000046;
	[dreg:$0x1] =	wrdreg $0xFFFFFFFF  }
0xa7: {  	s28 =	simm.s32 $_size_execute0_lowered;
	s3 =	sadd.s32 s3, s5;
	[dreg:$0x0] =	wrdreg $0x0  }
0xa8: {  	s5 =	sshll.u32 s28, $0x1;
	[dreg:$0x2] =	wrdreg s3  }
0xa9: {  	[dreg:$0x3] =	wrdreg s5  }
0xaa: {  	[dreg:$0x4] =	wrdreg $0xC0  }
0xab: {  	_ =	task [dreg:s7], $0x5FFFF  }
0xac: {  	[dreg:$0x1] =	wrdreg $0xFFFFFFFF  }
0xad: {  	[dreg:$0x0] =	wrdreg $0x60  }
0xae: {  	[dreg:$0x2] =	wrdreg s2  }
0xaf: {  	[dreg:$0x3] =	wrdreg s24  }
0xb0: {  	[dreg:$0x4] =	wrdreg $0x9  }
0xb1: {  	_ =	task.clear_ibuf [dreg:s7], $0x5FFFF;
	_ =	strace $0x90000046  }
0xb2: {  	s29 =	simm.s32 $0x9;
	_ =	strace $0x80000048  }
0xb3: {  	_ =	swait.ge [sflag:s29], $0x1  }
0xb4: {  	[sflag:s29] =	ssyncadd.s32 $0xFFFFFFFF  }
0xb5: {  	_ =	strace $0x90000048  }
0xb6: {  	_ =	sfence  }
0xb7: {  	s30 =	sld [smem:$0x0];
	_ =	sdelay $0x2  }
0xb8: {  	s31 =	sshll.u32 s1, $0xD;
	s1 =	sshrl.u32 s1, $0x2  }
0xb9: {  	s3 =	sand.u32 $0x4000, s31;
	s1 =	sadd.s32 s1, s30  }
0xba: {  	s0 =	sor.u32 s3, s0;
	s1 =	sshll.u32 s1, $0x11  }
0xbb: {  	s0 =	sor.u32 s1, s0  }
0xbc: {  	s0 =	sadd.s32 $0x8F2B, s0  }
0xbd: {  	[sflag:s0] =	ssyncadd.remote.s32 $0x1  }
0xbe: {  	_ =	sfence.sel $0xFFFF  }
0xbf: {  	[dreg:$0x0] =	wrdreg $0xFFFFFFFF;
	(pc) =	sbr.abs _section_cstart, $3  }
0xc0: {  	[dreg:$0x1] =	wrdreg $0xFFFFFFFF  }
0xc1: {  	_ =	task.clear_ibuf [dreg:s7], $0x2FFFF;
	_ =	strace $0x9FFFFFFF  }
0xc2: {  	(tm) =	ssettm $0x7FFFFFFF  }
0xc3: {  	_ =	shalt  }
tec
execute0_lowered:
.L_overlay_start_1:
0x0: {  	(tag) =	ssettag $0x1  }
0x1: {  	s24 =	rddreg [dreg:$0x0]  }
0x2: {  	s7 =	rddreg [dreg:$0x1];
	s2 =	srdreg.scid  }
0x3: {  	s0 =	rddreg [dreg:$0x2];
	s1 =	stileid.u32;
	s28 =	sand.u32 $0x1, s2  }
0x4: {  	s2 =	simm.s32 $0x0;
	s3 =	sshll.u32 s1, $0x10;
	s4 =	sshll.u32 s28, $0xF  }
0x5: {  	[smem:$0x7FF] =	sst s2;
	s25 =	sor.u32 s4, s3  }
0x6: {  	_ =	strace $0x80000047;
	s3 =	sadd.s32 s24, s25;
	s11 =	sor.u32 $0x1000, s25  }
0x7: {  	[tilespmem:s2], [sflag:$0x1] =	stream.linear.gather [hbm4b:s3+s2], $0x8000, $0x38;
	[tilespmem:$0x18000] =	vst v63  }
0x8: {  	s5 =	simm.s32 $0x8000;
	s6 =	simm.s32 $0x1;
	s4 =	sadd.s32 s24, s11  }
0x9: {  	[tilespmem:s5], [sflag:$0x2] =	stream.linear.gather [hbm4b:s4+s2], $0x8000, $0x38;
	[tilespmem:$0x18000] =	vst v63  }
0xa: {  	_ =	swait.ge [sflag:s6], $0x8000  }
0xb: {  	s26 =	sadd.s32 $0x400, s7;
	[sflag:s6] =	ssyncset.done $0x0  }
0xc: {  	s7 =	sadd.s32 s26, s25;
	s15 =	sor.u32 $0x2000, s25;
	[sflag:s6] =	ssyncadd.s32 $0xFFFF8000  }
0xd: {  	[hbm4b:s7+s2] =	stream.linear.scatter [tilespmem:s2], [sflag:$0x4], $0x8000, $0x38;
	[tilespmem:$0x18000] =	vst v63  }
0xe: {  	s9 =	simm.s32 $0x10000;
	s10 =	simm.s32 $0x2;
	s8 =	sadd.s32 s24, s15  }
0xf: {  	[tilespmem:s9], [sflag:$0x3] =	stream.linear.gather [hbm4b:s8+s2], $0x8000, $0x38;
	[tilespmem:$0x18000] =	vst v63  }
0x10: {  	_ =	swait.ge [sflag:s10], $0x8000  }
0x11: {  	[sflag:s10] =	ssyncset.done $0x0  }
0x12: {  	s12 =	simm.s32 $0x4;
	s11 =	sadd.s32 s26, s11;
	[sflag:s10] =	ssyncadd.s32 $0xFFFF8000  }
0x13: {  	[hbm4b:s11+s2] =	stream.linear.scatter [tilespmem:s5], [sflag:$0x5], $0x8000, $0x38;
	[tilespmem:$0x18000] =	vst v63  }
0x14: {  	_ =	swait.ge [sflag:s12], $0x8000  }
0x15: {  	s18 =	sor.u32 $0x3000, s25;
	[sflag:s12] =	ssyncset.done $0x0  }
0x16: {  	s14 =	simm.s32 $0x3;
	s13 =	sadd.s32 s24, s18;
	[sflag:s12] =	ssyncadd.s32 $0xFFFF8000  }
0x17: {  	[tilespmem:s2], [sflag:$0x1] =	stream.linear.gather [hbm4b:s13+s2], $0x8000, $0x38;
	[tilespmem:$0x18000] =	vst v63  }
0x18: {  	_ =	swait.ge [sflag:s14], $0x8000  }
0x19: {  	[sflag:s14] =	ssyncset.done $0x0  }
0x1a: {  	s16 =	sadd.s32 s26, s15;
	s15 =	simm.s32 $0x5;
	[sflag:s14] =	ssyncadd.s32 $0xFFFF8000  }
0x1b: {  	[hbm4b:s16+s2] =	stream.linear.scatter [tilespmem:s9], [sflag:$0x6], $0x8000, $0x38;
	[tilespmem:$0x18000] =	vst v63  }
0x1c: {  	_ =	swait.ge [sflag:s15], $0x8000  }
0x1d: {  	s21 =	sor.u32 $0x4000, s25;
	[sflag:s15] =	ssyncset.done $0x0  }
0x1e: {  	s17 =	sadd.s32 s24, s21;
	[sflag:s15] =	ssyncadd.s32 $0xFFFF8000  }
0x1f: {  	[tilespmem:s5], [sflag:$0x2] =	stream.linear.gather [hbm4b:s17+s2], $0x8000, $0x38;
	[tilespmem:$0x18000] =	vst v63  }
0x20: {  	_ =	swait.ge [sflag:s6], $0x8000  }
0x21: {  	[sflag:s6] =	ssyncset.done $0x0  }
0x22: {  	s19 =	simm.s32 $0x6;
	s18 =	sadd.s32 s26, s18;
	[sflag:s6] =	ssyncadd.s32 $0xFFFF8000  }
0x23: {  	[hbm4b:s18+s2] =	stream.linear.scatter [tilespmem:s2], [sflag:$0x4], $0x8000, $0x38;
	[tilespmem:$0x18000] =	vst v63  }
0x24: {  	_ =	swait.ge [sflag:s19], $0x8000  }
0x25: {  	s23 =	sor.u32 $0x5000, s25;
	[sflag:s19] =	ssyncset.done $0x0  }
0x26: {  	s20 =	sadd.s32 s24, s23;
	[sflag:s19] =	ssyncadd.s32 $0xFFFF8000  }
0x27: {  	[tilespmem:s9], [sflag:$0x3] =	stream.linear.gather [hbm4b:s20+s2], $0x8000, $0x38;
	[tilespmem:$0x18000] =	vst v63  }
0x28: {  	_ =	swait.ge [sflag:s10], $0x8000  }
0x29: {  	[sflag:s10] =	ssyncset.done $0x0  }
0x2a: {  	s21 =	sadd.s32 s26, s21;
	[sflag:s10] =	ssyncadd.s32 $0xFFFF8000  }
0x2b: {  	[hbm4b:s21+s2] =	stream.linear.scatter [tilespmem:s5], [sflag:$0x5], $0x8000, $0x38;
	[tilespmem:$0x18000] =	vst v63  }
0x2c: {  	_ =	swait.ge [sflag:s12], $0x8000  }
0x2d: {  	s29 =	sor.u32 $0x6000, s25;
	[sflag:s12] =	ssyncset.done $0x0  }
0x2e: {  	s22 =	sadd.s32 s24, s29;
	[sflag:s12] =	ssyncadd.s32 $0xFFFF8000  }
0x2f: {  	[tilespmem:s2], [sflag:$0x1] =	stream.linear.gather [hbm4b:s22+s2], $0x8000, $0x38;
	[tilespmem:$0x18000] =	vst v63  }
0x30: {  	_ =	swait.ge [sflag:s14], $0x8000  }
0x31: {  	[sflag:s14] =	ssyncset.done $0x0  }
0x32: {  	s23 =	sadd.s32 s26, s23;
	[sflag:s14] =	ssyncadd.s32 $0xFFFF8000  }
0x33: {  	[hbm4b:s23+s2] =	stream.linear.scatter [tilespmem:s9], [sflag:$0x6], $0x8000, $0x38;
	[tilespmem:$0x18000] =	vst v63  }
0x34: {  	_ =	swait.ge [sflag:s15], $0x8000  }
0x35: {  	s30 =	sor.u32 $0x7000, s25;
	[sflag:s15] =	ssyncset.done $0x0  }
0x36: {  	s24 =	sadd.s32 s24, s30;
	[sflag:s15] =	ssyncadd.s32 $0xFFFF8000  }
0x37: {  	[tilespmem:s5], [sflag:$0x2] =	stream.linear.gather [hbm4b:s24+s2], $0x8000, $0x38;
	[tilespmem:$0x18000] =	vst v63  }
0x38: {  	_ =	swait.ge [sflag:s6], $0x8000  }
0x39: {  	[sflag:s6] =	ssyncset.done $0x0  }
0x3a: {  	s25 =	sadd.s32 s26, s29;
	[sflag:s6] =	ssyncadd.s32 $0xFFFF8000  }
0x3b: {  	[hbm4b:s25+s2] =	stream.linear.scatter [tilespmem:s2], [sflag:$0x4], $0x8000, $0x38;
	[tilespmem:$0x18000] =	vst v63  }
0x3c: {  	_ =	swait.ge [sflag:s10], $0x8000  }
0x3d: {  	s28 =	ssub.s32 $0x2, s28;
	[sflag:s10] =	ssyncset.done $0x0  }
0x3e: {  	s31 =	sshrl.u32 s28, $0x1;
	s26 =	sadd.s32 s26, s30;
	[sflag:s10] =	ssyncadd.s32 $0xFFFF8000  }
0x3f: {  	[hbm4b:s26+s2] =	stream.linear.scatter [tilespmem:s5], [sflag:$0x5], $0x8000, $0x38;
	[tilespmem:$0x18000] =	vst v63  }
0x40: {  	s28 =	ssub.s32 s28, s31;
	_ =	swait.ge [sflag:s19], $0x8000  }
0x41: {  	s28 =	smax.u32 s28, $0x1;
	[sflag:s19] =	ssyncset.done $0x0  }
0x42: {  	p0 =	sne.s32 s28, $0x1;
	[sflag:s19] =	ssyncadd.s32 $0xFFFF8000  }
.Ltmp0:
0x43: {  	_ =	swait.ge [sflag:s12], $0x8000;
	(pc) =	sbr.rel @!p0 .LBB2_2-.Ltmp0, $4  }
0x44: {  	[sflag:s12] =	ssyncset.done $0x0  }
0x45: {  	[sflag:s12] =	ssyncadd.s32 $0xFFFF8000  }
0x46: {  	_ =	swait.ge [sflag:s15], $0x8000  }
0x47: {  	s28 =	sadd.s32 $0xFFFFFFFF, s28;
	[sflag:s15] =	ssyncset.done $0x0  }
.LBB2_1:
0x48: {  	p0 =	sne.s32 s28, $0x1;
	s28 =	sadd.s32 $0xFFFFFFFF, s28;
	[sflag:s15] =	ssyncadd.s32 $0xFFFF8000  }
0x49: {  	[tilespmem:s2], [sflag:$0x1] =	stream.linear.gather [hbm4b:s3+s2], $0x8000, $0x38;
	[tilespmem:$0x18000] =	vst v63  }
0x4a: {  	_ = 	snop  }
0x4b: {  	[tilespmem:s5], [sflag:$0x2] =	stream.linear.gather [hbm4b:s4+s2], $0x8000, $0x38;
	[tilespmem:$0x18000] =	vst v63  }
0x4c: {  	_ =	swait.ge [sflag:s6], $0x8000  }
0x4d: {  	[sflag:s6] =	ssyncset.done $0x0  }
0x4e: {  	[sflag:s6] =	ssyncadd.s32 $0xFFFF8000  }
0x4f: {  	[hbm4b:s7+s2] =	stream.linear.scatter [tilespmem:s2], [sflag:$0x4], $0x8000, $0x38;
	[tilespmem:$0x18000] =	vst v63  }
0x50: {  	_ = 	snop  }
0x51: {  	[tilespmem:s9], [sflag:$0x3] =	stream.linear.gather [hbm4b:s8+s2], $0x8000, $0x38;
	[tilespmem:$0x18000] =	vst v63  }
0x52: {  	_ =	swait.ge [sflag:s10], $0x8000  }
0x53: {  	[sflag:s10] =	ssyncset.done $0x0  }
0x54: {  	[sflag:s10] =	ssyncadd.s32 $0xFFFF8000  }
0x55: {  	[hbm4b:s11+s2] =	stream.linear.scatter [tilespmem:s5], [sflag:$0x5], $0x8000, $0x38;
	[tilespmem:$0x18000] =	vst v63  }
0x56: {  	_ =	swait.ge [sflag:s12], $0x8000  }
0x57: {  	[sflag:s12] =	ssyncset.done $0x0  }
0x58: {  	[sflag:s12] =	ssyncadd.s32 $0xFFFF8000  }
0x59: {  	[tilespmem:s2], [sflag:$0x1] =	stream.linear.gather [hbm4b:s13+s2], $0x8000, $0x38;
	[tilespmem:$0x18000] =	vst v63  }
0x5a: {  	_ =	swait.ge [sflag:s14], $0x8000  }
0x5b: {  	[sflag:s14] =	ssyncset.done $0x0  }
0x5c: {  	[sflag:s14] =	ssyncadd.s32 $0xFFFF8000  }
0x5d: {  	[hbm4b:s16+s2] =	stream.linear.scatter [tilespmem:s9], [sflag:$0x6], $0x8000, $0x38;
	[tilespmem:$0x18000] =	vst v63  }
0x5e: {  	_ =	swait.ge [sflag:s15], $0x8000  }
0x5f: {  	[sflag:s15] =	ssyncset.done $0x0  }
0x60: {  	[sflag:s15] =	ssyncadd.s32 $0xFFFF8000  }
0x61: {  	[tilespmem:s5], [sflag:$0x2] =	stream.linear.gather [hbm4b:s17+s2], $0x8000, $0x38;
	[tilespmem:$0x18000] =	vst v63  }
0x62: {  	_ =	swait.ge [sflag:s6], $0x8000  }
0x63: {  	[sflag:s6] =	ssyncset.done $0x0  }
0x64: {  	[sflag:s6] =	ssyncadd.s32 $0xFFFF8000  }
0x65: {  	[hbm4b:s18+s2] =	stream.linear.scatter [tilespmem:s2], [sflag:$0x4], $0x8000, $0x38;
	[tilespmem:$0x18000] =	vst v63  }
0x66: {  	_ =	swait.ge [sflag:s19], $0x8000  }
0x67: {  	[sflag:s19] =	ssyncset.done $0x0  }
0x68: {  	[sflag:s19] =	ssyncadd.s32 $0xFFFF8000  }
0x69: {  	[tilespmem:s9], [sflag:$0x3] =	stream.linear.gather [hbm4b:s20+s2], $0x8000, $0x38;
	[tilespmem:$0x18000] =	vst v63  }
0x6a: {  	_ =	swait.ge [sflag:s10], $0x8000  }
0x6b: {  	[sflag:s10] =	ssyncset.done $0x0  }
0x6c: {  	[sflag:s10] =	ssyncadd.s32 $0xFFFF8000  }
0x6d: {  	[hbm4b:s21+s2] =	stream.linear.scatter [tilespmem:s5], [sflag:$0x5], $0x8000, $0x38;
	[tilespmem:$0x18000] =	vst v63  }
0x6e: {  	_ =	swait.ge [sflag:s12], $0x8000  }
0x6f: {  	[sflag:s12] =	ssyncset.done $0x0  }
0x70: {  	[sflag:s12] =	ssyncadd.s32 $0xFFFF8000  }
0x71: {  	[tilespmem:s2], [sflag:$0x1] =	stream.linear.gather [hbm4b:s22+s2], $0x8000, $0x38;
	[tilespmem:$0x18000] =	vst v63  }
0x72: {  	_ =	swait.ge [sflag:s14], $0x8000  }
0x73: {  	[sflag:s14] =	ssyncset.done $0x0  }
0x74: {  	[sflag:s14] =	ssyncadd.s32 $0xFFFF8000  }
0x75: {  	[hbm4b:s23+s2] =	stream.linear.scatter [tilespmem:s9], [sflag:$0x6], $0x8000, $0x38;
	[tilespmem:$0x18000] =	vst v63  }
0x76: {  	_ =	swait.ge [sflag:s15], $0x8000  }
0x77: {  	[sflag:s15] =	ssyncset.done $0x0  }
0x78: {  	[sflag:s15] =	ssyncadd.s32 $0xFFFF8000  }
0x79: {  	[tilespmem:s5], [sflag:$0x2] =	stream.linear.gather [hbm4b:s24+s2], $0x8000, $0x38;
	[tilespmem:$0x18000] =	vst v63  }
0x7a: {  	_ =	swait.ge [sflag:s6], $0x8000  }
0x7b: {  	[sflag:s6] =	ssyncset.done $0x0  }
0x7c: {  	[sflag:s6] =	ssyncadd.s32 $0xFFFF8000  }
0x7d: {  	[hbm4b:s25+s2] =	stream.linear.scatter [tilespmem:s2], [sflag:$0x4], $0x8000, $0x38;
	[tilespmem:$0x18000] =	vst v63  }
0x7e: {  	_ =	swait.ge [sflag:s10], $0x8000  }
0x7f: {  	[sflag:s10] =	ssyncset.done $0x0  }
0x80: {  	[sflag:s10] =	ssyncadd.s32 $0xFFFF8000  }
0x81: {  	[hbm4b:s26+s2] =	stream.linear.scatter [tilespmem:s5], [sflag:$0x5], $0x8000, $0x38;
	[tilespmem:$0x18000] =	vst v63  }
0x82: {  	_ =	swait.ge [sflag:s19], $0x8000  }
0x83: {  	[sflag:s19] =	ssyncset.done $0x0  }
0x84: {  	[sflag:s19] =	ssyncadd.s32 $0xFFFF8000  }
.Ltmp1:
0x85: {  	_ =	swait.ge [sflag:s12], $0x8000;
	(pc) =	sbr.rel @p0 .LBB2_1-.Ltmp1, $4  }
0x86: {  	[sflag:s12] =	ssyncset.done $0x0  }
0x87: {  	[sflag:s12] =	ssyncadd.s32 $0xFFFF8000  }
0x88: {  	_ =	swait.ge [sflag:s15], $0x8000  }
0x89: {  	[sflag:s15] =	ssyncset.done $0x0  }
.LBB2_2:
0x8a: {  	[sflag:s15] =	ssyncadd.s32 $0xFFFF8000  }
0x8b: {  	_ =	sfence.sel $0x180000  }
0x8c: {  	[bflag:$0x0] =	sbarrier.arrive $0xFFFF  }
0x8d: {  	p0 =	sne.s32 s1, $0x0;
	_ =	strace $0x90000047  }
0x8e: {  	s0 =	sadd.s32 @!p0 $0x100000, s0;
	[bflag:$0x2] =	sbarrier.arrive $0xFFFF  }
0x8f: {  	[sflag:s0] =	ssyncadd.tile.s32 @!p0 $0x1;
	_ =	shalt  }
.Lfunc_end2:
_tile_overlayer_lowered:
.L_overlay_start_2:
0x90: {  	(tag) =	ssettag $0x2  }
0x91: {  	s0 =	rddreg [dreg:$0x0];
	s2 =	stileid.u32  }
0x92: {  	s1 =	rddreg [dreg:$0x1];
	p0 =	sne.s32 s2, $0x0  }
0x93: {  	s3 =	rddreg [dreg:$0x2];
	[bflag:$0x3] =	sbarrier.arrive $0xFFFF;
	s2 =	simm.s32 @!p0 $0x1C07  }
0x94: {  	[timem:s3], [sflag:s2] =	dma.local @!p0 [hbm:s0], s1  }
0x95: {  	s0 =	simm.s32 @!p0 $0x7  }
0x96: {  	_ =	swait.ge @!p0 [sflag:s0], s1  }
0x97: {  	s1 =	ssub.s32 @!p0 $0x0, s1;
	[sflag:s0] =	ssyncset.done @!p0 $0x0  }
0x98: {  	[sflag:s0] =	ssyncadd.s32 @!p0 s1  }
0x99: {  	[bflag:$0x3] =	sbarrier.arrive $0xFFFF  }
0x9a: {  	_ =	shalt  }

</sc_bundles>
